<compile_context>
chip_gen: v7x
topology: tpu7x:2x2x1
jax: 0.10.2.dev20260603
libtpu: 0.0.44.dev20260713+nightly
codegen_flags: <defaults>
</compile_context>

<pallas_src>
import functools

import jax
import jax.numpy as jnp
from jax import lax
from jax.experimental import pallas as pl
from jax.experimental.pallas import tpu as pltpu
from jax.experimental.pallas import tpu_sc as plsc

_N = 10000
_E = 320000
_DF = 128
_G = 16
_LAT = 64
_EPS = 1e-5

_NC = 2
_NS = 16
_NW = _NC * _NS
_CW = 128
_CPW = 80
_EP = _NW * _CPW * _CW
_NP = 10112
_RPT = _NP // _NS
_K = 8



def _deg_impl(dst2d, ones_c, zrows, out, dst_all, ones_v, acc):
    cid = lax.axis_index("c")
    sid = lax.axis_index("s")
    wid = cid * _NS + sid
    pltpu.sync_copy(ones_c, ones_v)
    pltpu.sync_copy(dst2d.at[pl.ds(wid * _CPW, _CPW)], dst_all)
    pltpu.sync_copy(zrows.at[pl.ds(sid * _RPT, _RPT)],
                    acc.at[pl.ds(sid * _RPT, _RPT)])
    plsc.subcore_barrier()

    def body(j, carry):
        pltpu.sync_copy(ones_v, acc.at[dst_all.at[j]], add=True)
        return carry

    lax.fori_loop(0, _CPW, body, 0)
    plsc.subcore_barrier()
    pltpu.sync_copy(acc.at[pl.ds(sid * _RPT, _RPT)],
                    out.at[cid, pl.ds(sid * _RPT, _RPT)])


def _make_deg():
    mesh = plsc.VectorSubcoreMesh(core_axis_name="c", subcore_axis_name="s")
    return pl.kernel(
        _deg_impl,
        out_type=jax.ShapeDtypeStruct((_NC, _NP, 32), jnp.float32),
        mesh=mesh,
        compiler_params=pltpu.CompilerParams(use_tc_tiling_on_sc=False),
        scratch_types=[
            pltpu.VMEM((_CPW, _CW), jnp.int32),
            pltpu.VMEM((_CW, 32), jnp.float32),
            pltpu.VMEM_SHARED((_NP, 32), jnp.float32),
        ],
    )


def _conv_impl(g, src2d, dst2d, zrows, out, src_all, dst_all, rows, acc,
               *sems):
    gsem = sems
    cid = lax.axis_index("c")
    sid = lax.axis_index("s")
    wid = cid * _NS + sid
    pltpu.sync_copy(src2d.at[pl.ds(wid * _CPW, _CPW)], src_all)
    pltpu.sync_copy(dst2d.at[pl.ds(wid * _CPW, _CPW)], dst_all)
    pltpu.sync_copy(zrows.at[pl.ds(sid * _RPT, _RPT)],
                    acc.at[pl.ds(sid * _RPT, _RPT)])
    plsc.subcore_barrier()

    for b in range(_K):
        pltpu.async_copy(g.at[src_all.at[b]], rows.at[b], gsem[b])

    def body(i, carry):
        for u in range(_K):
            c = i * _K + u
            b = u
            pltpu.make_async_copy(g.at[src_all.at[c]], rows.at[b],
                                  gsem[b]).wait()
            pltpu.sync_copy(rows.at[b], acc.at[dst_all.at[c]], add=True)

            @pl.when(c + _K < _CPW)
            def _():
                pltpu.async_copy(g.at[src_all.at[c + _K]], rows.at[b],
                                 gsem[b])
        return carry

    lax.fori_loop(0, _CPW // _K, body, 0)
    plsc.subcore_barrier()
    pltpu.sync_copy(acc.at[pl.ds(sid * _RPT, _RPT)],
                    out.at[cid, pl.ds(sid * _RPT, _RPT)])


def _make_conv(feat):
    mesh = plsc.VectorSubcoreMesh(core_axis_name="c", subcore_axis_name="s")
    return pl.kernel(
        _conv_impl,
        out_type=jax.ShapeDtypeStruct((_NC, _NP, feat), jnp.float32),
        mesh=mesh,
        compiler_params=pltpu.CompilerParams(use_tc_tiling_on_sc=False),
        scratch_types=[
            pltpu.VMEM((_CPW, _CW), jnp.int32),
            pltpu.VMEM((_CPW, _CW), jnp.int32),
            pltpu.VMEM((_K, _CW, feat), jnp.float32),
            pltpu.VMEM_SHARED((_NP, feat), jnp.float32),
        ] + [pltpu.SemaphoreType.DMA] * _K,
    )



def _dense1_impl(degp_ref, x_ref, w1_ref, g1_ref, dinv_ref):
    degp = degp_ref[...]
    deg = degp[0, :_N, :1] + degp[1, :_N, :1] + 1.0
    dinv = lax.rsqrt(deg)
    h = jnp.dot(x_ref[...], w1_ref[...], preferred_element_type=jnp.float32)
    g1_ref[...] = h * dinv
    dinv_ref[...] = dinv


def _dense2_impl(accp_ref, g1_ref, dinv_ref, b1_ref, gamma_ref, beta_ref,
                 w2_ref, g2_ref):
    ap = accp_ref[...]
    dinv = dinv_ref[...]
    h = dinv * (ap[0, :_N] + ap[1, :_N] + g1_ref[...]) + b1_ref[...]
    mean = jnp.mean(h, axis=0, keepdims=True)
    c = h - mean
    var = jnp.mean(c * c, axis=0, keepdims=True)
    h = c * lax.rsqrt(var + _EPS) * gamma_ref[...] + beta_ref[...]
    h = jnp.maximum(h, 0.0)
    g2_ref[...] = jnp.dot(h, w2_ref[...],
                          preferred_element_type=jnp.float32) * dinv


def _dense3_impl(accp_ref, g2_ref, dinv_ref, b2_ref, batch_ref, wf1_ref,
                 bf1_ref, wf2_ref, bf2_ref, mu_ref, ls_ref):
    ap = accp_ref[...]
    out2 = dinv_ref[...] * (ap[0, :_N] + ap[1, :_N] + g2_ref[...]) + b2_ref[...]
    b = batch_ref[...]
    oh = (lax.broadcasted_iota(jnp.int32, (_G, _N), 0)
          == b[None, :]).astype(jnp.float32)
    counts = jnp.sum(oh, axis=1, keepdims=True)
    pooled = jnp.dot(oh, out2, preferred_element_type=jnp.float32)
    pooled = pooled / jnp.maximum(counts, 1.0)
    h = jnp.dot(pooled, wf1_ref[...], preferred_element_type=jnp.float32)
    h = jnp.maximum(h + bf1_ref[...], 0.0)
    o = jnp.dot(h, wf2_ref[...], preferred_element_type=jnp.float32)
    o = o + bf2_ref[...]
    mu_ref[...] = o[:, :_LAT]
    ls_ref[...] = o[:, _LAT:]


def _tc_call(body, out_shapes):
    return pl.pallas_call(body, out_shape=out_shapes)



@jax.jit
def kernel(x, edge_index, batch, W1, b1, gamma, beta, W2, b2, Wf1, bf1,
           Wf2, bf2):
    pad = _EP - _E
    pad_src = jnp.arange(pad, dtype=jnp.int32) % _N
    pad_dst = _N + (jnp.arange(pad, dtype=jnp.int32) % (_NP - _N))
    src2d = jnp.concatenate(
        [edge_index[0], pad_src]).reshape(_EP // _CW, _CW)
    dst2d = jnp.concatenate(
        [edge_index[1], pad_dst]).reshape(_EP // _CW, _CW)
    z32 = jnp.zeros((_NP, 32), jnp.float32)
    z64 = jnp.zeros((_NP, 64), jnp.float32)

    ones_c = jnp.ones((_CW, 32), jnp.float32)
    degp = _make_deg()(dst2d, ones_c, z32)

    g1, dinv = _tc_call(
        _dense1_impl,
        (jax.ShapeDtypeStruct((_N, 32), jnp.float32),
         jax.ShapeDtypeStruct((_N, 1), jnp.float32)),
    )(degp, x, W1)

    acc1 = _make_conv(32)(g1, src2d, dst2d, z32)

    g2 = _tc_call(
        _dense2_impl,
        jax.ShapeDtypeStruct((_N, 64), jnp.float32),
    )(acc1, g1, dinv, b1.reshape(1, 32), gamma.reshape(1, 32),
      beta.reshape(1, 32), W2)

    acc2 = _make_conv(64)(g2, src2d, dst2d, z64)

    mu, ls = _tc_call(
        _dense3_impl,
        (jax.ShapeDtypeStruct((_G, _LAT), jnp.float32),
         jax.ShapeDtypeStruct((_G, _LAT), jnp.float32)),
    )(acc2, g2, dinv, b2.reshape(1, 64), batch, Wf1, bf1.reshape(1, 128),
      Wf2, bf2.reshape(1, 2 * _LAT))

    return (mu, ls)

# --- scband reference (transcript-rebuilt; emitter-appended) ---
"""Pipeline reference for scband-encoder-12446815224230 (READ-ONLY COPY).

The authoritative reference and input builder live on the scoring server;
editing this copy changes nothing except your own understanding.
"""

import jax, jax.numpy as jnp
import numpy as np

N = 10000
E = 320000
D_FEAT = 128
G = 16
LATENT = 64
EPS = 1e-5


def setup_inputs(seed: int = 0):
    key = jax.random.key(seed)
    ks = jax.random.split(key, 8)
    x = jax.random.normal(ks[0], (N, D_FEAT), dtype=jnp.float32)
    edge_index = jax.random.randint(ks[1], (2, E), 0, N, dtype=jnp.int32)
    batch = jnp.sort(jax.random.randint(ks[2], (N,), 0, G, dtype=jnp.int32))
    W1 = jax.random.normal(ks[3], (D_FEAT, 32), dtype=jnp.float32) * 0.05
    b1 = jnp.zeros((32,), dtype=jnp.float32)
    gamma = jnp.ones((32,), dtype=jnp.float32)
    beta = jnp.zeros((32,), dtype=jnp.float32)
    W2 = jax.random.normal(ks[4], (32, 64), dtype=jnp.float32) * 0.05
    b2 = jnp.zeros((64,), dtype=jnp.float32)
    Wf1 = jax.random.normal(ks[5], (64, 128), dtype=jnp.float32) * 0.05
    bf1 = jnp.zeros((128,), dtype=jnp.float32)
    Wf2 = jax.random.normal(ks[6], (128, 2 * LATENT), dtype=jnp.float32) * 0.05
    bf2 = jnp.zeros((2 * LATENT,), dtype=jnp.float32)
    return {"x": x, "edge_index": edge_index, "batch": batch, "W1": W1, "b1": b1, "gamma": gamma, "beta": beta, "W2": W2, "b2": b2, "Wf1": Wf1, "bf1": bf1, "Wf2": Wf2, "bf2": bf2}


def _gcn_conv(x, edge_index, W, b):
    # GCNConv: x' = D^{-1/2} (A + I) D^{-1/2} X W + b
    h = x @ W
    loops = jnp.arange(N, dtype=edge_index.dtype)
    src = jnp.concatenate([edge_index[0], loops])
    dst = jnp.concatenate([edge_index[1], loops])
    deg = jnp.zeros((N,), dtype=h.dtype).at[dst].add(1.0)
    dinv = jax.lax.rsqrt(deg)
    norm = dinv[src] * dinv[dst]
    msg = h[src] * norm[:, None]
    out = jnp.zeros((N, h.shape[1]), dtype=h.dtype).at[dst].add(msg)
    return out + b


def reference(x, edge_index, batch, W1, b1, gamma, beta, W2, b2, Wf1, bf1, Wf2, bf2):
    h = _gcn_conv(x, edge_index, W1, b1)
    # BatchNorm (training mode: batch statistics over node dim)
    mean = jnp.mean(h, axis=0)
    var = jnp.var(h, axis=0)
    h = (h - mean) * jax.lax.rsqrt(var + EPS) * gamma + beta
    h = jax.nn.relu(h)
    h = _gcn_conv(h, edge_index, W2, b2)
    # global_mean_pool over graph ids
    sums = jax.ops.segment_sum(h, batch, num_segments=G)
    counts = jax.ops.segment_sum(jnp.ones((N,), dtype=h.dtype), batch, num_segments=G)
    pooled = sums / jnp.maximum(counts, 1.0)[:, None]
    h = jax.nn.relu(pooled @ Wf1 + bf1)
    out = h @ Wf2 + bf2
    mu = out[:, :LATENT]
    log_sigma = out[:, LATENT:]
    return (mu, log_sigma)

if __name__ == "__main__":
    import jax
    _d = setup_inputs()
    print(jax.jit(kernel)(*tuple(_d.values())))

</pallas_src>

<mosaic_0001>
#map = affine_map<(d0, d1) -> (0, 0)>
#map1 = affine_map<(d0, d1) -> (0, 0, 0)>
module attributes {stable_mosaic.version = 14 : i64} {
  func.func @_deg_impl(%arg0: i32, %arg1: i32, %arg2: memref<2560x128xi32, #tpu.memory_space<hbm>>, %arg3: memref<128x32xf32, #tpu.memory_space<hbm>>, %arg4: memref<10112x32xf32, #tpu.memory_space<hbm>>, %arg5: memref<2x10112x32xf32, #tpu.memory_space<hbm>>, %arg6: memref<80x128xi32, #tpu.memory_space<vmem>>, %arg7: memref<128x32xf32, #tpu.memory_space<vmem>>, %arg8: memref<10112x32xf32, #tpu.memory_space<vmem_shared>>) attributes {dimension_semantics = [#tpu.dimension_semantics<core_parallel>, #tpu.dimension_semantics<subcore_parallel>], iteration_bounds = array<i64: 2, 16>, scalar_prefetch = 0 : i64, scratch_operands = 3 : i64, tpu.core_type = #tpu.core_type<sc_vector_subcore>, window_params = [{transform_indices = #map}, {transform_indices = #map}, {transform_indices = #map}, {transform_indices = #map1}]} {
    %mul3A = arith.constant 16 : i32
    %mul3A_0 = arith.muli %arg0, %mul3A : i32
    %add3A = arith.addi %mul3A_0, %arg1 : i32
    "tpu.region"() ({
      %run_scoped3A = tpu.sem_alloc : memref<!tpu.dma_semaphore, #tpu.memory_space<semaphore_mem>>
      tpu.enqueue_dma source(%arg3 : memref<128x32xf32, #tpu.memory_space<hbm>>) target(%arg7 : memref<128x32xf32, #tpu.memory_space<vmem>>) target_semaphore(%run_scoped3A : memref<!tpu.dma_semaphore, #tpu.memory_space<semaphore_mem>>)
      tpu.wait_dma2 semaphore(%run_scoped3A : memref<!tpu.dma_semaphore, #tpu.memory_space<semaphore_mem>>) src(%arg3 : memref<128x32xf32, #tpu.memory_space<hbm>>) dst(%arg7 : memref<128x32xf32, #tpu.memory_space<vmem>>)
      tpu.yield
    }) : () -> ()
    %mul3A_1 = arith.constant 80 : i32
    %mul3A_2 = arith.muli %add3A, %mul3A_1 : i32
    "tpu.region"() ({
      %run_scoped3A = tpu.sem_alloc : memref<!tpu.dma_semaphore, #tpu.memory_space<semaphore_mem>>
      %dma_start3A = arith.constant 0 : i32
      %dma_start3A_17 = tpu.memref_slice %arg2[%mul3A_2, %dma_start3A] : memref<2560x128xi32, #tpu.memory_space<hbm>> -> memref<80x128xi32, #tpu.memory_space<hbm>>
      %dma_start3A_18 = arith.constant 0 : i32
      %dma_start3A_19 = tpu.memref_slice %arg2[%mul3A_2, %dma_start3A_18] : memref<2560x128xi32, #tpu.memory_space<hbm>> -> memref<80x128xi32, #tpu.memory_space<hbm>>
      tpu.enqueue_dma source(%dma_start3A_19 : memref<80x128xi32, #tpu.memory_space<hbm>>) target(%arg6 : memref<80x128xi32, #tpu.memory_space<vmem>>) target_semaphore(%run_scoped3A : memref<!tpu.dma_semaphore, #tpu.memory_space<semaphore_mem>>)
      %dma_wait3A = arith.constant 0 : i32
      %dma_wait3A_20 = tpu.memref_slice %arg2[%mul3A_2, %dma_wait3A] : memref<2560x128xi32, #tpu.memory_space<hbm>> -> memref<80x128xi32, #tpu.memory_space<hbm>>
      %dma_wait3A_21 = arith.constant 0 : i32
      %dma_wait3A_22 = tpu.memref_slice %arg2[%mul3A_2, %dma_wait3A_21] : memref<2560x128xi32, #tpu.memory_space<hbm>> -> memref<80x128xi32, #tpu.memory_space<hbm>>
      tpu.wait_dma2 semaphore(%run_scoped3A : memref<!tpu.dma_semaphore, #tpu.memory_space<semaphore_mem>>) src(%dma_wait3A_22 : memref<80x128xi32, #tpu.memory_space<hbm>>) dst(%arg6 : memref<80x128xi32, #tpu.memory_space<vmem>>)
      tpu.yield
    }) : () -> ()
    %mul3A_3 = arith.constant 632 : i32
    %mul3A_4 = arith.muli %arg1, %mul3A_3 : i32
    %mul3A_5 = arith.constant 632 : i32
    %mul3A_6 = arith.muli %arg1, %mul3A_5 : i32
    "tpu.region"() ({
      %run_scoped3A = tpu.sem_alloc : memref<!tpu.dma_semaphore, #tpu.memory_space<semaphore_mem>>
      %dma_start3A = arith.constant 0 : i32
      %dma_start3A_17 = tpu.memref_slice %arg8[%mul3A_6, %dma_start3A] : memref<10112x32xf32, #tpu.memory_space<vmem_shared>> -> memref<632x32xf32, #tpu.memory_space<vmem_shared>>
      %dma_start3A_18 = arith.constant 0 : i32
      %dma_start3A_19 = tpu.memref_slice %arg4[%mul3A_4, %dma_start3A_18] : memref<10112x32xf32, #tpu.memory_space<hbm>> -> memref<632x32xf32, #tpu.memory_space<hbm>>
      tpu.enqueue_dma source(%dma_start3A_19 : memref<632x32xf32, #tpu.memory_space<hbm>>) target(%dma_start3A_17 : memref<632x32xf32, #tpu.memory_space<vmem_shared>>) target_semaphore(%run_scoped3A : memref<!tpu.dma_semaphore, #tpu.memory_space<semaphore_mem>>)
      %dma_wait3A = arith.constant 0 : i32
      %dma_wait3A_20 = tpu.memref_slice %arg8[%mul3A_6, %dma_wait3A] : memref<10112x32xf32, #tpu.memory_space<vmem_shared>> -> memref<632x32xf32, #tpu.memory_space<vmem_shared>>
      %dma_wait3A_21 = arith.constant 0 : i32
      %dma_wait3A_22 = tpu.memref_slice %arg4[%mul3A_4, %dma_wait3A_21] : memref<10112x32xf32, #tpu.memory_space<hbm>> -> memref<632x32xf32, #tpu.memory_space<hbm>>
      tpu.wait_dma2 semaphore(%run_scoped3A : memref<!tpu.dma_semaphore, #tpu.memory_space<semaphore_mem>>) src(%dma_wait3A_22 : memref<632x32xf32, #tpu.memory_space<hbm>>) dst(%dma_wait3A_20 : memref<632x32xf32, #tpu.memory_space<vmem_shared>>)
      tpu.yield
    }) : () -> ()
    %barrier3A = arith.constant 0 : index
    tpu.barrier barrier_id(%barrier3A)
    %scan3A = arith.constant 0 : i32
    %scan3A_7 = arith.constant 0 : i32
    %scan3A_8 = arith.constant 80 : i32
    %scan3A_9 = arith.addi %scan3A_7, %scan3A_8 : i32
    %scan3A_10 = arith.constant 1 : i32
    scf.for %scan3A_17 = %scan3A_7 to %scan3A_9 step %scan3A_10  : i32 {
      "tpu.region"() ({
        %run_scoped3A = tpu.sem_alloc : memref<!tpu.dma_semaphore, #tpu.memory_space<semaphore_mem>>
        %dma_start3A = arith.constant 0 : i32
        %dma_start3A_18 = tpu.memref_slice %arg6[%scan3A_17, %dma_start3A] : memref<80x128xi32, #tpu.memory_space<vmem>> -> memref<1x128xi32, #tpu.memory_space<vmem>>
        %dma_start3A_19 = tpu.memref_squeeze %dma_start3A_18 : memref<1x128xi32, #tpu.memory_space<vmem>> -> memref<128xi32, #tpu.memory_space<vmem>>
        %dma_start3A_20 = arith.constant 0 : i32
        %dma_start3A_21 = arith.constant 0 : i32
        %dma_start3A_22 = tpu.memref_slice %arg8[%dma_start3A_20, %dma_start3A_21] : memref<10112x32xf32, #tpu.memory_space<vmem_shared>> -> memref<10112x32xf32, #tpu.memory_space<vmem_shared>>
        tpu.enqueue_indirect_dma source(%arg7 : memref<128x32xf32, #tpu.memory_space<vmem>>) target(%dma_start3A_22 : memref<10112x32xf32, #tpu.memory_space<vmem_shared>>) offsets(%dma_start3A_19 : memref<128xi32, #tpu.memory_space<vmem>>) semaphore(%run_scoped3A : memref<!tpu.dma_semaphore, #tpu.memory_space<semaphore_mem>>) {add = true}
        %dma_wait3A = arith.constant 0 : i32
        %dma_wait3A_23 = tpu.memref_slice %arg6[%scan3A_17, %dma_wait3A] : memref<80x128xi32, #tpu.memory_space<vmem>> -> memref<1x128xi32, #tpu.memory_space<vmem>>
        %dma_wait3A_24 = tpu.memref_squeeze %dma_wait3A_23 : memref<1x128xi32, #tpu.memory_space<vmem>> -> memref<128xi32, #tpu.memory_space<vmem>>
        %dma_wait3A_25 = arith.constant 0 : i32
        %dma_wait3A_26 = arith.constant 0 : i32
        %dma_wait3A_27 = tpu.memref_slice %arg8[%dma_wait3A_25, %dma_wait3A_26] : memref<10112x32xf32, #tpu.memory_space<vmem_shared>> -> memref<10112x32xf32, #tpu.memory_space<vmem_shared>>
        tpu.wait_indirect_dma semaphore(%run_scoped3A : memref<!tpu.dma_semaphore, #tpu.memory_space<semaphore_mem>>) src(%arg7 : memref<128x32xf32, #tpu.memory_space<vmem>>) dst(%dma_wait3A_27 : memref<10112x32xf32, #tpu.memory_space<vmem_shared>>)
        tpu.yield
      }) : () -> ()
    }
    %scan3A_11 = arith.constant 80 : i32
    %barrier3A_12 = arith.constant 0 : index
    tpu.barrier barrier_id(%barrier3A_12)
    %mul3A_13 = arith.constant 632 : i32
    %mul3A_14 = arith.muli %arg1, %mul3A_13 : i32
    %mul3A_15 = arith.constant 632 : i32
    %mul3A_16 = arith.muli %arg1, %mul3A_15 : i32
    "tpu.region"() ({
      %run_scoped3A = tpu.sem_alloc : memref<!tpu.dma_semaphore, #tpu.memory_space<semaphore_mem>>
      %dma_start3A = arith.constant 0 : i32
      %dma_start3A_17 = tpu.memref_slice %arg5[%arg0, %mul3A_16, %dma_start3A] : memref<2x10112x32xf32, #tpu.memory_space<hbm>> -> memref<1x632x32xf32, #tpu.memory_space<hbm>>
      %dma_start3A_18 = tpu.memref_squeeze %dma_start3A_17 : memref<1x632x32xf32, #tpu.memory_space<hbm>> -> memref<632x32xf32, #tpu.memory_space<hbm>>
      %dma_start3A_19 = arith.constant 0 : i32
      %dma_start3A_20 = tpu.memref_slice %arg8[%mul3A_14, %dma_start3A_19] : memref<10112x32xf32, #tpu.memory_space<vmem_shared>> -> memref<632x32xf32, #tpu.memory_space<vmem_shared>>
      tpu.enqueue_dma source(%dma_start3A_20 : memref<632x32xf32, #tpu.memory_space<vmem_shared>>) target(%dma_start3A_18 : memref<632x32xf32, #tpu.memory_space<hbm>>) target_semaphore(%run_scoped3A : memref<!tpu.dma_semaphore, #tpu.memory_space<semaphore_mem>>)
      %dma_wait3A = arith.constant 0 : i32
      %dma_wait3A_21 = tpu.memref_slice %arg5[%arg0, %mul3A_16, %dma_wait3A] : memref<2x10112x32xf32, #tpu.memory_space<hbm>> -> memref<1x632x32xf32, #tpu.memory_space<hbm>>
      %dma_wait3A_22 = tpu.memref_squeeze %dma_wait3A_21 : memref<1x632x32xf32, #tpu.memory_space<hbm>> -> memref<632x32xf32, #tpu.memory_space<hbm>>
      %dma_wait3A_23 = arith.constant 0 : i32
      %dma_wait3A_24 = tpu.memref_slice %arg8[%mul3A_14, %dma_wait3A_23] : memref<10112x32xf32, #tpu.memory_space<vmem_shared>> -> memref<632x32xf32, #tpu.memory_space<vmem_shared>>
      tpu.wait_dma2 semaphore(%run_scoped3A : memref<!tpu.dma_semaphore, #tpu.memory_space<semaphore_mem>>) src(%dma_wait3A_24 : memref<632x32xf32, #tpu.memory_space<vmem_shared>>) dst(%dma_wait3A_22 : memref<632x32xf32, #tpu.memory_space<hbm>>)
      tpu.yield
    }) : () -> ()
    return
  }
}

#map = affine_map<(d0, d1) -> (0, 0)>
#map1 = affine_map<(d0, d1) -> (0, 0, 0)>
module attributes {stable_mosaic.version = 14 : i64} {
  func.func @_conv_impl(%arg0: i32, %arg1: i32, %arg2: memref<10000x32xf32, #tpu.memory_space<hbm>>, %arg3: memref<2560x128xi32, #tpu.memory_space<hbm>>, %arg4: memref<2560x128xi32, #tpu.memory_space<hbm>>, %arg5: memref<10112x32xf32, #tpu.memory_space<hbm>>, %arg6: memref<2x10112x32xf32, #tpu.memory_space<hbm>>, %arg7: memref<80x128xi32, #tpu.memory_space<vmem>>, %arg8: memref<80x128xi32, #tpu.memory_space<vmem>>, %arg9: memref<8x128x32xf32, #tpu.memory_space<vmem>>, %arg10: memref<10112x32xf32, #tpu.memory_space<vmem_shared>>, %arg11: memref<!tpu.dma_semaphore, #tpu.memory_space<semaphore_mem>>, %arg12: memref<!tpu.dma_semaphore, #tpu.memory_space<semaphore_mem>>, %arg13: memref<!tpu.dma_semaphore, #tpu.memory_space<semaphore_mem>>, %arg14: memref<!tpu.dma_semaphore, #tpu.memory_space<semaphore_mem>>, %arg15: memref<!tpu.dma_semaphore, #tpu.memory_space<semaphore_mem>>, %arg16: memref<!tpu.dma_semaphore, #tpu.memory_space<semaphore_mem>>, %arg17: memref<!tpu.dma_semaphore, #tpu.memory_space<semaphore_mem>>, %arg18: memref<!tpu.dma_semaphore, #tpu.memory_space<semaphore_mem>>) attributes {dimension_semantics = [#tpu.dimension_semantics<core_parallel>, #tpu.dimension_semantics<subcore_parallel>], iteration_bounds = array<i64: 2, 16>, scalar_prefetch = 0 : i64, scratch_operands = 12 : i64, tpu.core_type = #tpu.core_type<sc_vector_subcore>, window_params = [{transform_indices = #map}, {transform_indices = #map}, {transform_indices = #map}, {transform_indices = #map}, {transform_indices = #map1}]} {
    %mul3A = arith.constant 16 : i32
    %mul3A_0 = arith.muli %arg0, %mul3A : i32
    %add3A = arith.addi %mul3A_0, %arg1 : i32
    %mul3A_1 = arith.constant 80 : i32
    %mul3A_2 = arith.muli %add3A, %mul3A_1 : i32
    "tpu.region"() ({
      %run_scoped3A = tpu.sem_alloc : memref<!tpu.dma_semaphore, #tpu.memory_space<semaphore_mem>>
      %dma_start3A_114 = arith.constant 0 : i32
      %dma_start3A_115 = tpu.memref_slice %arg3[%mul3A_2, %dma_start3A_114] : memref<2560x128xi32, #tpu.memory_space<hbm>> -> memref<80x128xi32, #tpu.memory_space<hbm>>
      %dma_start3A_116 = arith.constant 0 : i32
      %dma_start3A_117 = tpu.memref_slice %arg3[%mul3A_2, %dma_start3A_116] : memref<2560x128xi32, #tpu.memory_space<hbm>> -> memref<80x128xi32, #tpu.memory_space<hbm>>
      tpu.enqueue_dma source(%dma_start3A_117 : memref<80x128xi32, #tpu.memory_space<hbm>>) target(%arg7 : memref<80x128xi32, #tpu.memory_space<vmem>>) target_semaphore(%run_scoped3A : memref<!tpu.dma_semaphore, #tpu.memory_space<semaphore_mem>>)
      %dma_wait3A = arith.constant 0 : i32
      %dma_wait3A_118 = tpu.memref_slice %arg3[%mul3A_2, %dma_wait3A] : memref<2560x128xi32, #tpu.memory_space<hbm>> -> memref<80x128xi32, #tpu.memory_space<hbm>>
      %dma_wait3A_119 = arith.constant 0 : i32
      %dma_wait3A_120 = tpu.memref_slice %arg3[%mul3A_2, %dma_wait3A_119] : memref<2560x128xi32, #tpu.memory_space<hbm>> -> memref<80x128xi32, #tpu.memory_space<hbm>>
      tpu.wait_dma2 semaphore(%run_scoped3A : memref<!tpu.dma_semaphore, #tpu.memory_space<semaphore_mem>>) src(%dma_wait3A_120 : memref<80x128xi32, #tpu.memory_space<hbm>>) dst(%arg7 : memref<80x128xi32, #tpu.memory_space<vmem>>)
      tpu.yield
    }) : () -> ()
    %mul3A_3 = arith.constant 80 : i32
    %mul3A_4 = arith.muli %add3A, %mul3A_3 : i32
    "tpu.region"() ({
      %run_scoped3A = tpu.sem_alloc : memref<!tpu.dma_semaphore, #tpu.memory_space<semaphore_mem>>
      %dma_start3A_114 = arith.constant 0 : i32
      %dma_start3A_115 = tpu.memref_slice %arg4[%mul3A_4, %dma_start3A_114] : memref<2560x128xi32, #tpu.memory_space<hbm>> -> memref<80x128xi32, #tpu.memory_space<hbm>>
      %dma_start3A_116 = arith.constant 0 : i32
      %dma_start3A_117 = tpu.memref_slice %arg4[%mul3A_4, %dma_start3A_116] : memref<2560x128xi32, #tpu.memory_space<hbm>> -> memref<80x128xi32, #tpu.memory_space<hbm>>
      tpu.enqueue_dma source(%dma_start3A_117 : memref<80x128xi32, #tpu.memory_space<hbm>>) target(%arg8 : memref<80x128xi32, #tpu.memory_space<vmem>>) target_semaphore(%run_scoped3A : memref<!tpu.dma_semaphore, #tpu.memory_space<semaphore_mem>>)
      %dma_wait3A = arith.constant 0 : i32
      %dma_wait3A_118 = tpu.memref_slice %arg4[%mul3A_4, %dma_wait3A] : memref<2560x128xi32, #tpu.memory_space<hbm>> -> memref<80x128xi32, #tpu.memory_space<hbm>>
      %dma_wait3A_119 = arith.constant 0 : i32
      %dma_wait3A_120 = tpu.memref_slice %arg4[%mul3A_4, %dma_wait3A_119] : memref<2560x128xi32, #tpu.memory_space<hbm>> -> memref<80x128xi32, #tpu.memory_space<hbm>>
      tpu.wait_dma2 semaphore(%run_scoped3A : memref<!tpu.dma_semaphore, #tpu.memory_space<semaphore_mem>>) src(%dma_wait3A_120 : memref<80x128xi32, #tpu.memory_space<hbm>>) dst(%arg8 : memref<80x128xi32, #tpu.memory_space<vmem>>)
      tpu.yield
    }) : () -> ()
    %mul3A_5 = arith.constant 632 : i32
    %mul3A_6 = arith.muli %arg1, %mul3A_5 : i32
    %mul3A_7 = arith.constant 632 : i32
    %mul3A_8 = arith.muli %arg1, %mul3A_7 : i32
    "tpu.region"() ({
      %run_scoped3A = tpu.sem_alloc : memref<!tpu.dma_semaphore, #tpu.memory_space<semaphore_mem>>
      %dma_start3A_114 = arith.constant 0 : i32
      %dma_start3A_115 = tpu.memref_slice %arg10[%mul3A_8, %dma_start3A_114] : memref<10112x32xf32, #tpu.memory_space<vmem_shared>> -> memref<632x32xf32, #tpu.memory_space<vmem_shared>>
      %dma_start3A_116 = arith.constant 0 : i32
      %dma_start3A_117 = tpu.memref_slice %arg5[%mul3A_6, %dma_start3A_116] : memref<10112x32xf32, #tpu.memory_space<hbm>> -> memref<632x32xf32, #tpu.memory_space<hbm>>
      tpu.enqueue_dma source(%dma_start3A_117 : memref<632x32xf32, #tpu.memory_space<hbm>>) target(%dma_start3A_115 : memref<632x32xf32, #tpu.memory_space<vmem_shared>>) target_semaphore(%run_scoped3A : memref<!tpu.dma_semaphore, #tpu.memory_space<semaphore_mem>>)
      %dma_wait3A = arith.constant 0 : i32
      %dma_wait3A_118 = tpu.memref_slice %arg10[%mul3A_8, %dma_wait3A] : memref<10112x32xf32, #tpu.memory_space<vmem_shared>> -> memref<632x32xf32, #tpu.memory_space<vmem_shared>>
      %dma_wait3A_119 = arith.constant 0 : i32
      %dma_wait3A_120 = tpu.memref_slice %arg5[%mul3A_6, %dma_wait3A_119] : memref<10112x32xf32, #tpu.memory_space<hbm>> -> memref<632x32xf32, #tpu.memory_space<hbm>>
      tpu.wait_dma2 semaphore(%run_scoped3A : memref<!tpu.dma_semaphore, #tpu.memory_space<semaphore_mem>>) src(%dma_wait3A_120 : memref<632x32xf32, #tpu.memory_space<hbm>>) dst(%dma_wait3A_118 : memref<632x32xf32, #tpu.memory_space<vmem_shared>>)
      tpu.yield
    }) : () -> ()
    %barrier3A = arith.constant 0 : index
    tpu.barrier barrier_id(%barrier3A)
    %dma_start3A = arith.constant 0 : i32
    %dma_start3A_9 = arith.constant 0 : i32
    %dma_start3A_10 = arith.constant 0 : i32
    %dma_start3A_11 = arith.constant 0 : i32
    %dma_start3A_12 = tpu.memref_slice %arg9[%dma_start3A_9, %dma_start3A_10, %dma_start3A_11] : memref<8x128x32xf32, #tpu.memory_space<vmem>> -> memref<1x128x32xf32, #tpu.memory_space<vmem>>
    %dma_start3A_13 = tpu.memref_squeeze %dma_start3A_12 : memref<1x128x32xf32, #tpu.memory_space<vmem>> -> memref<128x32xf32, #tpu.memory_space<vmem>>
    %dma_start3A_14 = arith.constant 0 : i32
    %dma_start3A_15 = tpu.memref_slice %arg7[%dma_start3A, %dma_start3A_14] : memref<80x128xi32, #tpu.memory_space<vmem>> -> memref<1x128xi32, #tpu.memory_space<vmem>>
    %dma_start3A_16 = tpu.memref_squeeze %dma_start3A_15 : memref<1x128xi32, #tpu.memory_space<vmem>> -> memref<128xi32, #tpu.memory_space<vmem>>
    %dma_start3A_17 = arith.constant 0 : i32
    %dma_start3A_18 = arith.constant 0 : i32
    %dma_start3A_19 = tpu.memref_slice %arg2[%dma_start3A_17, %dma_start3A_18] : memref<10000x32xf32, #tpu.memory_space<hbm>> -> memref<10000x32xf32, #tpu.memory_space<hbm>>
    tpu.enqueue_indirect_dma source(%dma_start3A_19 : memref<10000x32xf32, #tpu.memory_space<hbm>>) target(%dma_start3A_13 : memref<128x32xf32, #tpu.memory_space<vmem>>) offsets(%dma_start3A_16 : memref<128xi32, #tpu.memory_space<vmem>>) semaphore(%arg11 : memref<!tpu.dma_semaphore, #tpu.memory_space<semaphore_mem>>)
    %dma_start3A_20 = arith.constant 1 : i32
    %dma_start3A_21 = arith.constant 1 : i32
    %dma_start3A_22 = arith.constant 0 : i32
    %dma_start3A_23 = arith.constant 0 : i32
    %dma_start3A_24 = tpu.memref_slice %arg9[%dma_start3A_21, %dma_start3A_22, %dma_start3A_23] : memref<8x128x32xf32, #tpu.memory_space<vmem>> -> memref<1x128x32xf32, #tpu.memory_space<vmem>>
    %dma_start3A_25 = tpu.memref_squeeze %dma_start3A_24 : memref<1x128x32xf32, #tpu.memory_space<vmem>> -> memref<128x32xf32, #tpu.memory_space<vmem>>
    %dma_start3A_26 = arith.constant 0 : i32
    %dma_start3A_27 = tpu.memref_slice %arg7[%dma_start3A_20, %dma_start3A_26] : memref<80x128xi32, #tpu.memory_space<vmem>> -> memref<1x128xi32, #tpu.memory_space<vmem>>
    %dma_start3A_28 = tpu.memref_squeeze %dma_start3A_27 : memref<1x128xi32, #tpu.memory_space<vmem>> -> memref<128xi32, #tpu.memory_space<vmem>>
    %dma_start3A_29 = arith.constant 0 : i32
    %dma_start3A_30 = arith.constant 0 : i32
    %dma_start3A_31 = tpu.memref_slice %arg2[%dma_start3A_29, %dma_start3A_30] : memref<10000x32xf32, #tpu.memory_space<hbm>> -> memref<10000x32xf32, #tpu.memory_space<hbm>>
    tpu.enqueue_indirect_dma source(%dma_start3A_31 : memref<10000x32xf32, #tpu.memory_space<hbm>>) target(%dma_start3A_25 : memref<128x32xf32, #tpu.memory_space<vmem>>) offsets(%dma_start3A_28 : memref<128xi32, #tpu.memory_space<vmem>>) semaphore(%arg12 : memref<!tpu.dma_semaphore, #tpu.memory_space<semaphore_mem>>)
    %dma_start3A_32 = arith.constant 2 : i32
    %dma_start3A_33 = arith.constant 2 : i32
    %dma_start3A_34 = arith.constant 0 : i32
    %dma_start3A_35 = arith.constant 0 : i32
    %dma_start3A_36 = tpu.memref_slice %arg9[%dma_start3A_33, %dma_start3A_34, %dma_start3A_35] : memref<8x128x32xf32, #tpu.memory_space<vmem>> -> memref<1x128x32xf32, #tpu.memory_space<vmem>>
    %dma_start3A_37 = tpu.memref_squeeze %dma_start3A_36 : memref<1x128x32xf32, #tpu.memory_space<vmem>> -> memref<128x32xf32, #tpu.memory_space<vmem>>
    %dma_start3A_38 = arith.constant 0 : i32
    %dma_start3A_39 = tpu.memref_slice %arg7[%dma_start3A_32, %dma_start3A_38] : memref<80x128xi32, #tpu.memory_space<vmem>> -> memref<1x128xi32, #tpu.memory_space<vmem>>
    %dma_start3A_40 = tpu.memref_squeeze %dma_start3A_39 : memref<1x128xi32, #tpu.memory_space<vmem>> -> memref<128xi32, #tpu.memory_space<vmem>>
    %dma_start3A_41 = arith.constant 0 : i32
    %dma_start3A_42 = arith.constant 0 : i32
    %dma_start3A_43 = tpu.memref_slice %arg2[%dma_start3A_41, %dma_start3A_42] : memref<10000x32xf32, #tpu.memory_space<hbm>> -> memref<10000x32xf32, #tpu.memory_space<hbm>>
    tpu.enqueue_indirect_dma source(%dma_start3A_43 : memref<10000x32xf32, #tpu.memory_space<hbm>>) target(%dma_start3A_37 : memref<128x32xf32, #tpu.memory_space<vmem>>) offsets(%dma_start3A_40 : memref<128xi32, #tpu.memory_space<vmem>>) semaphore(%arg13 : memref<!tpu.dma_semaphore, #tpu.memory_space<semaphore_mem>>)
    %dma_start3A_44 = arith.constant 3 : i32
    %dma_start3A_45 = arith.constant 3 : i32
    %dma_start3A_46 = arith.constant 0 : i32
    %dma_start3A_47 = arith.constant 0 : i32
    %dma_start3A_48 = tpu.memref_slice %arg9[%dma_start3A_45, %dma_start3A_46, %dma_start3A_47] : memref<8x128x32xf32, #tpu.memory_space<vmem>> -> memref<1x128x32xf32, #tpu.memory_space<vmem>>
    %dma_start3A_49 = tpu.memref_squeeze %dma_start3A_48 : memref<1x128x32xf32, #tpu.memory_space<vmem>> -> memref<128x32xf32, #tpu.memory_space<vmem>>
    %dma_start3A_50 = arith.constant 0 : i32
    %dma_start3A_51 = tpu.memref_slice %arg7[%dma_start3A_44, %dma_start3A_50] : memref<80x128xi32, #tpu.memory_space<vmem>> -> memref<1x128xi32, #tpu.memory_space<vmem>>
    %dma_start3A_52 = tpu.memref_squeeze %dma_start3A_51 : memref<1x128xi32, #tpu.memory_space<vmem>> -> memref<128xi32, #tpu.memory_space<vmem>>
    %dma_start3A_53 = arith.constant 0 : i32
    %dma_start3A_54 = arith.constant 0 : i32
    %dma_start3A_55 = tpu.memref_slice %arg2[%dma_start3A_53, %dma_start3A_54] : memref<10000x32xf32, #tpu.memory_space<hbm>> -> memref<10000x32xf32, #tpu.memory_space<hbm>>
    tpu.enqueue_indirect_dma source(%dma_start3A_55 : memref<10000x32xf32, #tpu.memory_space<hbm>>) target(%dma_start3A_49 : memref<128x32xf32, #tpu.memory_space<vmem>>) offsets(%dma_start3A_52 : memref<128xi32, #tpu.memory_space<vmem>>) semaphore(%arg14 : memref<!tpu.dma_semaphore, #tpu.memory_space<semaphore_mem>>)
    %dma_start3A_56 = arith.constant 4 : i32
    %dma_start3A_57 = arith.constant 4 : i32
    %dma_start3A_58 = arith.constant 0 : i32
    %dma_start3A_59 = arith.constant 0 : i32
    %dma_start3A_60 = tpu.memref_slice %arg9[%dma_start3A_57, %dma_start3A_58, %dma_start3A_59] : memref<8x128x32xf32, #tpu.memory_space<vmem>> -> memref<1x128x32xf32, #tpu.memory_space<vmem>>
    %dma_start3A_61 = tpu.memref_squeeze %dma_start3A_60 : memref<1x128x32xf32, #tpu.memory_space<vmem>> -> memref<128x32xf32, #tpu.memory_space<vmem>>
    %dma_start3A_62 = arith.constant 0 : i32
    %dma_start3A_63 = tpu.memref_slice %arg7[%dma_start3A_56, %dma_start3A_62] : memref<80x128xi32, #tpu.memory_space<vmem>> -> memref<1x128xi32, #tpu.memory_space<vmem>>
    %dma_start3A_64 = tpu.memref_squeeze %dma_start3A_63 : memref<1x128xi32, #tpu.memory_space<vmem>> -> memref<128xi32, #tpu.memory_space<vmem>>
    %dma_start3A_65 = arith.constant 0 : i32
    %dma_start3A_66 = arith.constant 0 : i32
    %dma_start3A_67 = tpu.memref_slice %arg2[%dma_start3A_65, %dma_start3A_66] : memref<10000x32xf32, #tpu.memory_space<hbm>> -> memref<10000x32xf32, #tpu.memory_space<hbm>>
    tpu.enqueue_indirect_dma source(%dma_start3A_67 : memref<10000x32xf32, #tpu.memory_space<hbm>>) target(%dma_start3A_61 : memref<128x32xf32, #tpu.memory_space<vmem>>) offsets(%dma_start3A_64 : memref<128xi32, #tpu.memory_space<vmem>>) semaphore(%arg15 : memref<!tpu.dma_semaphore, #tpu.memory_space<semaphore_mem>>)
    %dma_start3A_68 = arith.constant 5 : i32
    %dma_start3A_69 = arith.constant 5 : i32
    %dma_start3A_70 = arith.constant 0 : i32
    %dma_start3A_71 = arith.constant 0 : i32
    %dma_start3A_72 = tpu.memref_slice %arg9[%dma_start3A_69, %dma_start3A_70, %dma_start3A_71] : memref<8x128x32xf32, #tpu.memory_space<vmem>> -> memref<1x128x32xf32, #tpu.memory_space<vmem>>
    %dma_start3A_73 = tpu.memref_squeeze %dma_start3A_72 : memref<1x128x32xf32, #tpu.memory_space<vmem>> -> memref<128x32xf32, #tpu.memory_space<vmem>>
    %dma_start3A_74 = arith.constant 0 : i32
    %dma_start3A_75 = tpu.memref_slice %arg7[%dma_start3A_68, %dma_start3A_74] : memref<80x128xi32, #tpu.memory_space<vmem>> -> memref<1x128xi32, #tpu.memory_space<vmem>>
    %dma_start3A_76 = tpu.memref_squeeze %dma_start3A_75 : memref<1x128xi32, #tpu.memory_space<vmem>> -> memref<128xi32, #tpu.memory_space<vmem>>
    %dma_start3A_77 = arith.constant 0 : i32
    %dma_start3A_78 = arith.constant 0 : i32
    %dma_start3A_79 = tpu.memref_slice %arg2[%dma_start3A_77, %dma_start3A_78] : memref<10000x32xf32, #tpu.memory_space<hbm>> -> memref<10000x32xf32, #tpu.memory_space<hbm>>
    tpu.enqueue_indirect_dma source(%dma_start3A_79 : memref<10000x32xf32, #tpu.memory_space<hbm>>) target(%dma_start3A_73 : memref<128x32xf32, #tpu.memory_space<vmem>>) offsets(%dma_start3A_76 : memref<128xi32, #tpu.memory_space<vmem>>) semaphore(%arg16 : memref<!tpu.dma_semaphore, #tpu.memory_space<semaphore_mem>>)
    %dma_start3A_80 = arith.constant 6 : i32
    %dma_start3A_81 = arith.constant 6 : i32
    %dma_start3A_82 = arith.constant 0 : i32
    %dma_start3A_83 = arith.constant 0 : i32
    %dma_start3A_84 = tpu.memref_slice %arg9[%dma_start3A_81, %dma_start3A_82, %dma_start3A_83] : memref<8x128x32xf32, #tpu.memory_space<vmem>> -> memref<1x128x32xf32, #tpu.memory_space<vmem>>
    %dma_start3A_85 = tpu.memref_squeeze %dma_start3A_84 : memref<1x128x32xf32, #tpu.memory_space<vmem>> -> memref<128x32xf32, #tpu.memory_space<vmem>>
    %dma_start3A_86 = arith.constant 0 : i32
    %dma_start3A_87 = tpu.memref_slice %arg7[%dma_start3A_80, %dma_start3A_86] : memref<80x128xi32, #tpu.memory_space<vmem>> -> memref<1x128xi32, #tpu.memory_space<vmem>>
    %dma_start3A_88 = tpu.memref_squeeze %dma_start3A_87 : memref<1x128xi32, #tpu.memory_space<vmem>> -> memref<128xi32, #tpu.memory_space<vmem>>
    %dma_start3A_89 = arith.constant 0 : i32
    %dma_start3A_90 = arith.constant 0 : i32
    %dma_start3A_91 = tpu.memref_slice %arg2[%dma_start3A_89, %dma_start3A_90] : memref<10000x32xf32, #tpu.memory_space<hbm>> -> memref<10000x32xf32, #tpu.memory_space<hbm>>
    tpu.enqueue_indirect_dma source(%dma_start3A_91 : memref<10000x32xf32, #tpu.memory_space<hbm>>) target(%dma_start3A_85 : memref<128x32xf32, #tpu.memory_space<vmem>>) offsets(%dma_start3A_88 : memref<128xi32, #tpu.memory_space<vmem>>) semaphore(%arg17 : memref<!tpu.dma_semaphore, #tpu.memory_space<semaphore_mem>>)
    %dma_start3A_92 = arith.constant 7 : i32
    %dma_start3A_93 = arith.constant 7 : i32
    %dma_start3A_94 = arith.constant 0 : i32
    %dma_start3A_95 = arith.constant 0 : i32
    %dma_start3A_96 = tpu.memref_slice %arg9[%dma_start3A_93, %dma_start3A_94, %dma_start3A_95] : memref<8x128x32xf32, #tpu.memory_space<vmem>> -> memref<1x128x32xf32, #tpu.memory_space<vmem>>
    %dma_start3A_97 = tpu.memref_squeeze %dma_start3A_96 : memref<1x128x32xf32, #tpu.memory_space<vmem>> -> memref<128x32xf32, #tpu.memory_space<vmem>>
    %dma_start3A_98 = arith.constant 0 : i32
    %dma_start3A_99 = tpu.memref_slice %arg7[%dma_start3A_92, %dma_start3A_98] : memref<80x128xi32, #tpu.memory_space<vmem>> -> memref<1x128xi32, #tpu.memory_space<vmem>>
    %dma_start3A_100 = tpu.memref_squeeze %dma_start3A_99 : memref<1x128xi32, #tpu.memory_space<vmem>> -> memref<128xi32, #tpu.memory_space<vmem>>
    %dma_start3A_101 = arith.constant 0 : i32
    %dma_start3A_102 = arith.constant 0 : i32
    %dma_start3A_103 = tpu.memref_slice %arg2[%dma_start3A_101, %dma_start3A_102] : memref<10000x32xf32, #tpu.memory_space<hbm>> -> memref<10000x32xf32, #tpu.memory_space<hbm>>
    tpu.enqueue_indirect_dma source(%dma_start3A_103 : memref<10000x32xf32, #tpu.memory_space<hbm>>) target(%dma_start3A_97 : memref<128x32xf32, #tpu.memory_space<vmem>>) offsets(%dma_start3A_100 : memref<128xi32, #tpu.memory_space<vmem>>) semaphore(%arg18 : memref<!tpu.dma_semaphore, #tpu.memory_space<semaphore_mem>>)
    %scan3A = arith.constant 0 : i32
    %scan3A_104 = arith.constant 0 : i32
    %scan3A_105 = arith.constant 10 : i32
    %scan3A_106 = arith.addi %scan3A_104, %scan3A_105 : i32
    %scan3A_107 = arith.constant 1 : i32
    scf.for %scan3A_114 = %scan3A_104 to %scan3A_106 step %scan3A_107  : i32 {
      %mul3A_115 = arith.constant 8 : i32
      %mul3A_116 = arith.muli %scan3A_114, %mul3A_115 : i32
      %add3A_117 = arith.constant 0 : i32
      %add3A_118 = arith.addi %mul3A_116, %add3A_117 : i32
      %dma_wait3A = arith.constant 0 : i32
      %dma_wait3A_119 = arith.constant 0 : i32
      %dma_wait3A_120 = arith.constant 0 : i32
      %dma_wait3A_121 = tpu.memref_slice %arg9[%dma_wait3A, %dma_wait3A_119, %dma_wait3A_120] : memref<8x128x32xf32, #tpu.memory_space<vmem>> -> memref<1x128x32xf32, #tpu.memory_space<vmem>>
      %dma_wait3A_122 = tpu.memref_squeeze %dma_wait3A_121 : memref<1x128x32xf32, #tpu.memory_space<vmem>> -> memref<128x32xf32, #tpu.memory_space<vmem>>
      %dma_wait3A_123 = arith.constant 0 : i32
      %dma_wait3A_124 = tpu.memref_slice %arg7[%add3A_118, %dma_wait3A_123] : memref<80x128xi32, #tpu.memory_space<vmem>> -> memref<1x128xi32, #tpu.memory_space<vmem>>
      %dma_wait3A_125 = tpu.memref_squeeze %dma_wait3A_124 : memref<1x128xi32, #tpu.memory_space<vmem>> -> memref<128xi32, #tpu.memory_space<vmem>>
      %dma_wait3A_126 = arith.constant 0 : i32
      %dma_wait3A_127 = arith.constant 0 : i32
      %dma_wait3A_128 = tpu.memref_slice %arg2[%dma_wait3A_126, %dma_wait3A_127] : memref<10000x32xf32, #tpu.memory_space<hbm>> -> memref<10000x32xf32, #tpu.memory_space<hbm>>
      tpu.wait_indirect_dma semaphore(%arg11 : memref<!tpu.dma_semaphore, #tpu.memory_space<semaphore_mem>>) src(%dma_wait3A_128 : memref<10000x32xf32, #tpu.memory_space<hbm>>) dst(%dma_wait3A_122 : memref<128x32xf32, #tpu.memory_space<vmem>>)
      %run_scoped3A = arith.constant 0 : i32
      "tpu.region"() ({
        %run_scoped3A_294 = tpu.sem_alloc : memref<!tpu.dma_semaphore, #tpu.memory_space<semaphore_mem>>
        %dma_start3A_295 = arith.constant 0 : i32
        %dma_start3A_296 = arith.constant 0 : i32
        %dma_start3A_297 = tpu.memref_slice %arg9[%run_scoped3A, %dma_start3A_295, %dma_start3A_296] : memref<8x128x32xf32, #tpu.memory_space<vmem>> -> memref<1x128x32xf32, #tpu.memory_space<vmem>>
        %dma_start3A_298 = tpu.memref_squeeze %dma_start3A_297 : memref<1x128x32xf32, #tpu.memory_space<vmem>> -> memref<128x32xf32, #tpu.memory_space<vmem>>
        %dma_start3A_299 = arith.constant 0 : i32
        %dma_start3A_300 = tpu.memref_slice %arg8[%add3A_118, %dma_start3A_299] : memref<80x128xi32, #tpu.memory_space<vmem>> -> memref<1x128xi32, #tpu.memory_space<vmem>>
        %dma_start3A_301 = tpu.memref_squeeze %dma_start3A_300 : memref<1x128xi32, #tpu.memory_space<vmem>> -> memref<128xi32, #tpu.memory_space<vmem>>
        %dma_start3A_302 = arith.constant 0 : i32
        %dma_start3A_303 = arith.constant 0 : i32
        %dma_start3A_304 = tpu.memref_slice %arg10[%dma_start3A_302, %dma_start3A_303] : memref<10112x32xf32, #tpu.memory_space<vmem_shared>> -> memref<10112x32xf32, #tpu.memory_space<vmem_shared>>
        tpu.enqueue_indirect_dma source(%dma_start3A_298 : memref<128x32xf32, #tpu.memory_space<vmem>>) target(%dma_start3A_304 : memref<10112x32xf32, #tpu.memory_space<vmem_shared>>) offsets(%dma_start3A_301 : memref<128xi32, #tpu.memory_space<vmem>>) semaphore(%run_scoped3A_294 : memref<!tpu.dma_semaphore, #tpu.memory_space<semaphore_mem>>) {add = true}
        %dma_wait3A_305 = arith.constant 0 : i32
        %dma_wait3A_306 = arith.constant 0 : i32
        %dma_wait3A_307 = tpu.memref_slice %arg9[%run_scoped3A, %dma_wait3A_305, %dma_wait3A_306] : memref<8x128x32xf32, #tpu.memory_space<vmem>> -> memref<1x128x32xf32, #tpu.memory_space<vmem>>
        %dma_wait3A_308 = tpu.memref_squeeze %dma_wait3A_307 : memref<1x128x32xf32, #tpu.memory_space<vmem>> -> memref<128x32xf32, #tpu.memory_space<vmem>>
        %dma_wait3A_309 = arith.constant 0 : i32
        %dma_wait3A_310 = tpu.memref_slice %arg8[%add3A_118, %dma_wait3A_309] : memref<80x128xi32, #tpu.memory_space<vmem>> -> memref<1x128xi32, #tpu.memory_space<vmem>>
        %dma_wait3A_311 = tpu.memref_squeeze %dma_wait3A_310 : memref<1x128xi32, #tpu.memory_space<vmem>> -> memref<128xi32, #tpu.memory_space<vmem>>
        %dma_wait3A_312 = arith.constant 0 : i32
        %dma_wait3A_313 = arith.constant 0 : i32
        %dma_wait3A_314 = tpu.memref_slice %arg10[%dma_wait3A_312, %dma_wait3A_313] : memref<10112x32xf32, #tpu.memory_space<vmem_shared>> -> memref<10112x32xf32, #tpu.memory_space<vmem_shared>>
        tpu.wait_indirect_dma semaphore(%run_scoped3A_294 : memref<!tpu.dma_semaphore, #tpu.memory_space<semaphore_mem>>) src(%dma_wait3A_308 : memref<128x32xf32, #tpu.memory_space<vmem>>) dst(%dma_wait3A_314 : memref<10112x32xf32, #tpu.memory_space<vmem_shared>>)
        tpu.yield
      }) : () -> ()
      %add3A_129 = arith.constant 8 : i32
      %add3A_130 = arith.addi %add3A_118, %add3A_129 : i32
      %lt3A = arith.constant 80 : i32
      %lt3A_131 = arith.cmpi slt, %add3A_130, %lt3A : i32
      %convert_element_type3A = arith.extui %lt3A_131 : i1 to i32
      %cond3A = arith.constant 0 : i32
      %cond3A_132 = arith.cmpi ne, %convert_element_type3A, %cond3A : i32
      scf.if %cond3A_132 {
        %add3A_294 = arith.constant 8 : i32
        %add3A_295 = arith.addi %add3A_118, %add3A_294 : i32
        %dma_start3A_296 = arith.constant 0 : i32
        %dma_start3A_297 = arith.constant 0 : i32
        %dma_start3A_298 = arith.constant 0 : i32
        %dma_start3A_299 = tpu.memref_slice %arg9[%dma_start3A_296, %dma_start3A_297, %dma_start3A_298] : memref<8x128x32xf32, #tpu.memory_space<vmem>> -> memref<1x128x32xf32, #tpu.memory_space<vmem>>
        %dma_start3A_300 = tpu.memref_squeeze %dma_start3A_299 : memref<1x128x32xf32, #tpu.memory_space<vmem>> -> memref<128x32xf32, #tpu.memory_space<vmem>>
        %dma_start3A_301 = arith.constant 0 : i32
        %dma_start3A_302 = tpu.memref_slice %arg7[%add3A_295, %dma_start3A_301] : memref<80x128xi32, #tpu.memory_space<vmem>> -> memref<1x128xi32, #tpu.memory_space<vmem>>
        %dma_start3A_303 = tpu.memref_squeeze %dma_start3A_302 : memref<1x128xi32, #tpu.memory_space<vmem>> -> memref<128xi32, #tpu.memory_space<vmem>>
        %dma_start3A_304 = arith.constant 0 : i32
        %dma_start3A_305 = arith.constant 0 : i32
        %dma_start3A_306 = tpu.memref_slice %arg2[%dma_start3A_304, %dma_start3A_305] : memref<10000x32xf32, #tpu.memory_space<hbm>> -> memref<10000x32xf32, #tpu.memory_space<hbm>>
        tpu.enqueue_indirect_dma source(%dma_start3A_306 : memref<10000x32xf32, #tpu.memory_space<hbm>>) target(%dma_start3A_300 : memref<128x32xf32, #tpu.memory_space<vmem>>) offsets(%dma_start3A_303 : memref<128xi32, #tpu.memory_space<vmem>>) semaphore(%arg11 : memref<!tpu.dma_semaphore, #tpu.memory_space<semaphore_mem>>)
      } else {
      }
      %mul3A_133 = arith.constant 8 : i32
      %mul3A_134 = arith.muli %scan3A_114, %mul3A_133 : i32
      %add3A_135 = arith.constant 1 : i32
      %add3A_136 = arith.addi %mul3A_134, %add3A_135 : i32
      %dma_wait3A_137 = arith.constant 1 : i32
      %dma_wait3A_138 = arith.constant 0 : i32
      %dma_wait3A_139 = arith.constant 0 : i32
      %dma_wait3A_140 = tpu.memref_slice %arg9[%dma_wait3A_137, %dma_wait3A_138, %dma_wait3A_139] : memref<8x128x32xf32, #tpu.memory_space<vmem>> -> memref<1x128x32xf32, #tpu.memory_space<vmem>>
      %dma_wait3A_141 = tpu.memref_squeeze %dma_wait3A_140 : memref<1x128x32xf32, #tpu.memory_space<vmem>> -> memref<128x32xf32, #tpu.memory_space<vmem>>
      %dma_wait3A_142 = arith.constant 0 : i32
      %dma_wait3A_143 = tpu.memref_slice %arg7[%add3A_136, %dma_wait3A_142] : memref<80x128xi32, #tpu.memory_space<vmem>> -> memref<1x128xi32, #tpu.memory_space<vmem>>
      %dma_wait3A_144 = tpu.memref_squeeze %dma_wait3A_143 : memref<1x128xi32, #tpu.memory_space<vmem>> -> memref<128xi32, #tpu.memory_space<vmem>>
      %dma_wait3A_145 = arith.constant 0 : i32
      %dma_wait3A_146 = arith.constant 0 : i32
      %dma_wait3A_147 = tpu.memref_slice %arg2[%dma_wait3A_145, %dma_wait3A_146] : memref<10000x32xf32, #tpu.memory_space<hbm>> -> memref<10000x32xf32, #tpu.memory_space<hbm>>
      tpu.wait_indirect_dma semaphore(%arg12 : memref<!tpu.dma_semaphore, #tpu.memory_space<semaphore_mem>>) src(%dma_wait3A_147 : memref<10000x32xf32, #tpu.memory_space<hbm>>) dst(%dma_wait3A_141 : memref<128x32xf32, #tpu.memory_space<vmem>>)
      %run_scoped3A_148 = arith.constant 1 : i32
      "tpu.region"() ({
        %run_scoped3A_294 = tpu.sem_alloc : memref<!tpu.dma_semaphore, #tpu.memory_space<semaphore_mem>>
        %dma_start3A_295 = arith.constant 0 : i32
        %dma_start3A_296 = arith.constant 0 : i32
        %dma_start3A_297 = tpu.memref_slice %arg9[%run_scoped3A_148, %dma_start3A_295, %dma_start3A_296] : memref<8x128x32xf32, #tpu.memory_space<vmem>> -> memref<1x128x32xf32, #tpu.memory_space<vmem>>
        %dma_start3A_298 = tpu.memref_squeeze %dma_start3A_297 : memref<1x128x32xf32, #tpu.memory_space<vmem>> -> memref<128x32xf32, #tpu.memory_space<vmem>>
        %dma_start3A_299 = arith.constant 0 : i32
        %dma_start3A_300 = tpu.memref_slice %arg8[%add3A_136, %dma_start3A_299] : memref<80x128xi32, #tpu.memory_space<vmem>> -> memref<1x128xi32, #tpu.memory_space<vmem>>
        %dma_start3A_301 = tpu.memref_squeeze %dma_start3A_300 : memref<1x128xi32, #tpu.memory_space<vmem>> -> memref<128xi32, #tpu.memory_space<vmem>>
        %dma_start3A_302 = arith.constant 0 : i32
        %dma_start3A_303 = arith.constant 0 : i32
        %dma_start3A_304 = tpu.memref_slice %arg10[%dma_start3A_302, %dma_start3A_303] : memref<10112x32xf32, #tpu.memory_space<vmem_shared>> -> memref<10112x32xf32, #tpu.memory_space<vmem_shared>>
        tpu.enqueue_indirect_dma source(%dma_start3A_298 : memref<128x32xf32, #tpu.memory_space<vmem>>) target(%dma_start3A_304 : memref<10112x32xf32, #tpu.memory_space<vmem_shared>>) offsets(%dma_start3A_301 : memref<128xi32, #tpu.memory_space<vmem>>) semaphore(%run_scoped3A_294 : memref<!tpu.dma_semaphore, #tpu.memory_space<semaphore_mem>>) {add = true}
        %dma_wait3A_305 = arith.constant 0 : i32
        %dma_wait3A_306 = arith.constant 0 : i32
        %dma_wait3A_307 = tpu.memref_slice %arg9[%run_scoped3A_148, %dma_wait3A_305, %dma_wait3A_306] : memref<8x128x32xf32, #tpu.memory_space<vmem>> -> memref<1x128x32xf32, #tpu.memory_space<vmem>>
        %dma_wait3A_308 = tpu.memref_squeeze %dma_wait3A_307 : memref<1x128x32xf32, #tpu.memory_space<vmem>> -> memref<128x32xf32, #tpu.memory_space<vmem>>
        %dma_wait3A_309 = arith.constant 0 : i32
        %dma_wait3A_310 = tpu.memref_slice %arg8[%add3A_136, %dma_wait3A_309] : memref<80x128xi32, #tpu.memory_space<vmem>> -> memref<1x128xi32, #tpu.memory_space<vmem>>
        %dma_wait3A_311 = tpu.memref_squeeze %dma_wait3A_310 : memref<1x128xi32, #tpu.memory_space<vmem>> -> memref<128xi32, #tpu.memory_space<vmem>>
        %dma_wait3A_312 = arith.constant 0 : i32
        %dma_wait3A_313 = arith.constant 0 : i32
        %dma_wait3A_314 = tpu.memref_slice %arg10[%dma_wait3A_312, %dma_wait3A_313] : memref<10112x32xf32, #tpu.memory_space<vmem_shared>> -> memref<10112x32xf32, #tpu.memory_space<vmem_shared>>
        tpu.wait_indirect_dma semaphore(%run_scoped3A_294 : memref<!tpu.dma_semaphore, #tpu.memory_space<semaphore_mem>>) src(%dma_wait3A_308 : memref<128x32xf32, #tpu.memory_space<vmem>>) dst(%dma_wait3A_314 : memref<10112x32xf32, #tpu.memory_space<vmem_shared>>)
        tpu.yield
      }) : () -> ()
      %add3A_149 = arith.constant 8 : i32
      %add3A_150 = arith.addi %add3A_136, %add3A_149 : i32
      %lt3A_151 = arith.constant 80 : i32
      %lt3A_152 = arith.cmpi slt, %add3A_150, %lt3A_151 : i32
      %convert_element_type3A_153 = arith.extui %lt3A_152 : i1 to i32
      %cond3A_154 = arith.constant 0 : i32
      %cond3A_155 = arith.cmpi ne, %convert_element_type3A_153, %cond3A_154 : i32
      scf.if %cond3A_155 {
        %add3A_294 = arith.constant 8 : i32
        %add3A_295 = arith.addi %add3A_136, %add3A_294 : i32
        %dma_start3A_296 = arith.constant 1 : i32
        %dma_start3A_297 = arith.constant 0 : i32
        %dma_start3A_298 = arith.constant 0 : i32
        %dma_start3A_299 = tpu.memref_slice %arg9[%dma_start3A_296, %dma_start3A_297, %dma_start3A_298] : memref<8x128x32xf32, #tpu.memory_space<vmem>> -> memref<1x128x32xf32, #tpu.memory_space<vmem>>
        %dma_start3A_300 = tpu.memref_squeeze %dma_start3A_299 : memref<1x128x32xf32, #tpu.memory_space<vmem>> -> memref<128x32xf32, #tpu.memory_space<vmem>>
        %dma_start3A_301 = arith.constant 0 : i32
        %dma_start3A_302 = tpu.memref_slice %arg7[%add3A_295, %dma_start3A_301] : memref<80x128xi32, #tpu.memory_space<vmem>> -> memref<1x128xi32, #tpu.memory_space<vmem>>
        %dma_start3A_303 = tpu.memref_squeeze %dma_start3A_302 : memref<1x128xi32, #tpu.memory_space<vmem>> -> memref<128xi32, #tpu.memory_space<vmem>>
        %dma_start3A_304 = arith.constant 0 : i32
        %dma_start3A_305 = arith.constant 0 : i32
        %dma_start3A_306 = tpu.memref_slice %arg2[%dma_start3A_304, %dma_start3A_305] : memref<10000x32xf32, #tpu.memory_space<hbm>> -> memref<10000x32xf32, #tpu.memory_space<hbm>>
        tpu.enqueue_indirect_dma source(%dma_start3A_306 : memref<10000x32xf32, #tpu.memory_space<hbm>>) target(%dma_start3A_300 : memref<128x32xf32, #tpu.memory_space<vmem>>) offsets(%dma_start3A_303 : memref<128xi32, #tpu.memory_space<vmem>>) semaphore(%arg12 : memref<!tpu.dma_semaphore, #tpu.memory_space<semaphore_mem>>)
      } else {
      }
      %mul3A_156 = arith.constant 8 : i32
      %mul3A_157 = arith.muli %scan3A_114, %mul3A_156 : i32
      %add3A_158 = arith.constant 2 : i32
      %add3A_159 = arith.addi %mul3A_157, %add3A_158 : i32
      %dma_wait3A_160 = arith.constant 2 : i32
      %dma_wait3A_161 = arith.constant 0 : i32
      %dma_wait3A_162 = arith.constant 0 : i32
      %dma_wait3A_163 = tpu.memref_slice %arg9[%dma_wait3A_160, %dma_wait3A_161, %dma_wait3A_162] : memref<8x128x32xf32, #tpu.memory_space<vmem>> -> memref<1x128x32xf32, #tpu.memory_space<vmem>>
      %dma_wait3A_164 = tpu.memref_squeeze %dma_wait3A_163 : memref<1x128x32xf32, #tpu.memory_space<vmem>> -> memref<128x32xf32, #tpu.memory_space<vmem>>
      %dma_wait3A_165 = arith.constant 0 : i32
      %dma_wait3A_166 = tpu.memref_slice %arg7[%add3A_159, %dma_wait3A_165] : memref<80x128xi32, #tpu.memory_space<vmem>> -> memref<1x128xi32, #tpu.memory_space<vmem>>
      %dma_wait3A_167 = tpu.memref_squeeze %dma_wait3A_166 : memref<1x128xi32, #tpu.memory_space<vmem>> -> memref<128xi32, #tpu.memory_space<vmem>>
      %dma_wait3A_168 = arith.constant 0 : i32
      %dma_wait3A_169 = arith.constant 0 : i32
      %dma_wait3A_170 = tpu.memref_slice %arg2[%dma_wait3A_168, %dma_wait3A_169] : memref<10000x32xf32, #tpu.memory_space<hbm>> -> memref<10000x32xf32, #tpu.memory_space<hbm>>
      tpu.wait_indirect_dma semaphore(%arg13 : memref<!tpu.dma_semaphore, #tpu.memory_space<semaphore_mem>>) src(%dma_wait3A_170 : memref<10000x32xf32, #tpu.memory_space<hbm>>) dst(%dma_wait3A_164 : memref<128x32xf32, #tpu.memory_space<vmem>>)
      %run_scoped3A_171 = arith.constant 2 : i32
      "tpu.region"() ({
        %run_scoped3A_294 = tpu.sem_alloc : memref<!tpu.dma_semaphore, #tpu.memory_space<semaphore_mem>>
        %dma_start3A_295 = arith.constant 0 : i32
        %dma_start3A_296 = arith.constant 0 : i32
        %dma_start3A_297 = tpu.memref_slice %arg9[%run_scoped3A_171, %dma_start3A_295, %dma_start3A_296] : memref<8x128x32xf32, #tpu.memory_space<vmem>> -> memref<1x128x32xf32, #tpu.memory_space<vmem>>
        %dma_start3A_298 = tpu.memref_squeeze %dma_start3A_297 : memref<1x128x32xf32, #tpu.memory_space<vmem>> -> memref<128x32xf32, #tpu.memory_space<vmem>>
        %dma_start3A_299 = arith.constant 0 : i32
        %dma_start3A_300 = tpu.memref_slice %arg8[%add3A_159, %dma_start3A_299] : memref<80x128xi32, #tpu.memory_space<vmem>> -> memref<1x128xi32, #tpu.memory_space<vmem>>
        %dma_start3A_301 = tpu.memref_squeeze %dma_start3A_300 : memref<1x128xi32, #tpu.memory_space<vmem>> -> memref<128xi32, #tpu.memory_space<vmem>>
        %dma_start3A_302 = arith.constant 0 : i32
        %dma_start3A_303 = arith.constant 0 : i32
        %dma_start3A_304 = tpu.memref_slice %arg10[%dma_start3A_302, %dma_start3A_303] : memref<10112x32xf32, #tpu.memory_space<vmem_shared>> -> memref<10112x32xf32, #tpu.memory_space<vmem_shared>>
        tpu.enqueue_indirect_dma source(%dma_start3A_298 : memref<128x32xf32, #tpu.memory_space<vmem>>) target(%dma_start3A_304 : memref<10112x32xf32, #tpu.memory_space<vmem_shared>>) offsets(%dma_start3A_301 : memref<128xi32, #tpu.memory_space<vmem>>) semaphore(%run_scoped3A_294 : memref<!tpu.dma_semaphore, #tpu.memory_space<semaphore_mem>>) {add = true}
        %dma_wait3A_305 = arith.constant 0 : i32
        %dma_wait3A_306 = arith.constant 0 : i32
        %dma_wait3A_307 = tpu.memref_slice %arg9[%run_scoped3A_171, %dma_wait3A_305, %dma_wait3A_306] : memref<8x128x32xf32, #tpu.memory_space<vmem>> -> memref<1x128x32xf32, #tpu.memory_space<vmem>>
        %dma_wait3A_308 = tpu.memref_squeeze %dma_wait3A_307 : memref<1x128x32xf32, #tpu.memory_space<vmem>> -> memref<128x32xf32, #tpu.memory_space<vmem>>
        %dma_wait3A_309 = arith.constant 0 : i32
        %dma_wait3A_310 = tpu.memref_slice %arg8[%add3A_159, %dma_wait3A_309] : memref<80x128xi32, #tpu.memory_space<vmem>> -> memref<1x128xi32, #tpu.memory_space<vmem>>
        %dma_wait3A_311 = tpu.memref_squeeze %dma_wait3A_310 : memref<1x128xi32, #tpu.memory_space<vmem>> -> memref<128xi32, #tpu.memory_space<vmem>>
        %dma_wait3A_312 = arith.constant 0 : i32
        %dma_wait3A_313 = arith.constant 0 : i32
        %dma_wait3A_314 = tpu.memref_slice %arg10[%dma_wait3A_312, %dma_wait3A_313] : memref<10112x32xf32, #tpu.memory_space<vmem_shared>> -> memref<10112x32xf32, #tpu.memory_space<vmem_shared>>
        tpu.wait_indirect_dma semaphore(%run_scoped3A_294 : memref<!tpu.dma_semaphore, #tpu.memory_space<semaphore_mem>>) src(%dma_wait3A_308 : memref<128x32xf32, #tpu.memory_space<vmem>>) dst(%dma_wait3A_314 : memref<10112x32xf32, #tpu.memory_space<vmem_shared>>)
        tpu.yield
      }) : () -> ()
      %add3A_172 = arith.constant 8 : i32
      %add3A_173 = arith.addi %add3A_159, %add3A_172 : i32
      %lt3A_174 = arith.constant 80 : i32
      %lt3A_175 = arith.cmpi slt, %add3A_173, %lt3A_174 : i32
      %convert_element_type3A_176 = arith.extui %lt3A_175 : i1 to i32
      %cond3A_177 = arith.constant 0 : i32
      %cond3A_178 = arith.cmpi ne, %convert_element_type3A_176, %cond3A_177 : i32
      scf.if %cond3A_178 {
        %add3A_294 = arith.constant 8 : i32
        %add3A_295 = arith.addi %add3A_159, %add3A_294 : i32
        %dma_start3A_296 = arith.constant 2 : i32
        %dma_start3A_297 = arith.constant 0 : i32
        %dma_start3A_298 = arith.constant 0 : i32
        %dma_start3A_299 = tpu.memref_slice %arg9[%dma_start3A_296, %dma_start3A_297, %dma_start3A_298] : memref<8x128x32xf32, #tpu.memory_space<vmem>> -> memref<1x128x32xf32, #tpu.memory_space<vmem>>
        %dma_start3A_300 = tpu.memref_squeeze %dma_start3A_299 : memref<1x128x32xf32, #tpu.memory_space<vmem>> -> memref<128x32xf32, #tpu.memory_space<vmem>>
        %dma_start3A_301 = arith.constant 0 : i32
        %dma_start3A_302 = tpu.memref_slice %arg7[%add3A_295, %dma_start3A_301] : memref<80x128xi32, #tpu.memory_space<vmem>> -> memref<1x128xi32, #tpu.memory_space<vmem>>
        %dma_start3A_303 = tpu.memref_squeeze %dma_start3A_302 : memref<1x128xi32, #tpu.memory_space<vmem>> -> memref<128xi32, #tpu.memory_space<vmem>>
        %dma_start3A_304 = arith.constant 0 : i32
        %dma_start3A_305 = arith.constant 0 : i32
        %dma_start3A_306 = tpu.memref_slice %arg2[%dma_start3A_304, %dma_start3A_305] : memref<10000x32xf32, #tpu.memory_space<hbm>> -> memref<10000x32xf32, #tpu.memory_space<hbm>>
        tpu.enqueue_indirect_dma source(%dma_start3A_306 : memref<10000x32xf32, #tpu.memory_space<hbm>>) target(%dma_start3A_300 : memref<128x32xf32, #tpu.memory_space<vmem>>) offsets(%dma_start3A_303 : memref<128xi32, #tpu.memory_space<vmem>>) semaphore(%arg13 : memref<!tpu.dma_semaphore, #tpu.memory_space<semaphore_mem>>)
      } else {
      }
      %mul3A_179 = arith.constant 8 : i32
      %mul3A_180 = arith.muli %scan3A_114, %mul3A_179 : i32
      %add3A_181 = arith.constant 3 : i32
      %add3A_182 = arith.addi %mul3A_180, %add3A_181 : i32
      %dma_wait3A_183 = arith.constant 3 : i32
      %dma_wait3A_184 = arith.constant 0 : i32
      %dma_wait3A_185 = arith.constant 0 : i32
      %dma_wait3A_186 = tpu.memref_slice %arg9[%dma_wait3A_183, %dma_wait3A_184, %dma_wait3A_185] : memref<8x128x32xf32, #tpu.memory_space<vmem>> -> memref<1x128x32xf32, #tpu.memory_space<vmem>>
      %dma_wait3A_187 = tpu.memref_squeeze %dma_wait3A_186 : memref<1x128x32xf32, #tpu.memory_space<vmem>> -> memref<128x32xf32, #tpu.memory_space<vmem>>
      %dma_wait3A_188 = arith.constant 0 : i32
      %dma_wait3A_189 = tpu.memref_slice %arg7[%add3A_182, %dma_wait3A_188] : memref<80x128xi32, #tpu.memory_space<vmem>> -> memref<1x128xi32, #tpu.memory_space<vmem>>
      %dma_wait3A_190 = tpu.memref_squeeze %dma_wait3A_189 : memref<1x128xi32, #tpu.memory_space<vmem>> -> memref<128xi32, #tpu.memory_space<vmem>>
      %dma_wait3A_191 = arith.constant 0 : i32
      %dma_wait3A_192 = arith.constant 0 : i32
      %dma_wait3A_193 = tpu.memref_slice %arg2[%dma_wait3A_191, %dma_wait3A_192] : memref<10000x32xf32, #tpu.memory_space<hbm>> -> memref<10000x32xf32, #tpu.memory_space<hbm>>
      tpu.wait_indirect_dma semaphore(%arg14 : memref<!tpu.dma_semaphore, #tpu.memory_space<semaphore_mem>>) src(%dma_wait3A_193 : memref<10000x32xf32, #tpu.memory_space<hbm>>) dst(%dma_wait3A_187 : memref<128x32xf32, #tpu.memory_space<vmem>>)
      %run_scoped3A_194 = arith.constant 3 : i32
      "tpu.region"() ({
        %run_scoped3A_294 = tpu.sem_alloc : memref<!tpu.dma_semaphore, #tpu.memory_space<semaphore_mem>>
        %dma_start3A_295 = arith.constant 0 : i32
        %dma_start3A_296 = arith.constant 0 : i32
        %dma_start3A_297 = tpu.memref_slice %arg9[%run_scoped3A_194, %dma_start3A_295, %dma_start3A_296] : memref<8x128x32xf32, #tpu.memory_space<vmem>> -> memref<1x128x32xf32, #tpu.memory_space<vmem>>
        %dma_start3A_298 = tpu.memref_squeeze %dma_start3A_297 : memref<1x128x32xf32, #tpu.memory_space<vmem>> -> memref<128x32xf32, #tpu.memory_space<vmem>>
        %dma_start3A_299 = arith.constant 0 : i32
        %dma_start3A_300 = tpu.memref_slice %arg8[%add3A_182, %dma_start3A_299] : memref<80x128xi32, #tpu.memory_space<vmem>> -> memref<1x128xi32, #tpu.memory_space<vmem>>
        %dma_start3A_301 = tpu.memref_squeeze %dma_start3A_300 : memref<1x128xi32, #tpu.memory_space<vmem>> -> memref<128xi32, #tpu.memory_space<vmem>>
        %dma_start3A_302 = arith.constant 0 : i32
        %dma_start3A_303 = arith.constant 0 : i32
        %dma_start3A_304 = tpu.memref_slice %arg10[%dma_start3A_302, %dma_start3A_303] : memref<10112x32xf32, #tpu.memory_space<vmem_shared>> -> memref<10112x32xf32, #tpu.memory_space<vmem_shared>>
        tpu.enqueue_indirect_dma source(%dma_start3A_298 : memref<128x32xf32, #tpu.memory_space<vmem>>) target(%dma_start3A_304 : memref<10112x32xf32, #tpu.memory_space<vmem_shared>>) offsets(%dma_start3A_301 : memref<128xi32, #tpu.memory_space<vmem>>) semaphore(%run_scoped3A_294 : memref<!tpu.dma_semaphore, #tpu.memory_space<semaphore_mem>>) {add = true}
        %dma_wait3A_305 = arith.constant 0 : i32
        %dma_wait3A_306 = arith.constant 0 : i32
        %dma_wait3A_307 = tpu.memref_slice %arg9[%run_scoped3A_194, %dma_wait3A_305, %dma_wait3A_306] : memref<8x128x32xf32, #tpu.memory_space<vmem>> -> memref<1x128x32xf32, #tpu.memory_space<vmem>>
        %dma_wait3A_308 = tpu.memref_squeeze %dma_wait3A_307 : memref<1x128x32xf32, #tpu.memory_space<vmem>> -> memref<128x32xf32, #tpu.memory_space<vmem>>
        %dma_wait3A_309 = arith.constant 0 : i32
        %dma_wait3A_310 = tpu.memref_slice %arg8[%add3A_182, %dma_wait3A_309] : memref<80x128xi32, #tpu.memory_space<vmem>> -> memref<1x128xi32, #tpu.memory_space<vmem>>
        %dma_wait3A_311 = tpu.memref_squeeze %dma_wait3A_310 : memref<1x128xi32, #tpu.memory_space<vmem>> -> memref<128xi32, #tpu.memory_space<vmem>>
        %dma_wait3A_312 = arith.constant 0 : i32
        %dma_wait3A_313 = arith.constant 0 : i32
        %dma_wait3A_314 = tpu.memref_slice %arg10[%dma_wait3A_312, %dma_wait3A_313] : memref<10112x32xf32, #tpu.memory_space<vmem_shared>> -> memref<10112x32xf32, #tpu.memory_space<vmem_shared>>
        tpu.wait_indirect_dma semaphore(%run_scoped3A_294 : memref<!tpu.dma_semaphore, #tpu.memory_space<semaphore_mem>>) src(%dma_wait3A_308 : memref<128x32xf32, #tpu.memory_space<vmem>>) dst(%dma_wait3A_314 : memref<10112x32xf32, #tpu.memory_space<vmem_shared>>)
        tpu.yield
      }) : () -> ()
      %add3A_195 = arith.constant 8 : i32
      %add3A_196 = arith.addi %add3A_182, %add3A_195 : i32
      %lt3A_197 = arith.constant 80 : i32
      %lt3A_198 = arith.cmpi slt, %add3A_196, %lt3A_197 : i32
      %convert_element_type3A_199 = arith.extui %lt3A_198 : i1 to i32
      %cond3A_200 = arith.constant 0 : i32
      %cond3A_201 = arith.cmpi ne, %convert_element_type3A_199, %cond3A_200 : i32
      scf.if %cond3A_201 {
        %add3A_294 = arith.constant 8 : i32
        %add3A_295 = arith.addi %add3A_182, %add3A_294 : i32
        %dma_start3A_296 = arith.constant 3 : i32
        %dma_start3A_297 = arith.constant 0 : i32
        %dma_start3A_298 = arith.constant 0 : i32
        %dma_start3A_299 = tpu.memref_slice %arg9[%dma_start3A_296, %dma_start3A_297, %dma_start3A_298] : memref<8x128x32xf32, #tpu.memory_space<vmem>> -> memref<1x128x32xf32, #tpu.memory_space<vmem>>
        %dma_start3A_300 = tpu.memref_squeeze %dma_start3A_299 : memref<1x128x32xf32, #tpu.memory_space<vmem>> -> memref<128x32xf32, #tpu.memory_space<vmem>>
        %dma_start3A_301 = arith.constant 0 : i32
        %dma_start3A_302 = tpu.memref_slice %arg7[%add3A_295, %dma_start3A_301] : memref<80x128xi32, #tpu.memory_space<vmem>> -> memref<1x128xi32, #tpu.memory_space<vmem>>
        %dma_start3A_303 = tpu.memref_squeeze %dma_start3A_302 : memref<1x128xi32, #tpu.memory_space<vmem>> -> memref<128xi32, #tpu.memory_space<vmem>>
        %dma_start3A_304 = arith.constant 0 : i32
        %dma_start3A_305 = arith.constant 0 : i32
        %dma_start3A_306 = tpu.memref_slice %arg2[%dma_start3A_304, %dma_start3A_305] : memref<10000x32xf32, #tpu.memory_space<hbm>> -> memref<10000x32xf32, #tpu.memory_space<hbm>>
        tpu.enqueue_indirect_dma source(%dma_start3A_306 : memref<10000x32xf32, #tpu.memory_space<hbm>>) target(%dma_start3A_300 : memref<128x32xf32, #tpu.memory_space<vmem>>) offsets(%dma_start3A_303 : memref<128xi32, #tpu.memory_space<vmem>>) semaphore(%arg14 : memref<!tpu.dma_semaphore, #tpu.memory_space<semaphore_mem>>)
      } else {
      }
      %mul3A_202 = arith.constant 8 : i32
      %mul3A_203 = arith.muli %scan3A_114, %mul3A_202 : i32
      %add3A_204 = arith.constant 4 : i32
      %add3A_205 = arith.addi %mul3A_203, %add3A_204 : i32
      %dma_wait3A_206 = arith.constant 4 : i32
      %dma_wait3A_207 = arith.constant 0 : i32
      %dma_wait3A_208 = arith.constant 0 : i32
      %dma_wait3A_209 = tpu.memref_slice %arg9[%dma_wait3A_206, %dma_wait3A_207, %dma_wait3A_208] : memref<8x128x32xf32, #tpu.memory_space<vmem>> -> memref<1x128x32xf32, #tpu.memory_space<vmem>>
      %dma_wait3A_210 = tpu.memref_squeeze %dma_wait3A_209 : memref<1x128x32xf32, #tpu.memory_space<vmem>> -> memref<128x32xf32, #tpu.memory_space<vmem>>
      %dma_wait3A_211 = arith.constant 0 : i32
      %dma_wait3A_212 = tpu.memref_slice %arg7[%add3A_205, %dma_wait3A_211] : memref<80x128xi32, #tpu.memory_space<vmem>> -> memref<1x128xi32, #tpu.memory_space<vmem>>
      %dma_wait3A_213 = tpu.memref_squeeze %dma_wait3A_212 : memref<1x128xi32, #tpu.memory_space<vmem>> -> memref<128xi32, #tpu.memory_space<vmem>>
      %dma_wait3A_214 = arith.constant 0 : i32
      %dma_wait3A_215 = arith.constant 0 : i32
      %dma_wait3A_216 = tpu.memref_slice %arg2[%dma_wait3A_214, %dma_wait3A_215] : memref<10000x32xf32, #tpu.memory_space<hbm>> -> memref<10000x32xf32, #tpu.memory_space<hbm>>
      tpu.wait_indirect_dma semaphore(%arg15 : memref<!tpu.dma_semaphore, #tpu.memory_space<semaphore_mem>>) src(%dma_wait3A_216 : memref<10000x32xf32, #tpu.memory_space<hbm>>) dst(%dma_wait3A_210 : memref<128x32xf32, #tpu.memory_space<vmem>>)
      %run_scoped3A_217 = arith.constant 4 : i32
      "tpu.region"() ({
        %run_scoped3A_294 = tpu.sem_alloc : memref<!tpu.dma_semaphore, #tpu.memory_space<semaphore_mem>>
        %dma_start3A_295 = arith.constant 0 : i32
        %dma_start3A_296 = arith.constant 0 : i32
        %dma_start3A_297 = tpu.memref_slice %arg9[%run_scoped3A_217, %dma_start3A_295, %dma_start3A_296] : memref<8x128x32xf32, #tpu.memory_space<vmem>> -> memref<1x128x32xf32, #tpu.memory_space<vmem>>
        %dma_start3A_298 = tpu.memref_squeeze %dma_start3A_297 : memref<1x128x32xf32, #tpu.memory_space<vmem>> -> memref<128x32xf32, #tpu.memory_space<vmem>>
        %dma_start3A_299 = arith.constant 0 : i32
        %dma_start3A_300 = tpu.memref_slice %arg8[%add3A_205, %dma_start3A_299] : memref<80x128xi32, #tpu.memory_space<vmem>> -> memref<1x128xi32, #tpu.memory_space<vmem>>
        %dma_start3A_301 = tpu.memref_squeeze %dma_start3A_300 : memref<1x128xi32, #tpu.memory_space<vmem>> -> memref<128xi32, #tpu.memory_space<vmem>>
        %dma_start3A_302 = arith.constant 0 : i32
        %dma_start3A_303 = arith.constant 0 : i32
        %dma_start3A_304 = tpu.memref_slice %arg10[%dma_start3A_302, %dma_start3A_303] : memref<10112x32xf32, #tpu.memory_space<vmem_shared>> -> memref<10112x32xf32, #tpu.memory_space<vmem_shared>>
        tpu.enqueue_indirect_dma source(%dma_start3A_298 : memref<128x32xf32, #tpu.memory_space<vmem>>) target(%dma_start3A_304 : memref<10112x32xf32, #tpu.memory_space<vmem_shared>>) offsets(%dma_start3A_301 : memref<128xi32, #tpu.memory_space<vmem>>) semaphore(%run_scoped3A_294 : memref<!tpu.dma_semaphore, #tpu.memory_space<semaphore_mem>>) {add = true}
        %dma_wait3A_305 = arith.constant 0 : i32
        %dma_wait3A_306 = arith.constant 0 : i32
        %dma_wait3A_307 = tpu.memref_slice %arg9[%run_scoped3A_217, %dma_wait3A_305, %dma_wait3A_306] : memref<8x128x32xf32, #tpu.memory_space<vmem>> -> memref<1x128x32xf32, #tpu.memory_space<vmem>>
        %dma_wait3A_308 = tpu.memref_squeeze %dma_wait3A_307 : memref<1x128x32xf32, #tpu.memory_space<vmem>> -> memref<128x32xf32, #tpu.memory_space<vmem>>
        %dma_wait3A_309 = arith.constant 0 : i32
        %dma_wait3A_310 = tpu.memref_slice %arg8[%add3A_205, %dma_wait3A_309] : memref<80x128xi32, #tpu.memory_space<vmem>> -> memref<1x128xi32, #tpu.memory_space<vmem>>
        %dma_wait3A_311 = tpu.memref_squeeze %dma_wait3A_310 : memref<1x128xi32, #tpu.memory_space<vmem>> -> memref<128xi32, #tpu.memory_space<vmem>>
        %dma_wait3A_312 = arith.constant 0 : i32
        %dma_wait3A_313 = arith.constant 0 : i32
        %dma_wait3A_314 = tpu.memref_slice %arg10[%dma_wait3A_312, %dma_wait3A_313] : memref<10112x32xf32, #tpu.memory_space<vmem_shared>> -> memref<10112x32xf32, #tpu.memory_space<vmem_shared>>
        tpu.wait_indirect_dma semaphore(%run_scoped3A_294 : memref<!tpu.dma_semaphore, #tpu.memory_space<semaphore_mem>>) src(%dma_wait3A_308 : memref<128x32xf32, #tpu.memory_space<vmem>>) dst(%dma_wait3A_314 : memref<10112x32xf32, #tpu.memory_space<vmem_shared>>)
        tpu.yield
      }) : () -> ()
      %add3A_218 = arith.constant 8 : i32
      %add3A_219 = arith.addi %add3A_205, %add3A_218 : i32
      %lt3A_220 = arith.constant 80 : i32
      %lt3A_221 = arith.cmpi slt, %add3A_219, %lt3A_220 : i32
      %convert_element_type3A_222 = arith.extui %lt3A_221 : i1 to i32
      %cond3A_223 = arith.constant 0 : i32
      %cond3A_224 = arith.cmpi ne, %convert_element_type3A_222, %cond3A_223 : i32
      scf.if %cond3A_224 {
        %add3A_294 = arith.constant 8 : i32
        %add3A_295 = arith.addi %add3A_205, %add3A_294 : i32
        %dma_start3A_296 = arith.constant 4 : i32
        %dma_start3A_297 = arith.constant 0 : i32
        %dma_start3A_298 = arith.constant 0 : i32
        %dma_start3A_299 = tpu.memref_slice %arg9[%dma_start3A_296, %dma_start3A_297, %dma_start3A_298] : memref<8x128x32xf32, #tpu.memory_space<vmem>> -> memref<1x128x32xf32, #tpu.memory_space<vmem>>
        %dma_start3A_300 = tpu.memref_squeeze %dma_start3A_299 : memref<1x128x32xf32, #tpu.memory_space<vmem>> -> memref<128x32xf32, #tpu.memory_space<vmem>>
        %dma_start3A_301 = arith.constant 0 : i32
        %dma_start3A_302 = tpu.memref_slice %arg7[%add3A_295, %dma_start3A_301] : memref<80x128xi32, #tpu.memory_space<vmem>> -> memref<1x128xi32, #tpu.memory_space<vmem>>
        %dma_start3A_303 = tpu.memref_squeeze %dma_start3A_302 : memref<1x128xi32, #tpu.memory_space<vmem>> -> memref<128xi32, #tpu.memory_space<vmem>>
        %dma_start3A_304 = arith.constant 0 : i32
        %dma_start3A_305 = arith.constant 0 : i32
        %dma_start3A_306 = tpu.memref_slice %arg2[%dma_start3A_304, %dma_start3A_305] : memref<10000x32xf32, #tpu.memory_space<hbm>> -> memref<10000x32xf32, #tpu.memory_space<hbm>>
        tpu.enqueue_indirect_dma source(%dma_start3A_306 : memref<10000x32xf32, #tpu.memory_space<hbm>>) target(%dma_start3A_300 : memref<128x32xf32, #tpu.memory_space<vmem>>) offsets(%dma_start3A_303 : memref<128xi32, #tpu.memory_space<vmem>>) semaphore(%arg15 : memref<!tpu.dma_semaphore, #tpu.memory_space<semaphore_mem>>)
      } else {
      }
      %mul3A_225 = arith.constant 8 : i32
      %mul3A_226 = arith.muli %scan3A_114, %mul3A_225 : i32
      %add3A_227 = arith.constant 5 : i32
      %add3A_228 = arith.addi %mul3A_226, %add3A_227 : i32
      %dma_wait3A_229 = arith.constant 5 : i32
      %dma_wait3A_230 = arith.constant 0 : i32
      %dma_wait3A_231 = arith.constant 0 : i32
      %dma_wait3A_232 = tpu.memref_slice %arg9[%dma_wait3A_229, %dma_wait3A_230, %dma_wait3A_231] : memref<8x128x32xf32, #tpu.memory_space<vmem>> -> memref<1x128x32xf32, #tpu.memory_space<vmem>>
      %dma_wait3A_233 = tpu.memref_squeeze %dma_wait3A_232 : memref<1x128x32xf32, #tpu.memory_space<vmem>> -> memref<128x32xf32, #tpu.memory_space<vmem>>
      %dma_wait3A_234 = arith.constant 0 : i32
      %dma_wait3A_235 = tpu.memref_slice %arg7[%add3A_228, %dma_wait3A_234] : memref<80x128xi32, #tpu.memory_space<vmem>> -> memref<1x128xi32, #tpu.memory_space<vmem>>
      %dma_wait3A_236 = tpu.memref_squeeze %dma_wait3A_235 : memref<1x128xi32, #tpu.memory_space<vmem>> -> memref<128xi32, #tpu.memory_space<vmem>>
      %dma_wait3A_237 = arith.constant 0 : i32
      %dma_wait3A_238 = arith.constant 0 : i32
      %dma_wait3A_239 = tpu.memref_slice %arg2[%dma_wait3A_237, %dma_wait3A_238] : memref<10000x32xf32, #tpu.memory_space<hbm>> -> memref<10000x32xf32, #tpu.memory_space<hbm>>
      tpu.wait_indirect_dma semaphore(%arg16 : memref<!tpu.dma_semaphore, #tpu.memory_space<semaphore_mem>>) src(%dma_wait3A_239 : memref<10000x32xf32, #tpu.memory_space<hbm>>) dst(%dma_wait3A_233 : memref<128x32xf32, #tpu.memory_space<vmem>>)
      %run_scoped3A_240 = arith.constant 5 : i32
      "tpu.region"() ({
        %run_scoped3A_294 = tpu.sem_alloc : memref<!tpu.dma_semaphore, #tpu.memory_space<semaphore_mem>>
        %dma_start3A_295 = arith.constant 0 : i32
        %dma_start3A_296 = arith.constant 0 : i32
        %dma_start3A_297 = tpu.memref_slice %arg9[%run_scoped3A_240, %dma_start3A_295, %dma_start3A_296] : memref<8x128x32xf32, #tpu.memory_space<vmem>> -> memref<1x128x32xf32, #tpu.memory_space<vmem>>
        %dma_start3A_298 = tpu.memref_squeeze %dma_start3A_297 : memref<1x128x32xf32, #tpu.memory_space<vmem>> -> memref<128x32xf32, #tpu.memory_space<vmem>>
        %dma_start3A_299 = arith.constant 0 : i32
        %dma_start3A_300 = tpu.memref_slice %arg8[%add3A_228, %dma_start3A_299] : memref<80x128xi32, #tpu.memory_space<vmem>> -> memref<1x128xi32, #tpu.memory_space<vmem>>
        %dma_start3A_301 = tpu.memref_squeeze %dma_start3A_300 : memref<1x128xi32, #tpu.memory_space<vmem>> -> memref<128xi32, #tpu.memory_space<vmem>>
        %dma_start3A_302 = arith.constant 0 : i32
        %dma_start3A_303 = arith.constant 0 : i32
        %dma_start3A_304 = tpu.memref_slice %arg10[%dma_start3A_302, %dma_start3A_303] : memref<10112x32xf32, #tpu.memory_space<vmem_shared>> -> memref<10112x32xf32, #tpu.memory_space<vmem_shared>>
        tpu.enqueue_indirect_dma source(%dma_start3A_298 : memref<128x32xf32, #tpu.memory_space<vmem>>) target(%dma_start3A_304 : memref<10112x32xf32, #tpu.memory_space<vmem_shared>>) offsets(%dma_start3A_301 : memref<128xi32, #tpu.memory_space<vmem>>) semaphore(%run_scoped3A_294 : memref<!tpu.dma_semaphore, #tpu.memory_space<semaphore_mem>>) {add = true}
        %dma_wait3A_305 = arith.constant 0 : i32
        %dma_wait3A_306 = arith.constant 0 : i32
        %dma_wait3A_307 = tpu.memref_slice %arg9[%run_scoped3A_240, %dma_wait3A_305, %dma_wait3A_306] : memref<8x128x32xf32, #tpu.memory_space<vmem>> -> memref<1x128x32xf32, #tpu.memory_space<vmem>>
        %dma_wait3A_308 = tpu.memref_squeeze %dma_wait3A_307 : memref<1x128x32xf32, #tpu.memory_space<vmem>> -> memref<128x32xf32, #tpu.memory_space<vmem>>
        %dma_wait3A_309 = arith.constant 0 : i32
        %dma_wait3A_310 = tpu.memref_slice %arg8[%add3A_228, %dma_wait3A_309] : memref<80x128xi32, #tpu.memory_space<vmem>> -> memref<1x128xi32, #tpu.memory_space<vmem>>
        %dma_wait3A_311 = tpu.memref_squeeze %dma_wait3A_310 : memref<1x128xi32, #tpu.memory_space<vmem>> -> memref<128xi32, #tpu.memory_space<vmem>>
        %dma_wait3A_312 = arith.constant 0 : i32
        %dma_wait3A_313 = arith.constant 0 : i32
        %dma_wait3A_314 = tpu.memref_slice %arg10[%dma_wait3A_312, %dma_wait3A_313] : memref<10112x32xf32, #tpu.memory_space<vmem_shared>> -> memref<10112x32xf32, #tpu.memory_space<vmem_shared>>
        tpu.wait_indirect_dma semaphore(%run_scoped3A_294 : memref<!tpu.dma_semaphore, #tpu.memory_space<semaphore_mem>>) src(%dma_wait3A_308 : memref<128x32xf32, #tpu.memory_space<vmem>>) dst(%dma_wait3A_314 : memref<10112x32xf32, #tpu.memory_space<vmem_shared>>)
        tpu.yield
      }) : () -> ()
      %add3A_241 = arith.constant 8 : i32
      %add3A_242 = arith.addi %add3A_228, %add3A_241 : i32
      %lt3A_243 = arith.constant 80 : i32
      %lt3A_244 = arith.cmpi slt, %add3A_242, %lt3A_243 : i32
      %convert_element_type3A_245 = arith.extui %lt3A_244 : i1 to i32
      %cond3A_246 = arith.constant 0 : i32
      %cond3A_247 = arith.cmpi ne, %convert_element_type3A_245, %cond3A_246 : i32
      scf.if %cond3A_247 {
        %add3A_294 = arith.constant 8 : i32
        %add3A_295 = arith.addi %add3A_228, %add3A_294 : i32
        %dma_start3A_296 = arith.constant 5 : i32
        %dma_start3A_297 = arith.constant 0 : i32
        %dma_start3A_298 = arith.constant 0 : i32
        %dma_start3A_299 = tpu.memref_slice %arg9[%dma_start3A_296, %dma_start3A_297, %dma_start3A_298] : memref<8x128x32xf32, #tpu.memory_space<vmem>> -> memref<1x128x32xf32, #tpu.memory_space<vmem>>
        %dma_start3A_300 = tpu.memref_squeeze %dma_start3A_299 : memref<1x128x32xf32, #tpu.memory_space<vmem>> -> memref<128x32xf32, #tpu.memory_space<vmem>>
        %dma_start3A_301 = arith.constant 0 : i32
        %dma_start3A_302 = tpu.memref_slice %arg7[%add3A_295, %dma_start3A_301] : memref<80x128xi32, #tpu.memory_space<vmem>> -> memref<1x128xi32, #tpu.memory_space<vmem>>
        %dma_start3A_303 = tpu.memref_squeeze %dma_start3A_302 : memref<1x128xi32, #tpu.memory_space<vmem>> -> memref<128xi32, #tpu.memory_space<vmem>>
        %dma_start3A_304 = arith.constant 0 : i32
        %dma_start3A_305 = arith.constant 0 : i32
        %dma_start3A_306 = tpu.memref_slice %arg2[%dma_start3A_304, %dma_start3A_305] : memref<10000x32xf32, #tpu.memory_space<hbm>> -> memref<10000x32xf32, #tpu.memory_space<hbm>>
        tpu.enqueue_indirect_dma source(%dma_start3A_306 : memref<10000x32xf32, #tpu.memory_space<hbm>>) target(%dma_start3A_300 : memref<128x32xf32, #tpu.memory_space<vmem>>) offsets(%dma_start3A_303 : memref<128xi32, #tpu.memory_space<vmem>>) semaphore(%arg16 : memref<!tpu.dma_semaphore, #tpu.memory_space<semaphore_mem>>)
      } else {
      }
      %mul3A_248 = arith.constant 8 : i32
      %mul3A_249 = arith.muli %scan3A_114, %mul3A_248 : i32
      %add3A_250 = arith.constant 6 : i32
      %add3A_251 = arith.addi %mul3A_249, %add3A_250 : i32
      %dma_wait3A_252 = arith.constant 6 : i32
      %dma_wait3A_253 = arith.constant 0 : i32
      %dma_wait3A_254 = arith.constant 0 : i32
      %dma_wait3A_255 = tpu.memref_slice %arg9[%dma_wait3A_252, %dma_wait3A_253, %dma_wait3A_254] : memref<8x128x32xf32, #tpu.memory_space<vmem>> -> memref<1x128x32xf32, #tpu.memory_space<vmem>>
      %dma_wait3A_256 = tpu.memref_squeeze %dma_wait3A_255 : memref<1x128x32xf32, #tpu.memory_space<vmem>> -> memref<128x32xf32, #tpu.memory_space<vmem>>
      %dma_wait3A_257 = arith.constant 0 : i32
      %dma_wait3A_258 = tpu.memref_slice %arg7[%add3A_251, %dma_wait3A_257] : memref<80x128xi32, #tpu.memory_space<vmem>> -> memref<1x128xi32, #tpu.memory_space<vmem>>
      %dma_wait3A_259 = tpu.memref_squeeze %dma_wait3A_258 : memref<1x128xi32, #tpu.memory_space<vmem>> -> memref<128xi32, #tpu.memory_space<vmem>>
      %dma_wait3A_260 = arith.constant 0 : i32
      %dma_wait3A_261 = arith.constant 0 : i32
      %dma_wait3A_262 = tpu.memref_slice %arg2[%dma_wait3A_260, %dma_wait3A_261] : memref<10000x32xf32, #tpu.memory_space<hbm>> -> memref<10000x32xf32, #tpu.memory_space<hbm>>
      tpu.wait_indirect_dma semaphore(%arg17 : memref<!tpu.dma_semaphore, #tpu.memory_space<semaphore_mem>>) src(%dma_wait3A_262 : memref<10000x32xf32, #tpu.memory_space<hbm>>) dst(%dma_wait3A_256 : memref<128x32xf32, #tpu.memory_space<vmem>>)
      %run_scoped3A_263 = arith.constant 6 : i32
      "tpu.region"() ({
        %run_scoped3A_294 = tpu.sem_alloc : memref<!tpu.dma_semaphore, #tpu.memory_space<semaphore_mem>>
        %dma_start3A_295 = arith.constant 0 : i32
        %dma_start3A_296 = arith.constant 0 : i32
        %dma_start3A_297 = tpu.memref_slice %arg9[%run_scoped3A_263, %dma_start3A_295, %dma_start3A_296] : memref<8x128x32xf32, #tpu.memory_space<vmem>> -> memref<1x128x32xf32, #tpu.memory_space<vmem>>
        %dma_start3A_298 = tpu.memref_squeeze %dma_start3A_297 : memref<1x128x32xf32, #tpu.memory_space<vmem>> -> memref<128x32xf32, #tpu.memory_space<vmem>>
        %dma_start3A_299 = arith.constant 0 : i32
        %dma_start3A_300 = tpu.memref_slice %arg8[%add3A_251, %dma_start3A_299] : memref<80x128xi32, #tpu.memory_space<vmem>> -> memref<1x128xi32, #tpu.memory_space<vmem>>
        %dma_start3A_301 = tpu.memref_squeeze %dma_start3A_300 : memref<1x128xi32, #tpu.memory_space<vmem>> -> memref<128xi32, #tpu.memory_space<vmem>>
        %dma_start3A_302 = arith.constant 0 : i32
        %dma_start3A_303 = arith.constant 0 : i32
        %dma_start3A_304 = tpu.memref_slice %arg10[%dma_start3A_302, %dma_start3A_303] : memref<10112x32xf32, #tpu.memory_space<vmem_shared>> -> memref<10112x32xf32, #tpu.memory_space<vmem_shared>>
        tpu.enqueue_indirect_dma source(%dma_start3A_298 : memref<128x32xf32, #tpu.memory_space<vmem>>) target(%dma_start3A_304 : memref<10112x32xf32, #tpu.memory_space<vmem_shared>>) offsets(%dma_start3A_301 : memref<128xi32, #tpu.memory_space<vmem>>) semaphore(%run_scoped3A_294 : memref<!tpu.dma_semaphore, #tpu.memory_space<semaphore_mem>>) {add = true}
        %dma_wait3A_305 = arith.constant 0 : i32
        %dma_wait3A_306 = arith.constant 0 : i32
        %dma_wait3A_307 = tpu.memref_slice %arg9[%run_scoped3A_263, %dma_wait3A_305, %dma_wait3A_306] : memref<8x128x32xf32, #tpu.memory_space<vmem>> -> memref<1x128x32xf32, #tpu.memory_space<vmem>>
        %dma_wait3A_308 = tpu.memref_squeeze %dma_wait3A_307 : memref<1x128x32xf32, #tpu.memory_space<vmem>> -> memref<128x32xf32, #tpu.memory_space<vmem>>
        %dma_wait3A_309 = arith.constant 0 : i32
        %dma_wait3A_310 = tpu.memref_slice %arg8[%add3A_251, %dma_wait3A_309] : memref<80x128xi32, #tpu.memory_space<vmem>> -> memref<1x128xi32, #tpu.memory_space<vmem>>
        %dma_wait3A_311 = tpu.memref_squeeze %dma_wait3A_310 : memref<1x128xi32, #tpu.memory_space<vmem>> -> memref<128xi32, #tpu.memory_space<vmem>>
        %dma_wait3A_312 = arith.constant 0 : i32
        %dma_wait3A_313 = arith.constant 0 : i32
        %dma_wait3A_314 = tpu.memref_slice %arg10[%dma_wait3A_312, %dma_wait3A_313] : memref<10112x32xf32, #tpu.memory_space<vmem_shared>> -> memref<10112x32xf32, #tpu.memory_space<vmem_shared>>
        tpu.wait_indirect_dma semaphore(%run_scoped3A_294 : memref<!tpu.dma_semaphore, #tpu.memory_space<semaphore_mem>>) src(%dma_wait3A_308 : memref<128x32xf32, #tpu.memory_space<vmem>>) dst(%dma_wait3A_314 : memref<10112x32xf32, #tpu.memory_space<vmem_shared>>)
        tpu.yield
      }) : () -> ()
      %add3A_264 = arith.constant 8 : i32
      %add3A_265 = arith.addi %add3A_251, %add3A_264 : i32
      %lt3A_266 = arith.constant 80 : i32
      %lt3A_267 = arith.cmpi slt, %add3A_265, %lt3A_266 : i32
      %convert_element_type3A_268 = arith.extui %lt3A_267 : i1 to i32
      %cond3A_269 = arith.constant 0 : i32
      %cond3A_270 = arith.cmpi ne, %convert_element_type3A_268, %cond3A_269 : i32
      scf.if %cond3A_270 {
        %add3A_294 = arith.constant 8 : i32
        %add3A_295 = arith.addi %add3A_251, %add3A_294 : i32
        %dma_start3A_296 = arith.constant 6 : i32
        %dma_start3A_297 = arith.constant 0 : i32
        %dma_start3A_298 = arith.constant 0 : i32
        %dma_start3A_299 = tpu.memref_slice %arg9[%dma_start3A_296, %dma_start3A_297, %dma_start3A_298] : memref<8x128x32xf32, #tpu.memory_space<vmem>> -> memref<1x128x32xf32, #tpu.memory_space<vmem>>
        %dma_start3A_300 = tpu.memref_squeeze %dma_start3A_299 : memref<1x128x32xf32, #tpu.memory_space<vmem>> -> memref<128x32xf32, #tpu.memory_space<vmem>>
        %dma_start3A_301 = arith.constant 0 : i32
        %dma_start3A_302 = tpu.memref_slice %arg7[%add3A_295, %dma_start3A_301] : memref<80x128xi32, #tpu.memory_space<vmem>> -> memref<1x128xi32, #tpu.memory_space<vmem>>
        %dma_start3A_303 = tpu.memref_squeeze %dma_start3A_302 : memref<1x128xi32, #tpu.memory_space<vmem>> -> memref<128xi32, #tpu.memory_space<vmem>>
        %dma_start3A_304 = arith.constant 0 : i32
        %dma_start3A_305 = arith.constant 0 : i32
        %dma_start3A_306 = tpu.memref_slice %arg2[%dma_start3A_304, %dma_start3A_305] : memref<10000x32xf32, #tpu.memory_space<hbm>> -> memref<10000x32xf32, #tpu.memory_space<hbm>>
        tpu.enqueue_indirect_dma source(%dma_start3A_306 : memref<10000x32xf32, #tpu.memory_space<hbm>>) target(%dma_start3A_300 : memref<128x32xf32, #tpu.memory_space<vmem>>) offsets(%dma_start3A_303 : memref<128xi32, #tpu.memory_space<vmem>>) semaphore(%arg17 : memref<!tpu.dma_semaphore, #tpu.memory_space<semaphore_mem>>)
      } else {
      }
      %mul3A_271 = arith.constant 8 : i32
      %mul3A_272 = arith.muli %scan3A_114, %mul3A_271 : i32
      %add3A_273 = arith.constant 7 : i32
      %add3A_274 = arith.addi %mul3A_272, %add3A_273 : i32
      %dma_wait3A_275 = arith.constant 7 : i32
      %dma_wait3A_276 = arith.constant 0 : i32
      %dma_wait3A_277 = arith.constant 0 : i32
      %dma_wait3A_278 = tpu.memref_slice %arg9[%dma_wait3A_275, %dma_wait3A_276, %dma_wait3A_277] : memref<8x128x32xf32, #tpu.memory_space<vmem>> -> memref<1x128x32xf32, #tpu.memory_space<vmem>>
      %dma_wait3A_279 = tpu.memref_squeeze %dma_wait3A_278 : memref<1x128x32xf32, #tpu.memory_space<vmem>> -> memref<128x32xf32, #tpu.memory_space<vmem>>
      %dma_wait3A_280 = arith.constant 0 : i32
      %dma_wait3A_281 = tpu.memref_slice %arg7[%add3A_274, %dma_wait3A_280] : memref<80x128xi32, #tpu.memory_space<vmem>> -> memref<1x128xi32, #tpu.memory_space<vmem>>
      %dma_wait3A_282 = tpu.memref_squeeze %dma_wait3A_281 : memref<1x128xi32, #tpu.memory_space<vmem>> -> memref<128xi32, #tpu.memory_space<vmem>>
      %dma_wait3A_283 = arith.constant 0 : i32
      %dma_wait3A_284 = arith.constant 0 : i32
      %dma_wait3A_285 = tpu.memref_slice %arg2[%dma_wait3A_283, %dma_wait3A_284] : memref<10000x32xf32, #tpu.memory_space<hbm>> -> memref<10000x32xf32, #tpu.memory_space<hbm>>
      tpu.wait_indirect_dma semaphore(%arg18 : memref<!tpu.dma_semaphore, #tpu.memory_space<semaphore_mem>>) src(%dma_wait3A_285 : memref<10000x32xf32, #tpu.memory_space<hbm>>) dst(%dma_wait3A_279 : memref<128x32xf32, #tpu.memory_space<vmem>>)
      %run_scoped3A_286 = arith.constant 7 : i32
      "tpu.region"() ({
        %run_scoped3A_294 = tpu.sem_alloc : memref<!tpu.dma_semaphore, #tpu.memory_space<semaphore_mem>>
        %dma_start3A_295 = arith.constant 0 : i32
        %dma_start3A_296 = arith.constant 0 : i32
        %dma_start3A_297 = tpu.memref_slice %arg9[%run_scoped3A_286, %dma_start3A_295, %dma_start3A_296] : memref<8x128x32xf32, #tpu.memory_space<vmem>> -> memref<1x128x32xf32, #tpu.memory_space<vmem>>
        %dma_start3A_298 = tpu.memref_squeeze %dma_start3A_297 : memref<1x128x32xf32, #tpu.memory_space<vmem>> -> memref<128x32xf32, #tpu.memory_space<vmem>>
        %dma_start3A_299 = arith.constant 0 : i32
        %dma_start3A_300 = tpu.memref_slice %arg8[%add3A_274, %dma_start3A_299] : memref<80x128xi32, #tpu.memory_space<vmem>> -> memref<1x128xi32, #tpu.memory_space<vmem>>
        %dma_start3A_301 = tpu.memref_squeeze %dma_start3A_300 : memref<1x128xi32, #tpu.memory_space<vmem>> -> memref<128xi32, #tpu.memory_space<vmem>>
        %dma_start3A_302 = arith.constant 0 : i32
        %dma_start3A_303 = arith.constant 0 : i32
        %dma_start3A_304 = tpu.memref_slice %arg10[%dma_start3A_302, %dma_start3A_303] : memref<10112x32xf32, #tpu.memory_space<vmem_shared>> -> memref<10112x32xf32, #tpu.memory_space<vmem_shared>>
        tpu.enqueue_indirect_dma source(%dma_start3A_298 : memref<128x32xf32, #tpu.memory_space<vmem>>) target(%dma_start3A_304 : memref<10112x32xf32, #tpu.memory_space<vmem_shared>>) offsets(%dma_start3A_301 : memref<128xi32, #tpu.memory_space<vmem>>) semaphore(%run_scoped3A_294 : memref<!tpu.dma_semaphore, #tpu.memory_space<semaphore_mem>>) {add = true}
        %dma_wait3A_305 = arith.constant 0 : i32
        %dma_wait3A_306 = arith.constant 0 : i32
        %dma_wait3A_307 = tpu.memref_slice %arg9[%run_scoped3A_286, %dma_wait3A_305, %dma_wait3A_306] : memref<8x128x32xf32, #tpu.memory_space<vmem>> -> memref<1x128x32xf32, #tpu.memory_space<vmem>>
        %dma_wait3A_308 = tpu.memref_squeeze %dma_wait3A_307 : memref<1x128x32xf32, #tpu.memory_space<vmem>> -> memref<128x32xf32, #tpu.memory_space<vmem>>
        %dma_wait3A_309 = arith.constant 0 : i32
        %dma_wait3A_310 = tpu.memref_slice %arg8[%add3A_274, %dma_wait3A_309] : memref<80x128xi32, #tpu.memory_space<vmem>> -> memref<1x128xi32, #tpu.memory_space<vmem>>
        %dma_wait3A_311 = tpu.memref_squeeze %dma_wait3A_310 : memref<1x128xi32, #tpu.memory_space<vmem>> -> memref<128xi32, #tpu.memory_space<vmem>>
        %dma_wait3A_312 = arith.constant 0 : i32
        %dma_wait3A_313 = arith.constant 0 : i32
        %dma_wait3A_314 = tpu.memref_slice %arg10[%dma_wait3A_312, %dma_wait3A_313] : memref<10112x32xf32, #tpu.memory_space<vmem_shared>> -> memref<10112x32xf32, #tpu.memory_space<vmem_shared>>
        tpu.wait_indirect_dma semaphore(%run_scoped3A_294 : memref<!tpu.dma_semaphore, #tpu.memory_space<semaphore_mem>>) src(%dma_wait3A_308 : memref<128x32xf32, #tpu.memory_space<vmem>>) dst(%dma_wait3A_314 : memref<10112x32xf32, #tpu.memory_space<vmem_shared>>)
        tpu.yield
      }) : () -> ()
      %add3A_287 = arith.constant 8 : i32
      %add3A_288 = arith.addi %add3A_274, %add3A_287 : i32
      %lt3A_289 = arith.constant 80 : i32
      %lt3A_290 = arith.cmpi slt, %add3A_288, %lt3A_289 : i32
      %convert_element_type3A_291 = arith.extui %lt3A_290 : i1 to i32
      %cond3A_292 = arith.constant 0 : i32
      %cond3A_293 = arith.cmpi ne, %convert_element_type3A_291, %cond3A_292 : i32
      scf.if %cond3A_293 {
        %add3A_294 = arith.constant 8 : i32
        %add3A_295 = arith.addi %add3A_274, %add3A_294 : i32
        %dma_start3A_296 = arith.constant 7 : i32
        %dma_start3A_297 = arith.constant 0 : i32
        %dma_start3A_298 = arith.constant 0 : i32
        %dma_start3A_299 = tpu.memref_slice %arg9[%dma_start3A_296, %dma_start3A_297, %dma_start3A_298] : memref<8x128x32xf32, #tpu.memory_space<vmem>> -> memref<1x128x32xf32, #tpu.memory_space<vmem>>
        %dma_start3A_300 = tpu.memref_squeeze %dma_start3A_299 : memref<1x128x32xf32, #tpu.memory_space<vmem>> -> memref<128x32xf32, #tpu.memory_space<vmem>>
        %dma_start3A_301 = arith.constant 0 : i32
        %dma_start3A_302 = tpu.memref_slice %arg7[%add3A_295, %dma_start3A_301] : memref<80x128xi32, #tpu.memory_space<vmem>> -> memref<1x128xi32, #tpu.memory_space<vmem>>
        %dma_start3A_303 = tpu.memref_squeeze %dma_start3A_302 : memref<1x128xi32, #tpu.memory_space<vmem>> -> memref<128xi32, #tpu.memory_space<vmem>>
        %dma_start3A_304 = arith.constant 0 : i32
        %dma_start3A_305 = arith.constant 0 : i32
        %dma_start3A_306 = tpu.memref_slice %arg2[%dma_start3A_304, %dma_start3A_305] : memref<10000x32xf32, #tpu.memory_space<hbm>> -> memref<10000x32xf32, #tpu.memory_space<hbm>>
        tpu.enqueue_indirect_dma source(%dma_start3A_306 : memref<10000x32xf32, #tpu.memory_space<hbm>>) target(%dma_start3A_300 : memref<128x32xf32, #tpu.memory_space<vmem>>) offsets(%dma_start3A_303 : memref<128xi32, #tpu.memory_space<vmem>>) semaphore(%arg18 : memref<!tpu.dma_semaphore, #tpu.memory_space<semaphore_mem>>)
      } else {
      }
    }
    %scan3A_108 = arith.constant 10 : i32
    %barrier3A_109 = arith.constant 0 : index
    tpu.barrier barrier_id(%barrier3A_109)
    %mul3A_110 = arith.constant 632 : i32
    %mul3A_111 = arith.muli %arg1, %mul3A_110 : i32
    %mul3A_112 = arith.constant 632 : i32
    %mul3A_113 = arith.muli %arg1, %mul3A_112 : i32
    "tpu.region"() ({
      %run_scoped3A = tpu.sem_alloc : memref<!tpu.dma_semaphore, #tpu.memory_space<semaphore_mem>>
      %dma_start3A_114 = arith.constant 0 : i32
      %dma_start3A_115 = tpu.memref_slice %arg6[%arg0, %mul3A_113, %dma_start3A_114] : memref<2x10112x32xf32, #tpu.memory_space<hbm>> -> memref<1x632x32xf32, #tpu.memory_space<hbm>>
      %dma_start3A_116 = tpu.memref_squeeze %dma_start3A_115 : memref<1x632x32xf32, #tpu.memory_space<hbm>> -> memref<632x32xf32, #tpu.memory_space<hbm>>
      %dma_start3A_117 = arith.constant 0 : i32
      %dma_start3A_118 = tpu.memref_slice %arg10[%mul3A_111, %dma_start3A_117] : memref<10112x32xf32, #tpu.memory_space<vmem_shared>> -> memref<632x32xf32, #tpu.memory_space<vmem_shared>>
      tpu.enqueue_dma source(%dma_start3A_118 : memref<632x32xf32, #tpu.memory_space<vmem_shared>>) target(%dma_start3A_116 : memref<632x32xf32, #tpu.memory_space<hbm>>) target_semaphore(%run_scoped3A : memref<!tpu.dma_semaphore, #tpu.memory_space<semaphore_mem>>)
      %dma_wait3A = arith.constant 0 : i32
      %dma_wait3A_119 = tpu.memref_slice %arg6[%arg0, %mul3A_113, %dma_wait3A] : memref<2x10112x32xf32, #tpu.memory_space<hbm>> -> memref<1x632x32xf32, #tpu.memory_space<hbm>>
      %dma_wait3A_120 = tpu.memref_squeeze %dma_wait3A_119 : memref<1x632x32xf32, #tpu.memory_space<hbm>> -> memref<632x32xf32, #tpu.memory_space<hbm>>
      %dma_wait3A_121 = arith.constant 0 : i32
      %dma_wait3A_122 = tpu.memref_slice %arg10[%mul3A_111, %dma_wait3A_121] : memref<10112x32xf32, #tpu.memory_space<vmem_shared>> -> memref<632x32xf32, #tpu.memory_space<vmem_shared>>
      tpu.wait_dma2 semaphore(%run_scoped3A : memref<!tpu.dma_semaphore, #tpu.memory_space<semaphore_mem>>) src(%dma_wait3A_122 : memref<632x32xf32, #tpu.memory_space<vmem_shared>>) dst(%dma_wait3A_120 : memref<632x32xf32, #tpu.memory_space<hbm>>)
      tpu.yield
    }) : () -> ()
    return
  }
}

#map = affine_map<(d0, d1) -> (0, 0)>
#map1 = affine_map<(d0, d1) -> (0, 0, 0)>
module attributes {stable_mosaic.version = 14 : i64} {
  func.func @_conv_impl(%arg0: i32, %arg1: i32, %arg2: memref<10000x64xf32, #tpu.memory_space<hbm>>, %arg3: memref<2560x128xi32, #tpu.memory_space<hbm>>, %arg4: memref<2560x128xi32, #tpu.memory_space<hbm>>, %arg5: memref<10112x64xf32, #tpu.memory_space<hbm>>, %arg6: memref<2x10112x64xf32, #tpu.memory_space<hbm>>, %arg7: memref<80x128xi32, #tpu.memory_space<vmem>>, %arg8: memref<80x128xi32, #tpu.memory_space<vmem>>, %arg9: memref<8x128x64xf32, #tpu.memory_space<vmem>>, %arg10: memref<10112x64xf32, #tpu.memory_space<vmem_shared>>, %arg11: memref<!tpu.dma_semaphore, #tpu.memory_space<semaphore_mem>>, %arg12: memref<!tpu.dma_semaphore, #tpu.memory_space<semaphore_mem>>, %arg13: memref<!tpu.dma_semaphore, #tpu.memory_space<semaphore_mem>>, %arg14: memref<!tpu.dma_semaphore, #tpu.memory_space<semaphore_mem>>, %arg15: memref<!tpu.dma_semaphore, #tpu.memory_space<semaphore_mem>>, %arg16: memref<!tpu.dma_semaphore, #tpu.memory_space<semaphore_mem>>, %arg17: memref<!tpu.dma_semaphore, #tpu.memory_space<semaphore_mem>>, %arg18: memref<!tpu.dma_semaphore, #tpu.memory_space<semaphore_mem>>) attributes {dimension_semantics = [#tpu.dimension_semantics<core_parallel>, #tpu.dimension_semantics<subcore_parallel>], iteration_bounds = array<i64: 2, 16>, scalar_prefetch = 0 : i64, scratch_operands = 12 : i64, tpu.core_type = #tpu.core_type<sc_vector_subcore>, window_params = [{transform_indices = #map}, {transform_indices = #map}, {transform_indices = #map}, {transform_indices = #map}, {transform_indices = #map1}]} {
    %mul3A = arith.constant 16 : i32
    %mul3A_0 = arith.muli %arg0, %mul3A : i32
    %add3A = arith.addi %mul3A_0, %arg1 : i32
    %mul3A_1 = arith.constant 80 : i32
    %mul3A_2 = arith.muli %add3A, %mul3A_1 : i32
    "tpu.region"() ({
      %run_scoped3A = tpu.sem_alloc : memref<!tpu.dma_semaphore, #tpu.memory_space<semaphore_mem>>
      %dma_start3A_114 = arith.constant 0 : i32
      %dma_start3A_115 = tpu.memref_slice %arg3[%mul3A_2, %dma_start3A_114] : memref<2560x128xi32, #tpu.memory_space<hbm>> -> memref<80x128xi32, #tpu.memory_space<hbm>>
      %dma_start3A_116 = arith.constant 0 : i32
      %dma_start3A_117 = tpu.memref_slice %arg3[%mul3A_2, %dma_start3A_116] : memref<2560x128xi32, #tpu.memory_space<hbm>> -> memref<80x128xi32, #tpu.memory_space<hbm>>
      tpu.enqueue_dma source(%dma_start3A_117 : memref<80x128xi32, #tpu.memory_space<hbm>>) target(%arg7 : memref<80x128xi32, #tpu.memory_space<vmem>>) target_semaphore(%run_scoped3A : memref<!tpu.dma_semaphore, #tpu.memory_space<semaphore_mem>>)
      %dma_wait3A = arith.constant 0 : i32
      %dma_wait3A_118 = tpu.memref_slice %arg3[%mul3A_2, %dma_wait3A] : memref<2560x128xi32, #tpu.memory_space<hbm>> -> memref<80x128xi32, #tpu.memory_space<hbm>>
      %dma_wait3A_119 = arith.constant 0 : i32
      %dma_wait3A_120 = tpu.memref_slice %arg3[%mul3A_2, %dma_wait3A_119] : memref<2560x128xi32, #tpu.memory_space<hbm>> -> memref<80x128xi32, #tpu.memory_space<hbm>>
      tpu.wait_dma2 semaphore(%run_scoped3A : memref<!tpu.dma_semaphore, #tpu.memory_space<semaphore_mem>>) src(%dma_wait3A_120 : memref<80x128xi32, #tpu.memory_space<hbm>>) dst(%arg7 : memref<80x128xi32, #tpu.memory_space<vmem>>)
      tpu.yield
    }) : () -> ()
    %mul3A_3 = arith.constant 80 : i32
    %mul3A_4 = arith.muli %add3A, %mul3A_3 : i32
    "tpu.region"() ({
      %run_scoped3A = tpu.sem_alloc : memref<!tpu.dma_semaphore, #tpu.memory_space<semaphore_mem>>
      %dma_start3A_114 = arith.constant 0 : i32
      %dma_start3A_115 = tpu.memref_slice %arg4[%mul3A_4, %dma_start3A_114] : memref<2560x128xi32, #tpu.memory_space<hbm>> -> memref<80x128xi32, #tpu.memory_space<hbm>>
      %dma_start3A_116 = arith.constant 0 : i32
      %dma_start3A_117 = tpu.memref_slice %arg4[%mul3A_4, %dma_start3A_116] : memref<2560x128xi32, #tpu.memory_space<hbm>> -> memref<80x128xi32, #tpu.memory_space<hbm>>
      tpu.enqueue_dma source(%dma_start3A_117 : memref<80x128xi32, #tpu.memory_space<hbm>>) target(%arg8 : memref<80x128xi32, #tpu.memory_space<vmem>>) target_semaphore(%run_scoped3A : memref<!tpu.dma_semaphore, #tpu.memory_space<semaphore_mem>>)
      %dma_wait3A = arith.constant 0 : i32
      %dma_wait3A_118 = tpu.memref_slice %arg4[%mul3A_4, %dma_wait3A] : memref<2560x128xi32, #tpu.memory_space<hbm>> -> memref<80x128xi32, #tpu.memory_space<hbm>>
      %dma_wait3A_119 = arith.constant 0 : i32
      %dma_wait3A_120 = tpu.memref_slice %arg4[%mul3A_4, %dma_wait3A_119] : memref<2560x128xi32, #tpu.memory_space<hbm>> -> memref<80x128xi32, #tpu.memory_space<hbm>>
      tpu.wait_dma2 semaphore(%run_scoped3A : memref<!tpu.dma_semaphore, #tpu.memory_space<semaphore_mem>>) src(%dma_wait3A_120 : memref<80x128xi32, #tpu.memory_space<hbm>>) dst(%arg8 : memref<80x128xi32, #tpu.memory_space<vmem>>)
      tpu.yield
    }) : () -> ()
    %mul3A_5 = arith.constant 632 : i32
    %mul3A_6 = arith.muli %arg1, %mul3A_5 : i32
    %mul3A_7 = arith.constant 632 : i32
    %mul3A_8 = arith.muli %arg1, %mul3A_7 : i32
    "tpu.region"() ({
      %run_scoped3A = tpu.sem_alloc : memref<!tpu.dma_semaphore, #tpu.memory_space<semaphore_mem>>
      %dma_start3A_114 = arith.constant 0 : i32
      %dma_start3A_115 = tpu.memref_slice %arg10[%mul3A_8, %dma_start3A_114] : memref<10112x64xf32, #tpu.memory_space<vmem_shared>> -> memref<632x64xf32, #tpu.memory_space<vmem_shared>>
      %dma_start3A_116 = arith.constant 0 : i32
      %dma_start3A_117 = tpu.memref_slice %arg5[%mul3A_6, %dma_start3A_116] : memref<10112x64xf32, #tpu.memory_space<hbm>> -> memref<632x64xf32, #tpu.memory_space<hbm>>
      tpu.enqueue_dma source(%dma_start3A_117 : memref<632x64xf32, #tpu.memory_space<hbm>>) target(%dma_start3A_115 : memref<632x64xf32, #tpu.memory_space<vmem_shared>>) target_semaphore(%run_scoped3A : memref<!tpu.dma_semaphore, #tpu.memory_space<semaphore_mem>>)
      %dma_wait3A = arith.constant 0 : i32
      %dma_wait3A_118 = tpu.memref_slice %arg10[%mul3A_8, %dma_wait3A] : memref<10112x64xf32, #tpu.memory_space<vmem_shared>> -> memref<632x64xf32, #tpu.memory_space<vmem_shared>>
      %dma_wait3A_119 = arith.constant 0 : i32
      %dma_wait3A_120 = tpu.memref_slice %arg5[%mul3A_6, %dma_wait3A_119] : memref<10112x64xf32, #tpu.memory_space<hbm>> -> memref<632x64xf32, #tpu.memory_space<hbm>>
      tpu.wait_dma2 semaphore(%run_scoped3A : memref<!tpu.dma_semaphore, #tpu.memory_space<semaphore_mem>>) src(%dma_wait3A_120 : memref<632x64xf32, #tpu.memory_space<hbm>>) dst(%dma_wait3A_118 : memref<632x64xf32, #tpu.memory_space<vmem_shared>>)
      tpu.yield
    }) : () -> ()
    %barrier3A = arith.constant 0 : index
    tpu.barrier barrier_id(%barrier3A)
    %dma_start3A = arith.constant 0 : i32
    %dma_start3A_9 = arith.constant 0 : i32
    %dma_start3A_10 = arith.constant 0 : i32
    %dma_start3A_11 = arith.constant 0 : i32
    %dma_start3A_12 = tpu.memref_slice %arg9[%dma_start3A_9, %dma_start3A_10, %dma_start3A_11] : memref<8x128x64xf32, #tpu.memory_space<vmem>> -> memref<1x128x64xf32, #tpu.memory_space<vmem>>
    %dma_start3A_13 = tpu.memref_squeeze %dma_start3A_12 : memref<1x128x64xf32, #tpu.memory_space<vmem>> -> memref<128x64xf32, #tpu.memory_space<vmem>>
    %dma_start3A_14 = arith.constant 0 : i32
    %dma_start3A_15 = tpu.memref_slice %arg7[%dma_start3A, %dma_start3A_14] : memref<80x128xi32, #tpu.memory_space<vmem>> -> memref<1x128xi32, #tpu.memory_space<vmem>>
    %dma_start3A_16 = tpu.memref_squeeze %dma_start3A_15 : memref<1x128xi32, #tpu.memory_space<vmem>> -> memref<128xi32, #tpu.memory_space<vmem>>
    %dma_start3A_17 = arith.constant 0 : i32
    %dma_start3A_18 = arith.constant 0 : i32
    %dma_start3A_19 = tpu.memref_slice %arg2[%dma_start3A_17, %dma_start3A_18] : memref<10000x64xf32, #tpu.memory_space<hbm>> -> memref<10000x64xf32, #tpu.memory_space<hbm>>
    tpu.enqueue_indirect_dma source(%dma_start3A_19 : memref<10000x64xf32, #tpu.memory_space<hbm>>) target(%dma_start3A_13 : memref<128x64xf32, #tpu.memory_space<vmem>>) offsets(%dma_start3A_16 : memref<128xi32, #tpu.memory_space<vmem>>) semaphore(%arg11 : memref<!tpu.dma_semaphore, #tpu.memory_space<semaphore_mem>>)
    %dma_start3A_20 = arith.constant 1 : i32
    %dma_start3A_21 = arith.constant 1 : i32
    %dma_start3A_22 = arith.constant 0 : i32
    %dma_start3A_23 = arith.constant 0 : i32
    %dma_start3A_24 = tpu.memref_slice %arg9[%dma_start3A_21, %dma_start3A_22, %dma_start3A_23] : memref<8x128x64xf32, #tpu.memory_space<vmem>> -> memref<1x128x64xf32, #tpu.memory_space<vmem>>
    %dma_start3A_25 = tpu.memref_squeeze %dma_start3A_24 : memref<1x128x64xf32, #tpu.memory_space<vmem>> -> memref<128x64xf32, #tpu.memory_space<vmem>>
    %dma_start3A_26 = arith.constant 0 : i32
    %dma_start3A_27 = tpu.memref_slice %arg7[%dma_start3A_20, %dma_start3A_26] : memref<80x128xi32, #tpu.memory_space<vmem>> -> memref<1x128xi32, #tpu.memory_space<vmem>>
    %dma_start3A_28 = tpu.memref_squeeze %dma_start3A_27 : memref<1x128xi32, #tpu.memory_space<vmem>> -> memref<128xi32, #tpu.memory_space<vmem>>
    %dma_start3A_29 = arith.constant 0 : i32
    %dma_start3A_30 = arith.constant 0 : i32
    %dma_start3A_31 = tpu.memref_slice %arg2[%dma_start3A_29, %dma_start3A_30] : memref<10000x64xf32, #tpu.memory_space<hbm>> -> memref<10000x64xf32, #tpu.memory_space<hbm>>
    tpu.enqueue_indirect_dma source(%dma_start3A_31 : memref<10000x64xf32, #tpu.memory_space<hbm>>) target(%dma_start3A_25 : memref<128x64xf32, #tpu.memory_space<vmem>>) offsets(%dma_start3A_28 : memref<128xi32, #tpu.memory_space<vmem>>) semaphore(%arg12 : memref<!tpu.dma_semaphore, #tpu.memory_space<semaphore_mem>>)
    %dma_start3A_32 = arith.constant 2 : i32
    %dma_start3A_33 = arith.constant 2 : i32
    %dma_start3A_34 = arith.constant 0 : i32
    %dma_start3A_35 = arith.constant 0 : i32
    %dma_start3A_36 = tpu.memref_slice %arg9[%dma_start3A_33, %dma_start3A_34, %dma_start3A_35] : memref<8x128x64xf32, #tpu.memory_space<vmem>> -> memref<1x128x64xf32, #tpu.memory_space<vmem>>
    %dma_start3A_37 = tpu.memref_squeeze %dma_start3A_36 : memref<1x128x64xf32, #tpu.memory_space<vmem>> -> memref<128x64xf32, #tpu.memory_space<vmem>>
    %dma_start3A_38 = arith.constant 0 : i32
    %dma_start3A_39 = tpu.memref_slice %arg7[%dma_start3A_32, %dma_start3A_38] : memref<80x128xi32, #tpu.memory_space<vmem>> -> memref<1x128xi32, #tpu.memory_space<vmem>>
    %dma_start3A_40 = tpu.memref_squeeze %dma_start3A_39 : memref<1x128xi32, #tpu.memory_space<vmem>> -> memref<128xi32, #tpu.memory_space<vmem>>
    %dma_start3A_41 = arith.constant 0 : i32
    %dma_start3A_42 = arith.constant 0 : i32
    %dma_start3A_43 = tpu.memref_slice %arg2[%dma_start3A_41, %dma_start3A_42] : memref<10000x64xf32, #tpu.memory_space<hbm>> -> memref<10000x64xf32, #tpu.memory_space<hbm>>
    tpu.enqueue_indirect_dma source(%dma_start3A_43 : memref<10000x64xf32, #tpu.memory_space<hbm>>) target(%dma_start3A_37 : memref<128x64xf32, #tpu.memory_space<vmem>>) offsets(%dma_start3A_40 : memref<128xi32, #tpu.memory_space<vmem>>) semaphore(%arg13 : memref<!tpu.dma_semaphore, #tpu.memory_space<semaphore_mem>>)
    %dma_start3A_44 = arith.constant 3 : i32
    %dma_start3A_45 = arith.constant 3 : i32
    %dma_start3A_46 = arith.constant 0 : i32
    %dma_start3A_47 = arith.constant 0 : i32
    %dma_start3A_48 = tpu.memref_slice %arg9[%dma_start3A_45, %dma_start3A_46, %dma_start3A_47] : memref<8x128x64xf32, #tpu.memory_space<vmem>> -> memref<1x128x64xf32, #tpu.memory_space<vmem>>
    %dma_start3A_49 = tpu.memref_squeeze %dma_start3A_48 : memref<1x128x64xf32, #tpu.memory_space<vmem>> -> memref<128x64xf32, #tpu.memory_space<vmem>>
    %dma_start3A_50 = arith.constant 0 : i32
    %dma_start3A_51 = tpu.memref_slice %arg7[%dma_start3A_44, %dma_start3A_50] : memref<80x128xi32, #tpu.memory_space<vmem>> -> memref<1x128xi32, #tpu.memory_space<vmem>>
    %dma_start3A_52 = tpu.memref_squeeze %dma_start3A_51 : memref<1x128xi32, #tpu.memory_space<vmem>> -> memref<128xi32, #tpu.memory_space<vmem>>
    %dma_start3A_53 = arith.constant 0 : i32
    %dma_start3A_54 = arith.constant 0 : i32
    %dma_start3A_55 = tpu.memref_slice %arg2[%dma_start3A_53, %dma_start3A_54] : memref<10000x64xf32, #tpu.memory_space<hbm>> -> memref<10000x64xf32, #tpu.memory_space<hbm>>
    tpu.enqueue_indirect_dma source(%dma_start3A_55 : memref<10000x64xf32, #tpu.memory_space<hbm>>) target(%dma_start3A_49 : memref<128x64xf32, #tpu.memory_space<vmem>>) offsets(%dma_start3A_52 : memref<128xi32, #tpu.memory_space<vmem>>) semaphore(%arg14 : memref<!tpu.dma_semaphore, #tpu.memory_space<semaphore_mem>>)
    %dma_start3A_56 = arith.constant 4 : i32
    %dma_start3A_57 = arith.constant 4 : i32
    %dma_start3A_58 = arith.constant 0 : i32
    %dma_start3A_59 = arith.constant 0 : i32
    %dma_start3A_60 = tpu.memref_slice %arg9[%dma_start3A_57, %dma_start3A_58, %dma_start3A_59] : memref<8x128x64xf32, #tpu.memory_space<vmem>> -> memref<1x128x64xf32, #tpu.memory_space<vmem>>
    %dma_start3A_61 = tpu.memref_squeeze %dma_start3A_60 : memref<1x128x64xf32, #tpu.memory_space<vmem>> -> memref<128x64xf32, #tpu.memory_space<vmem>>
    %dma_start3A_62 = arith.constant 0 : i32
    %dma_start3A_63 = tpu.memref_slice %arg7[%dma_start3A_56, %dma_start3A_62] : memref<80x128xi32, #tpu.memory_space<vmem>> -> memref<1x128xi32, #tpu.memory_space<vmem>>
    %dma_start3A_64 = tpu.memref_squeeze %dma_start3A_63 : memref<1x128xi32, #tpu.memory_space<vmem>> -> memref<128xi32, #tpu.memory_space<vmem>>
    %dma_start3A_65 = arith.constant 0 : i32
    %dma_start3A_66 = arith.constant 0 : i32
    %dma_start3A_67 = tpu.memref_slice %arg2[%dma_start3A_65, %dma_start3A_66] : memref<10000x64xf32, #tpu.memory_space<hbm>> -> memref<10000x64xf32, #tpu.memory_space<hbm>>
    tpu.enqueue_indirect_dma source(%dma_start3A_67 : memref<10000x64xf32, #tpu.memory_space<hbm>>) target(%dma_start3A_61 : memref<128x64xf32, #tpu.memory_space<vmem>>) offsets(%dma_start3A_64 : memref<128xi32, #tpu.memory_space<vmem>>) semaphore(%arg15 : memref<!tpu.dma_semaphore, #tpu.memory_space<semaphore_mem>>)
    %dma_start3A_68 = arith.constant 5 : i32
    %dma_start3A_69 = arith.constant 5 : i32
    %dma_start3A_70 = arith.constant 0 : i32
    %dma_start3A_71 = arith.constant 0 : i32
    %dma_start3A_72 = tpu.memref_slice %arg9[%dma_start3A_69, %dma_start3A_70, %dma_start3A_71] : memref<8x128x64xf32, #tpu.memory_space<vmem>> -> memref<1x128x64xf32, #tpu.memory_space<vmem>>
    %dma_start3A_73 = tpu.memref_squeeze %dma_start3A_72 : memref<1x128x64xf32, #tpu.memory_space<vmem>> -> memref<128x64xf32, #tpu.memory_space<vmem>>
    %dma_start3A_74 = arith.constant 0 : i32
    %dma_start3A_75 = tpu.memref_slice %arg7[%dma_start3A_68, %dma_start3A_74] : memref<80x128xi32, #tpu.memory_space<vmem>> -> memref<1x128xi32, #tpu.memory_space<vmem>>
    %dma_start3A_76 = tpu.memref_squeeze %dma_start3A_75 : memref<1x128xi32, #tpu.memory_space<vmem>> -> memref<128xi32, #tpu.memory_space<vmem>>
    %dma_start3A_77 = arith.constant 0 : i32
    %dma_start3A_78 = arith.constant 0 : i32
    %dma_start3A_79 = tpu.memref_slice %arg2[%dma_start3A_77, %dma_start3A_78] : memref<10000x64xf32, #tpu.memory_space<hbm>> -> memref<10000x64xf32, #tpu.memory_space<hbm>>
    tpu.enqueue_indirect_dma source(%dma_start3A_79 : memref<10000x64xf32, #tpu.memory_space<hbm>>) target(%dma_start3A_73 : memref<128x64xf32, #tpu.memory_space<vmem>>) offsets(%dma_start3A_76 : memref<128xi32, #tpu.memory_space<vmem>>) semaphore(%arg16 : memref<!tpu.dma_semaphore, #tpu.memory_space<semaphore_mem>>)
    %dma_start3A_80 = arith.constant 6 : i32
    %dma_start3A_81 = arith.constant 6 : i32
    %dma_start3A_82 = arith.constant 0 : i32
    %dma_start3A_83 = arith.constant 0 : i32
    %dma_start3A_84 = tpu.memref_slice %arg9[%dma_start3A_81, %dma_start3A_82, %dma_start3A_83] : memref<8x128x64xf32, #tpu.memory_space<vmem>> -> memref<1x128x64xf32, #tpu.memory_space<vmem>>
    %dma_start3A_85 = tpu.memref_squeeze %dma_start3A_84 : memref<1x128x64xf32, #tpu.memory_space<vmem>> -> memref<128x64xf32, #tpu.memory_space<vmem>>
    %dma_start3A_86 = arith.constant 0 : i32
    %dma_start3A_87 = tpu.memref_slice %arg7[%dma_start3A_80, %dma_start3A_86] : memref<80x128xi32, #tpu.memory_space<vmem>> -> memref<1x128xi32, #tpu.memory_space<vmem>>
    %dma_start3A_88 = tpu.memref_squeeze %dma_start3A_87 : memref<1x128xi32, #tpu.memory_space<vmem>> -> memref<128xi32, #tpu.memory_space<vmem>>
    %dma_start3A_89 = arith.constant 0 : i32
    %dma_start3A_90 = arith.constant 0 : i32
    %dma_start3A_91 = tpu.memref_slice %arg2[%dma_start3A_89, %dma_start3A_90] : memref<10000x64xf32, #tpu.memory_space<hbm>> -> memref<10000x64xf32, #tpu.memory_space<hbm>>
    tpu.enqueue_indirect_dma source(%dma_start3A_91 : memref<10000x64xf32, #tpu.memory_space<hbm>>) target(%dma_start3A_85 : memref<128x64xf32, #tpu.memory_space<vmem>>) offsets(%dma_start3A_88 : memref<128xi32, #tpu.memory_space<vmem>>) semaphore(%arg17 : memref<!tpu.dma_semaphore, #tpu.memory_space<semaphore_mem>>)
    %dma_start3A_92 = arith.constant 7 : i32
    %dma_start3A_93 = arith.constant 7 : i32
    %dma_start3A_94 = arith.constant 0 : i32
    %dma_start3A_95 = arith.constant 0 : i32
    %dma_start3A_96 = tpu.memref_slice %arg9[%dma_start3A_93, %dma_start3A_94, %dma_start3A_95] : memref<8x128x64xf32, #tpu.memory_space<vmem>> -> memref<1x128x64xf32, #tpu.memory_space<vmem>>
    %dma_start3A_97 = tpu.memref_squeeze %dma_start3A_96 : memref<1x128x64xf32, #tpu.memory_space<vmem>> -> memref<128x64xf32, #tpu.memory_space<vmem>>
    %dma_start3A_98 = arith.constant 0 : i32
    %dma_start3A_99 = tpu.memref_slice %arg7[%dma_start3A_92, %dma_start3A_98] : memref<80x128xi32, #tpu.memory_space<vmem>> -> memref<1x128xi32, #tpu.memory_space<vmem>>
    %dma_start3A_100 = tpu.memref_squeeze %dma_start3A_99 : memref<1x128xi32, #tpu.memory_space<vmem>> -> memref<128xi32, #tpu.memory_space<vmem>>
    %dma_start3A_101 = arith.constant 0 : i32
    %dma_start3A_102 = arith.constant 0 : i32
    %dma_start3A_103 = tpu.memref_slice %arg2[%dma_start3A_101, %dma_start3A_102] : memref<10000x64xf32, #tpu.memory_space<hbm>> -> memref<10000x64xf32, #tpu.memory_space<hbm>>
    tpu.enqueue_indirect_dma source(%dma_start3A_103 : memref<10000x64xf32, #tpu.memory_space<hbm>>) target(%dma_start3A_97 : memref<128x64xf32, #tpu.memory_space<vmem>>) offsets(%dma_start3A_100 : memref<128xi32, #tpu.memory_space<vmem>>) semaphore(%arg18 : memref<!tpu.dma_semaphore, #tpu.memory_space<semaphore_mem>>)
    %scan3A = arith.constant 0 : i32
    %scan3A_104 = arith.constant 0 : i32
    %scan3A_105 = arith.constant 10 : i32
    %scan3A_106 = arith.addi %scan3A_104, %scan3A_105 : i32
    %scan3A_107 = arith.constant 1 : i32
    scf.for %scan3A_114 = %scan3A_104 to %scan3A_106 step %scan3A_107  : i32 {
      %mul3A_115 = arith.constant 8 : i32
      %mul3A_116 = arith.muli %scan3A_114, %mul3A_115 : i32
      %add3A_117 = arith.constant 0 : i32
      %add3A_118 = arith.addi %mul3A_116, %add3A_117 : i32
      %dma_wait3A = arith.constant 0 : i32
      %dma_wait3A_119 = arith.constant 0 : i32
      %dma_wait3A_120 = arith.constant 0 : i32
      %dma_wait3A_121 = tpu.memref_slice %arg9[%dma_wait3A, %dma_wait3A_119, %dma_wait3A_120] : memref<8x128x64xf32, #tpu.memory_space<vmem>> -> memref<1x128x64xf32, #tpu.memory_space<vmem>>
      %dma_wait3A_122 = tpu.memref_squeeze %dma_wait3A_121 : memref<1x128x64xf32, #tpu.memory_space<vmem>> -> memref<128x64xf32, #tpu.memory_space<vmem>>
      %dma_wait3A_123 = arith.constant 0 : i32
      %dma_wait3A_124 = tpu.memref_slice %arg7[%add3A_118, %dma_wait3A_123] : memref<80x128xi32, #tpu.memory_space<vmem>> -> memref<1x128xi32, #tpu.memory_space<vmem>>
      %dma_wait3A_125 = tpu.memref_squeeze %dma_wait3A_124 : memref<1x128xi32, #tpu.memory_space<vmem>> -> memref<128xi32, #tpu.memory_space<vmem>>
      %dma_wait3A_126 = arith.constant 0 : i32
      %dma_wait3A_127 = arith.constant 0 : i32
      %dma_wait3A_128 = tpu.memref_slice %arg2[%dma_wait3A_126, %dma_wait3A_127] : memref<10000x64xf32, #tpu.memory_space<hbm>> -> memref<10000x64xf32, #tpu.memory_space<hbm>>
      tpu.wait_indirect_dma semaphore(%arg11 : memref<!tpu.dma_semaphore, #tpu.memory_space<semaphore_mem>>) src(%dma_wait3A_128 : memref<10000x64xf32, #tpu.memory_space<hbm>>) dst(%dma_wait3A_122 : memref<128x64xf32, #tpu.memory_space<vmem>>)
      %run_scoped3A = arith.constant 0 : i32
      "tpu.region"() ({
        %run_scoped3A_294 = tpu.sem_alloc : memref<!tpu.dma_semaphore, #tpu.memory_space<semaphore_mem>>
        %dma_start3A_295 = arith.constant 0 : i32
        %dma_start3A_296 = arith.constant 0 : i32
        %dma_start3A_297 = tpu.memref_slice %arg9[%run_scoped3A, %dma_start3A_295, %dma_start3A_296] : memref<8x128x64xf32, #tpu.memory_space<vmem>> -> memref<1x128x64xf32, #tpu.memory_space<vmem>>
        %dma_start3A_298 = tpu.memref_squeeze %dma_start3A_297 : memref<1x128x64xf32, #tpu.memory_space<vmem>> -> memref<128x64xf32, #tpu.memory_space<vmem>>
        %dma_start3A_299 = arith.constant 0 : i32
        %dma_start3A_300 = tpu.memref_slice %arg8[%add3A_118, %dma_start3A_299] : memref<80x128xi32, #tpu.memory_space<vmem>> -> memref<1x128xi32, #tpu.memory_space<vmem>>
        %dma_start3A_301 = tpu.memref_squeeze %dma_start3A_300 : memref<1x128xi32, #tpu.memory_space<vmem>> -> memref<128xi32, #tpu.memory_space<vmem>>
        %dma_start3A_302 = arith.constant 0 : i32
        %dma_start3A_303 = arith.constant 0 : i32
        %dma_start3A_304 = tpu.memref_slice %arg10[%dma_start3A_302, %dma_start3A_303] : memref<10112x64xf32, #tpu.memory_space<vmem_shared>> -> memref<10112x64xf32, #tpu.memory_space<vmem_shared>>
        tpu.enqueue_indirect_dma source(%dma_start3A_298 : memref<128x64xf32, #tpu.memory_space<vmem>>) target(%dma_start3A_304 : memref<10112x64xf32, #tpu.memory_space<vmem_shared>>) offsets(%dma_start3A_301 : memref<128xi32, #tpu.memory_space<vmem>>) semaphore(%run_scoped3A_294 : memref<!tpu.dma_semaphore, #tpu.memory_space<semaphore_mem>>) {add = true}
        %dma_wait3A_305 = arith.constant 0 : i32
        %dma_wait3A_306 = arith.constant 0 : i32
        %dma_wait3A_307 = tpu.memref_slice %arg9[%run_scoped3A, %dma_wait3A_305, %dma_wait3A_306] : memref<8x128x64xf32, #tpu.memory_space<vmem>> -> memref<1x128x64xf32, #tpu.memory_space<vmem>>
        %dma_wait3A_308 = tpu.memref_squeeze %dma_wait3A_307 : memref<1x128x64xf32, #tpu.memory_space<vmem>> -> memref<128x64xf32, #tpu.memory_space<vmem>>
        %dma_wait3A_309 = arith.constant 0 : i32
        %dma_wait3A_310 = tpu.memref_slice %arg8[%add3A_118, %dma_wait3A_309] : memref<80x128xi32, #tpu.memory_space<vmem>> -> memref<1x128xi32, #tpu.memory_space<vmem>>
        %dma_wait3A_311 = tpu.memref_squeeze %dma_wait3A_310 : memref<1x128xi32, #tpu.memory_space<vmem>> -> memref<128xi32, #tpu.memory_space<vmem>>
        %dma_wait3A_312 = arith.constant 0 : i32
        %dma_wait3A_313 = arith.constant 0 : i32
        %dma_wait3A_314 = tpu.memref_slice %arg10[%dma_wait3A_312, %dma_wait3A_313] : memref<10112x64xf32, #tpu.memory_space<vmem_shared>> -> memref<10112x64xf32, #tpu.memory_space<vmem_shared>>
        tpu.wait_indirect_dma semaphore(%run_scoped3A_294 : memref<!tpu.dma_semaphore, #tpu.memory_space<semaphore_mem>>) src(%dma_wait3A_308 : memref<128x64xf32, #tpu.memory_space<vmem>>) dst(%dma_wait3A_314 : memref<10112x64xf32, #tpu.memory_space<vmem_shared>>)
        tpu.yield
      }) : () -> ()
      %add3A_129 = arith.constant 8 : i32
      %add3A_130 = arith.addi %add3A_118, %add3A_129 : i32
      %lt3A = arith.constant 80 : i32
      %lt3A_131 = arith.cmpi slt, %add3A_130, %lt3A : i32
      %convert_element_type3A = arith.extui %lt3A_131 : i1 to i32
      %cond3A = arith.constant 0 : i32
      %cond3A_132 = arith.cmpi ne, %convert_element_type3A, %cond3A : i32
      scf.if %cond3A_132 {
        %add3A_294 = arith.constant 8 : i32
        %add3A_295 = arith.addi %add3A_118, %add3A_294 : i32
        %dma_start3A_296 = arith.constant 0 : i32
        %dma_start3A_297 = arith.constant 0 : i32
        %dma_start3A_298 = arith.constant 0 : i32
        %dma_start3A_299 = tpu.memref_slice %arg9[%dma_start3A_296, %dma_start3A_297, %dma_start3A_298] : memref<8x128x64xf32, #tpu.memory_space<vmem>> -> memref<1x128x64xf32, #tpu.memory_space<vmem>>
        %dma_start3A_300 = tpu.memref_squeeze %dma_start3A_299 : memref<1x128x64xf32, #tpu.memory_space<vmem>> -> memref<128x64xf32, #tpu.memory_space<vmem>>
        %dma_start3A_301 = arith.constant 0 : i32
        %dma_start3A_302 = tpu.memref_slice %arg7[%add3A_295, %dma_start3A_301] : memref<80x128xi32, #tpu.memory_space<vmem>> -> memref<1x128xi32, #tpu.memory_space<vmem>>
        %dma_start3A_303 = tpu.memref_squeeze %dma_start3A_302 : memref<1x128xi32, #tpu.memory_space<vmem>> -> memref<128xi32, #tpu.memory_space<vmem>>
        %dma_start3A_304 = arith.constant 0 : i32
        %dma_start3A_305 = arith.constant 0 : i32
        %dma_start3A_306 = tpu.memref_slice %arg2[%dma_start3A_304, %dma_start3A_305] : memref<10000x64xf32, #tpu.memory_space<hbm>> -> memref<10000x64xf32, #tpu.memory_space<hbm>>
        tpu.enqueue_indirect_dma source(%dma_start3A_306 : memref<10000x64xf32, #tpu.memory_space<hbm>>) target(%dma_start3A_300 : memref<128x64xf32, #tpu.memory_space<vmem>>) offsets(%dma_start3A_303 : memref<128xi32, #tpu.memory_space<vmem>>) semaphore(%arg11 : memref<!tpu.dma_semaphore, #tpu.memory_space<semaphore_mem>>)
      } else {
      }
      %mul3A_133 = arith.constant 8 : i32
      %mul3A_134 = arith.muli %scan3A_114, %mul3A_133 : i32
      %add3A_135 = arith.constant 1 : i32
      %add3A_136 = arith.addi %mul3A_134, %add3A_135 : i32
      %dma_wait3A_137 = arith.constant 1 : i32
      %dma_wait3A_138 = arith.constant 0 : i32
      %dma_wait3A_139 = arith.constant 0 : i32
      %dma_wait3A_140 = tpu.memref_slice %arg9[%dma_wait3A_137, %dma_wait3A_138, %dma_wait3A_139] : memref<8x128x64xf32, #tpu.memory_space<vmem>> -> memref<1x128x64xf32, #tpu.memory_space<vmem>>
      %dma_wait3A_141 = tpu.memref_squeeze %dma_wait3A_140 : memref<1x128x64xf32, #tpu.memory_space<vmem>> -> memref<128x64xf32, #tpu.memory_space<vmem>>
      %dma_wait3A_142 = arith.constant 0 : i32
      %dma_wait3A_143 = tpu.memref_slice %arg7[%add3A_136, %dma_wait3A_142] : memref<80x128xi32, #tpu.memory_space<vmem>> -> memref<1x128xi32, #tpu.memory_space<vmem>>
      %dma_wait3A_144 = tpu.memref_squeeze %dma_wait3A_143 : memref<1x128xi32, #tpu.memory_space<vmem>> -> memref<128xi32, #tpu.memory_space<vmem>>
      %dma_wait3A_145 = arith.constant 0 : i32
      %dma_wait3A_146 = arith.constant 0 : i32
      %dma_wait3A_147 = tpu.memref_slice %arg2[%dma_wait3A_145, %dma_wait3A_146] : memref<10000x64xf32, #tpu.memory_space<hbm>> -> memref<10000x64xf32, #tpu.memory_space<hbm>>
      tpu.wait_indirect_dma semaphore(%arg12 : memref<!tpu.dma_semaphore, #tpu.memory_space<semaphore_mem>>) src(%dma_wait3A_147 : memref<10000x64xf32, #tpu.memory_space<hbm>>) dst(%dma_wait3A_141 : memref<128x64xf32, #tpu.memory_space<vmem>>)
      %run_scoped3A_148 = arith.constant 1 : i32
      "tpu.region"() ({
        %run_scoped3A_294 = tpu.sem_alloc : memref<!tpu.dma_semaphore, #tpu.memory_space<semaphore_mem>>
        %dma_start3A_295 = arith.constant 0 : i32
        %dma_start3A_296 = arith.constant 0 : i32
        %dma_start3A_297 = tpu.memref_slice %arg9[%run_scoped3A_148, %dma_start3A_295, %dma_start3A_296] : memref<8x128x64xf32, #tpu.memory_space<vmem>> -> memref<1x128x64xf32, #tpu.memory_space<vmem>>
        %dma_start3A_298 = tpu.memref_squeeze %dma_start3A_297 : memref<1x128x64xf32, #tpu.memory_space<vmem>> -> memref<128x64xf32, #tpu.memory_space<vmem>>
        %dma_start3A_299 = arith.constant 0 : i32
        %dma_start3A_300 = tpu.memref_slice %arg8[%add3A_136, %dma_start3A_299] : memref<80x128xi32, #tpu.memory_space<vmem>> -> memref<1x128xi32, #tpu.memory_space<vmem>>
        %dma_start3A_301 = tpu.memref_squeeze %dma_start3A_300 : memref<1x128xi32, #tpu.memory_space<vmem>> -> memref<128xi32, #tpu.memory_space<vmem>>
        %dma_start3A_302 = arith.constant 0 : i32
        %dma_start3A_303 = arith.constant 0 : i32
        %dma_start3A_304 = tpu.memref_slice %arg10[%dma_start3A_302, %dma_start3A_303] : memref<10112x64xf32, #tpu.memory_space<vmem_shared>> -> memref<10112x64xf32, #tpu.memory_space<vmem_shared>>
        tpu.enqueue_indirect_dma source(%dma_start3A_298 : memref<128x64xf32, #tpu.memory_space<vmem>>) target(%dma_start3A_304 : memref<10112x64xf32, #tpu.memory_space<vmem_shared>>) offsets(%dma_start3A_301 : memref<128xi32, #tpu.memory_space<vmem>>) semaphore(%run_scoped3A_294 : memref<!tpu.dma_semaphore, #tpu.memory_space<semaphore_mem>>) {add = true}
        %dma_wait3A_305 = arith.constant 0 : i32
        %dma_wait3A_306 = arith.constant 0 : i32
        %dma_wait3A_307 = tpu.memref_slice %arg9[%run_scoped3A_148, %dma_wait3A_305, %dma_wait3A_306] : memref<8x128x64xf32, #tpu.memory_space<vmem>> -> memref<1x128x64xf32, #tpu.memory_space<vmem>>
        %dma_wait3A_308 = tpu.memref_squeeze %dma_wait3A_307 : memref<1x128x64xf32, #tpu.memory_space<vmem>> -> memref<128x64xf32, #tpu.memory_space<vmem>>
        %dma_wait3A_309 = arith.constant 0 : i32
        %dma_wait3A_310 = tpu.memref_slice %arg8[%add3A_136, %dma_wait3A_309] : memref<80x128xi32, #tpu.memory_space<vmem>> -> memref<1x128xi32, #tpu.memory_space<vmem>>
        %dma_wait3A_311 = tpu.memref_squeeze %dma_wait3A_310 : memref<1x128xi32, #tpu.memory_space<vmem>> -> memref<128xi32, #tpu.memory_space<vmem>>
        %dma_wait3A_312 = arith.constant 0 : i32
        %dma_wait3A_313 = arith.constant 0 : i32
        %dma_wait3A_314 = tpu.memref_slice %arg10[%dma_wait3A_312, %dma_wait3A_313] : memref<10112x64xf32, #tpu.memory_space<vmem_shared>> -> memref<10112x64xf32, #tpu.memory_space<vmem_shared>>
        tpu.wait_indirect_dma semaphore(%run_scoped3A_294 : memref<!tpu.dma_semaphore, #tpu.memory_space<semaphore_mem>>) src(%dma_wait3A_308 : memref<128x64xf32, #tpu.memory_space<vmem>>) dst(%dma_wait3A_314 : memref<10112x64xf32, #tpu.memory_space<vmem_shared>>)
        tpu.yield
      }) : () -> ()
      %add3A_149 = arith.constant 8 : i32
      %add3A_150 = arith.addi %add3A_136, %add3A_149 : i32
      %lt3A_151 = arith.constant 80 : i32
      %lt3A_152 = arith.cmpi slt, %add3A_150, %lt3A_151 : i32
      %convert_element_type3A_153 = arith.extui %lt3A_152 : i1 to i32
      %cond3A_154 = arith.constant 0 : i32
      %cond3A_155 = arith.cmpi ne, %convert_element_type3A_153, %cond3A_154 : i32
      scf.if %cond3A_155 {
        %add3A_294 = arith.constant 8 : i32
        %add3A_295 = arith.addi %add3A_136, %add3A_294 : i32
        %dma_start3A_296 = arith.constant 1 : i32
        %dma_start3A_297 = arith.constant 0 : i32
        %dma_start3A_298 = arith.constant 0 : i32
        %dma_start3A_299 = tpu.memref_slice %arg9[%dma_start3A_296, %dma_start3A_297, %dma_start3A_298] : memref<8x128x64xf32, #tpu.memory_space<vmem>> -> memref<1x128x64xf32, #tpu.memory_space<vmem>>
        %dma_start3A_300 = tpu.memref_squeeze %dma_start3A_299 : memref<1x128x64xf32, #tpu.memory_space<vmem>> -> memref<128x64xf32, #tpu.memory_space<vmem>>
        %dma_start3A_301 = arith.constant 0 : i32
        %dma_start3A_302 = tpu.memref_slice %arg7[%add3A_295, %dma_start3A_301] : memref<80x128xi32, #tpu.memory_space<vmem>> -> memref<1x128xi32, #tpu.memory_space<vmem>>
        %dma_start3A_303 = tpu.memref_squeeze %dma_start3A_302 : memref<1x128xi32, #tpu.memory_space<vmem>> -> memref<128xi32, #tpu.memory_space<vmem>>
        %dma_start3A_304 = arith.constant 0 : i32
        %dma_start3A_305 = arith.constant 0 : i32
        %dma_start3A_306 = tpu.memref_slice %arg2[%dma_start3A_304, %dma_start3A_305] : memref<10000x64xf32, #tpu.memory_space<hbm>> -> memref<10000x64xf32, #tpu.memory_space<hbm>>
        tpu.enqueue_indirect_dma source(%dma_start3A_306 : memref<10000x64xf32, #tpu.memory_space<hbm>>) target(%dma_start3A_300 : memref<128x64xf32, #tpu.memory_space<vmem>>) offsets(%dma_start3A_303 : memref<128xi32, #tpu.memory_space<vmem>>) semaphore(%arg12 : memref<!tpu.dma_semaphore, #tpu.memory_space<semaphore_mem>>)
      } else {
      }
      %mul3A_156 = arith.constant 8 : i32
      %mul3A_157 = arith.muli %scan3A_114, %mul3A_156 : i32
      %add3A_158 = arith.constant 2 : i32
      %add3A_159 = arith.addi %mul3A_157, %add3A_158 : i32
      %dma_wait3A_160 = arith.constant 2 : i32
      %dma_wait3A_161 = arith.constant 0 : i32
      %dma_wait3A_162 = arith.constant 0 : i32
      %dma_wait3A_163 = tpu.memref_slice %arg9[%dma_wait3A_160, %dma_wait3A_161, %dma_wait3A_162] : memref<8x128x64xf32, #tpu.memory_space<vmem>> -> memref<1x128x64xf32, #tpu.memory_space<vmem>>
      %dma_wait3A_164 = tpu.memref_squeeze %dma_wait3A_163 : memref<1x128x64xf32, #tpu.memory_space<vmem>> -> memref<128x64xf32, #tpu.memory_space<vmem>>
      %dma_wait3A_165 = arith.constant 0 : i32
      %dma_wait3A_166 = tpu.memref_slice %arg7[%add3A_159, %dma_wait3A_165] : memref<80x128xi32, #tpu.memory_space<vmem>> -> memref<1x128xi32, #tpu.memory_space<vmem>>
      %dma_wait3A_167 = tpu.memref_squeeze %dma_wait3A_166 : memref<1x128xi32, #tpu.memory_space<vmem>> -> memref<128xi32, #tpu.memory_space<vmem>>
      %dma_wait3A_168 = arith.constant 0 : i32
      %dma_wait3A_169 = arith.constant 0 : i32
      %dma_wait3A_170 = tpu.memref_slice %arg2[%dma_wait3A_168, %dma_wait3A_169] : memref<10000x64xf32, #tpu.memory_space<hbm>> -> memref<10000x64xf32, #tpu.memory_space<hbm>>
      tpu.wait_indirect_dma semaphore(%arg13 : memref<!tpu.dma_semaphore, #tpu.memory_space<semaphore_mem>>) src(%dma_wait3A_170 : memref<10000x64xf32, #tpu.memory_space<hbm>>) dst(%dma_wait3A_164 : memref<128x64xf32, #tpu.memory_space<vmem>>)
      %run_scoped3A_171 = arith.constant 2 : i32
      "tpu.region"() ({
        %run_scoped3A_294 = tpu.sem_alloc : memref<!tpu.dma_semaphore, #tpu.memory_space<semaphore_mem>>
        %dma_start3A_295 = arith.constant 0 : i32
        %dma_start3A_296 = arith.constant 0 : i32
        %dma_start3A_297 = tpu.memref_slice %arg9[%run_scoped3A_171, %dma_start3A_295, %dma_start3A_296] : memref<8x128x64xf32, #tpu.memory_space<vmem>> -> memref<1x128x64xf32, #tpu.memory_space<vmem>>
        %dma_start3A_298 = tpu.memref_squeeze %dma_start3A_297 : memref<1x128x64xf32, #tpu.memory_space<vmem>> -> memref<128x64xf32, #tpu.memory_space<vmem>>
        %dma_start3A_299 = arith.constant 0 : i32
        %dma_start3A_300 = tpu.memref_slice %arg8[%add3A_159, %dma_start3A_299] : memref<80x128xi32, #tpu.memory_space<vmem>> -> memref<1x128xi32, #tpu.memory_space<vmem>>
        %dma_start3A_301 = tpu.memref_squeeze %dma_start3A_300 : memref<1x128xi32, #tpu.memory_space<vmem>> -> memref<128xi32, #tpu.memory_space<vmem>>
        %dma_start3A_302 = arith.constant 0 : i32
        %dma_start3A_303 = arith.constant 0 : i32
        %dma_start3A_304 = tpu.memref_slice %arg10[%dma_start3A_302, %dma_start3A_303] : memref<10112x64xf32, #tpu.memory_space<vmem_shared>> -> memref<10112x64xf32, #tpu.memory_space<vmem_shared>>
        tpu.enqueue_indirect_dma source(%dma_start3A_298 : memref<128x64xf32, #tpu.memory_space<vmem>>) target(%dma_start3A_304 : memref<10112x64xf32, #tpu.memory_space<vmem_shared>>) offsets(%dma_start3A_301 : memref<128xi32, #tpu.memory_space<vmem>>) semaphore(%run_scoped3A_294 : memref<!tpu.dma_semaphore, #tpu.memory_space<semaphore_mem>>) {add = true}
        %dma_wait3A_305 = arith.constant 0 : i32
        %dma_wait3A_306 = arith.constant 0 : i32
        %dma_wait3A_307 = tpu.memref_slice %arg9[%run_scoped3A_171, %dma_wait3A_305, %dma_wait3A_306] : memref<8x128x64xf32, #tpu.memory_space<vmem>> -> memref<1x128x64xf32, #tpu.memory_space<vmem>>
        %dma_wait3A_308 = tpu.memref_squeeze %dma_wait3A_307 : memref<1x128x64xf32, #tpu.memory_space<vmem>> -> memref<128x64xf32, #tpu.memory_space<vmem>>
        %dma_wait3A_309 = arith.constant 0 : i32
        %dma_wait3A_310 = tpu.memref_slice %arg8[%add3A_159, %dma_wait3A_309] : memref<80x128xi32, #tpu.memory_space<vmem>> -> memref<1x128xi32, #tpu.memory_space<vmem>>
        %dma_wait3A_311 = tpu.memref_squeeze %dma_wait3A_310 : memref<1x128xi32, #tpu.memory_space<vmem>> -> memref<128xi32, #tpu.memory_space<vmem>>
        %dma_wait3A_312 = arith.constant 0 : i32
        %dma_wait3A_313 = arith.constant 0 : i32
        %dma_wait3A_314 = tpu.memref_slice %arg10[%dma_wait3A_312, %dma_wait3A_313] : memref<10112x64xf32, #tpu.memory_space<vmem_shared>> -> memref<10112x64xf32, #tpu.memory_space<vmem_shared>>
        tpu.wait_indirect_dma semaphore(%run_scoped3A_294 : memref<!tpu.dma_semaphore, #tpu.memory_space<semaphore_mem>>) src(%dma_wait3A_308 : memref<128x64xf32, #tpu.memory_space<vmem>>) dst(%dma_wait3A_314 : memref<10112x64xf32, #tpu.memory_space<vmem_shared>>)
        tpu.yield
      }) : () -> ()
      %add3A_172 = arith.constant 8 : i32
      %add3A_173 = arith.addi %add3A_159, %add3A_172 : i32
      %lt3A_174 = arith.constant 80 : i32
      %lt3A_175 = arith.cmpi slt, %add3A_173, %lt3A_174 : i32
      %convert_element_type3A_176 = arith.extui %lt3A_175 : i1 to i32
      %cond3A_177 = arith.constant 0 : i32
      %cond3A_178 = arith.cmpi ne, %convert_element_type3A_176, %cond3A_177 : i32
      scf.if %cond3A_178 {
        %add3A_294 = arith.constant 8 : i32
        %add3A_295 = arith.addi %add3A_159, %add3A_294 : i32
        %dma_start3A_296 = arith.constant 2 : i32
        %dma_start3A_297 = arith.constant 0 : i32
        %dma_start3A_298 = arith.constant 0 : i32
        %dma_start3A_299 = tpu.memref_slice %arg9[%dma_start3A_296, %dma_start3A_297, %dma_start3A_298] : memref<8x128x64xf32, #tpu.memory_space<vmem>> -> memref<1x128x64xf32, #tpu.memory_space<vmem>>
        %dma_start3A_300 = tpu.memref_squeeze %dma_start3A_299 : memref<1x128x64xf32, #tpu.memory_space<vmem>> -> memref<128x64xf32, #tpu.memory_space<vmem>>
        %dma_start3A_301 = arith.constant 0 : i32
        %dma_start3A_302 = tpu.memref_slice %arg7[%add3A_295, %dma_start3A_301] : memref<80x128xi32, #tpu.memory_space<vmem>> -> memref<1x128xi32, #tpu.memory_space<vmem>>
        %dma_start3A_303 = tpu.memref_squeeze %dma_start3A_302 : memref<1x128xi32, #tpu.memory_space<vmem>> -> memref<128xi32, #tpu.memory_space<vmem>>
        %dma_start3A_304 = arith.constant 0 : i32
        %dma_start3A_305 = arith.constant 0 : i32
        %dma_start3A_306 = tpu.memref_slice %arg2[%dma_start3A_304, %dma_start3A_305] : memref<10000x64xf32, #tpu.memory_space<hbm>> -> memref<10000x64xf32, #tpu.memory_space<hbm>>
        tpu.enqueue_indirect_dma source(%dma_start3A_306 : memref<10000x64xf32, #tpu.memory_space<hbm>>) target(%dma_start3A_300 : memref<128x64xf32, #tpu.memory_space<vmem>>) offsets(%dma_start3A_303 : memref<128xi32, #tpu.memory_space<vmem>>) semaphore(%arg13 : memref<!tpu.dma_semaphore, #tpu.memory_space<semaphore_mem>>)
      } else {
      }
      %mul3A_179 = arith.constant 8 : i32
      %mul3A_180 = arith.muli %scan3A_114, %mul3A_179 : i32
      %add3A_181 = arith.constant 3 : i32
      %add3A_182 = arith.addi %mul3A_180, %add3A_181 : i32
      %dma_wait3A_183 = arith.constant 3 : i32
      %dma_wait3A_184 = arith.constant 0 : i32
      %dma_wait3A_185 = arith.constant 0 : i32
      %dma_wait3A_186 = tpu.memref_slice %arg9[%dma_wait3A_183, %dma_wait3A_184, %dma_wait3A_185] : memref<8x128x64xf32, #tpu.memory_space<vmem>> -> memref<1x128x64xf32, #tpu.memory_space<vmem>>
      %dma_wait3A_187 = tpu.memref_squeeze %dma_wait3A_186 : memref<1x128x64xf32, #tpu.memory_space<vmem>> -> memref<128x64xf32, #tpu.memory_space<vmem>>
      %dma_wait3A_188 = arith.constant 0 : i32
      %dma_wait3A_189 = tpu.memref_slice %arg7[%add3A_182, %dma_wait3A_188] : memref<80x128xi32, #tpu.memory_space<vmem>> -> memref<1x128xi32, #tpu.memory_space<vmem>>
      %dma_wait3A_190 = tpu.memref_squeeze %dma_wait3A_189 : memref<1x128xi32, #tpu.memory_space<vmem>> -> memref<128xi32, #tpu.memory_space<vmem>>
      %dma_wait3A_191 = arith.constant 0 : i32
      %dma_wait3A_192 = arith.constant 0 : i32
      %dma_wait3A_193 = tpu.memref_slice %arg2[%dma_wait3A_191, %dma_wait3A_192] : memref<10000x64xf32, #tpu.memory_space<hbm>> -> memref<10000x64xf32, #tpu.memory_space<hbm>>
      tpu.wait_indirect_dma semaphore(%arg14 : memref<!tpu.dma_semaphore, #tpu.memory_space<semaphore_mem>>) src(%dma_wait3A_193 : memref<10000x64xf32, #tpu.memory_space<hbm>>) dst(%dma_wait3A_187 : memref<128x64xf32, #tpu.memory_space<vmem>>)
      %run_scoped3A_194 = arith.constant 3 : i32
      "tpu.region"() ({
        %run_scoped3A_294 = tpu.sem_alloc : memref<!tpu.dma_semaphore, #tpu.memory_space<semaphore_mem>>
        %dma_start3A_295 = arith.constant 0 : i32
        %dma_start3A_296 = arith.constant 0 : i32
        %dma_start3A_297 = tpu.memref_slice %arg9[%run_scoped3A_194, %dma_start3A_295, %dma_start3A_296] : memref<8x128x64xf32, #tpu.memory_space<vmem>> -> memref<1x128x64xf32, #tpu.memory_space<vmem>>
        %dma_start3A_298 = tpu.memref_squeeze %dma_start3A_297 : memref<1x128x64xf32, #tpu.memory_space<vmem>> -> memref<128x64xf32, #tpu.memory_space<vmem>>
        %dma_start3A_299 = arith.constant 0 : i32
        %dma_start3A_300 = tpu.memref_slice %arg8[%add3A_182, %dma_start3A_299] : memref<80x128xi32, #tpu.memory_space<vmem>> -> memref<1x128xi32, #tpu.memory_space<vmem>>
        %dma_start3A_301 = tpu.memref_squeeze %dma_start3A_300 : memref<1x128xi32, #tpu.memory_space<vmem>> -> memref<128xi32, #tpu.memory_space<vmem>>
        %dma_start3A_302 = arith.constant 0 : i32
        %dma_start3A_303 = arith.constant 0 : i32
        %dma_start3A_304 = tpu.memref_slice %arg10[%dma_start3A_302, %dma_start3A_303] : memref<10112x64xf32, #tpu.memory_space<vmem_shared>> -> memref<10112x64xf32, #tpu.memory_space<vmem_shared>>
        tpu.enqueue_indirect_dma source(%dma_start3A_298 : memref<128x64xf32, #tpu.memory_space<vmem>>) target(%dma_start3A_304 : memref<10112x64xf32, #tpu.memory_space<vmem_shared>>) offsets(%dma_start3A_301 : memref<128xi32, #tpu.memory_space<vmem>>) semaphore(%run_scoped3A_294 : memref<!tpu.dma_semaphore, #tpu.memory_space<semaphore_mem>>) {add = true}
        %dma_wait3A_305 = arith.constant 0 : i32
        %dma_wait3A_306 = arith.constant 0 : i32
        %dma_wait3A_307 = tpu.memref_slice %arg9[%run_scoped3A_194, %dma_wait3A_305, %dma_wait3A_306] : memref<8x128x64xf32, #tpu.memory_space<vmem>> -> memref<1x128x64xf32, #tpu.memory_space<vmem>>
        %dma_wait3A_308 = tpu.memref_squeeze %dma_wait3A_307 : memref<1x128x64xf32, #tpu.memory_space<vmem>> -> memref<128x64xf32, #tpu.memory_space<vmem>>
        %dma_wait3A_309 = arith.constant 0 : i32
        %dma_wait3A_310 = tpu.memref_slice %arg8[%add3A_182, %dma_wait3A_309] : memref<80x128xi32, #tpu.memory_space<vmem>> -> memref<1x128xi32, #tpu.memory_space<vmem>>
        %dma_wait3A_311 = tpu.memref_squeeze %dma_wait3A_310 : memref<1x128xi32, #tpu.memory_space<vmem>> -> memref<128xi32, #tpu.memory_space<vmem>>
        %dma_wait3A_312 = arith.constant 0 : i32
        %dma_wait3A_313 = arith.constant 0 : i32
        %dma_wait3A_314 = tpu.memref_slice %arg10[%dma_wait3A_312, %dma_wait3A_313] : memref<10112x64xf32, #tpu.memory_space<vmem_shared>> -> memref<10112x64xf32, #tpu.memory_space<vmem_shared>>
        tpu.wait_indirect_dma semaphore(%run_scoped3A_294 : memref<!tpu.dma_semaphore, #tpu.memory_space<semaphore_mem>>) src(%dma_wait3A_308 : memref<128x64xf32, #tpu.memory_space<vmem>>) dst(%dma_wait3A_314 : memref<10112x64xf32, #tpu.memory_space<vmem_shared>>)
        tpu.yield
      }) : () -> ()
      %add3A_195 = arith.constant 8 : i32
      %add3A_196 = arith.addi %add3A_182, %add3A_195 : i32
      %lt3A_197 = arith.constant 80 : i32
      %lt3A_198 = arith.cmpi slt, %add3A_196, %lt3A_197 : i32
      %convert_element_type3A_199 = arith.extui %lt3A_198 : i1 to i32
      %cond3A_200 = arith.constant 0 : i32
      %cond3A_201 = arith.cmpi ne, %convert_element_type3A_199, %cond3A_200 : i32
      scf.if %cond3A_201 {
        %add3A_294 = arith.constant 8 : i32
        %add3A_295 = arith.addi %add3A_182, %add3A_294 : i32
        %dma_start3A_296 = arith.constant 3 : i32
        %dma_start3A_297 = arith.constant 0 : i32
        %dma_start3A_298 = arith.constant 0 : i32
        %dma_start3A_299 = tpu.memref_slice %arg9[%dma_start3A_296, %dma_start3A_297, %dma_start3A_298] : memref<8x128x64xf32, #tpu.memory_space<vmem>> -> memref<1x128x64xf32, #tpu.memory_space<vmem>>
        %dma_start3A_300 = tpu.memref_squeeze %dma_start3A_299 : memref<1x128x64xf32, #tpu.memory_space<vmem>> -> memref<128x64xf32, #tpu.memory_space<vmem>>
        %dma_start3A_301 = arith.constant 0 : i32
        %dma_start3A_302 = tpu.memref_slice %arg7[%add3A_295, %dma_start3A_301] : memref<80x128xi32, #tpu.memory_space<vmem>> -> memref<1x128xi32, #tpu.memory_space<vmem>>
        %dma_start3A_303 = tpu.memref_squeeze %dma_start3A_302 : memref<1x128xi32, #tpu.memory_space<vmem>> -> memref<128xi32, #tpu.memory_space<vmem>>
        %dma_start3A_304 = arith.constant 0 : i32
        %dma_start3A_305 = arith.constant 0 : i32
        %dma_start3A_306 = tpu.memref_slice %arg2[%dma_start3A_304, %dma_start3A_305] : memref<10000x64xf32, #tpu.memory_space<hbm>> -> memref<10000x64xf32, #tpu.memory_space<hbm>>
        tpu.enqueue_indirect_dma source(%dma_start3A_306 : memref<10000x64xf32, #tpu.memory_space<hbm>>) target(%dma_start3A_300 : memref<128x64xf32, #tpu.memory_space<vmem>>) offsets(%dma_start3A_303 : memref<128xi32, #tpu.memory_space<vmem>>) semaphore(%arg14 : memref<!tpu.dma_semaphore, #tpu.memory_space<semaphore_mem>>)
      } else {
      }
      %mul3A_202 = arith.constant 8 : i32
      %mul3A_203 = arith.muli %scan3A_114, %mul3A_202 : i32
      %add3A_204 = arith.constant 4 : i32
      %add3A_205 = arith.addi %mul3A_203, %add3A_204 : i32
      %dma_wait3A_206 = arith.constant 4 : i32
      %dma_wait3A_207 = arith.constant 0 : i32
      %dma_wait3A_208 = arith.constant 0 : i32
      %dma_wait3A_209 = tpu.memref_slice %arg9[%dma_wait3A_206, %dma_wait3A_207, %dma_wait3A_208] : memref<8x128x64xf32, #tpu.memory_space<vmem>> -> memref<1x128x64xf32, #tpu.memory_space<vmem>>
      %dma_wait3A_210 = tpu.memref_squeeze %dma_wait3A_209 : memref<1x128x64xf32, #tpu.memory_space<vmem>> -> memref<128x64xf32, #tpu.memory_space<vmem>>
      %dma_wait3A_211 = arith.constant 0 : i32
      %dma_wait3A_212 = tpu.memref_slice %arg7[%add3A_205, %dma_wait3A_211] : memref<80x128xi32, #tpu.memory_space<vmem>> -> memref<1x128xi32, #tpu.memory_space<vmem>>
      %dma_wait3A_213 = tpu.memref_squeeze %dma_wait3A_212 : memref<1x128xi32, #tpu.memory_space<vmem>> -> memref<128xi32, #tpu.memory_space<vmem>>
      %dma_wait3A_214 = arith.constant 0 : i32
      %dma_wait3A_215 = arith.constant 0 : i32
      %dma_wait3A_216 = tpu.memref_slice %arg2[%dma_wait3A_214, %dma_wait3A_215] : memref<10000x64xf32, #tpu.memory_space<hbm>> -> memref<10000x64xf32, #tpu.memory_space<hbm>>
      tpu.wait_indirect_dma semaphore(%arg15 : memref<!tpu.dma_semaphore, #tpu.memory_space<semaphore_mem>>) src(%dma_wait3A_216 : memref<10000x64xf32, #tpu.memory_space<hbm>>) dst(%dma_wait3A_210 : memref<128x64xf32, #tpu.memory_space<vmem>>)
      %run_scoped3A_217 = arith.constant 4 : i32
      "tpu.region"() ({
        %run_scoped3A_294 = tpu.sem_alloc : memref<!tpu.dma_semaphore, #tpu.memory_space<semaphore_mem>>
        %dma_start3A_295 = arith.constant 0 : i32
        %dma_start3A_296 = arith.constant 0 : i32
        %dma_start3A_297 = tpu.memref_slice %arg9[%run_scoped3A_217, %dma_start3A_295, %dma_start3A_296] : memref<8x128x64xf32, #tpu.memory_space<vmem>> -> memref<1x128x64xf32, #tpu.memory_space<vmem>>
        %dma_start3A_298 = tpu.memref_squeeze %dma_start3A_297 : memref<1x128x64xf32, #tpu.memory_space<vmem>> -> memref<128x64xf32, #tpu.memory_space<vmem>>
        %dma_start3A_299 = arith.constant 0 : i32
        %dma_start3A_300 = tpu.memref_slice %arg8[%add3A_205, %dma_start3A_299] : memref<80x128xi32, #tpu.memory_space<vmem>> -> memref<1x128xi32, #tpu.memory_space<vmem>>
        %dma_start3A_301 = tpu.memref_squeeze %dma_start3A_300 : memref<1x128xi32, #tpu.memory_space<vmem>> -> memref<128xi32, #tpu.memory_space<vmem>>
        %dma_start3A_302 = arith.constant 0 : i32
        %dma_start3A_303 = arith.constant 0 : i32
        %dma_start3A_304 = tpu.memref_slice %arg10[%dma_start3A_302, %dma_start3A_303] : memref<10112x64xf32, #tpu.memory_space<vmem_shared>> -> memref<10112x64xf32, #tpu.memory_space<vmem_shared>>
        tpu.enqueue_indirect_dma source(%dma_start3A_298 : memref<128x64xf32, #tpu.memory_space<vmem>>) target(%dma_start3A_304 : memref<10112x64xf32, #tpu.memory_space<vmem_shared>>) offsets(%dma_start3A_301 : memref<128xi32, #tpu.memory_space<vmem>>) semaphore(%run_scoped3A_294 : memref<!tpu.dma_semaphore, #tpu.memory_space<semaphore_mem>>) {add = true}
        %dma_wait3A_305 = arith.constant 0 : i32
        %dma_wait3A_306 = arith.constant 0 : i32
        %dma_wait3A_307 = tpu.memref_slice %arg9[%run_scoped3A_217, %dma_wait3A_305, %dma_wait3A_306] : memref<8x128x64xf32, #tpu.memory_space<vmem>> -> memref<1x128x64xf32, #tpu.memory_space<vmem>>
        %dma_wait3A_308 = tpu.memref_squeeze %dma_wait3A_307 : memref<1x128x64xf32, #tpu.memory_space<vmem>> -> memref<128x64xf32, #tpu.memory_space<vmem>>
        %dma_wait3A_309 = arith.constant 0 : i32
        %dma_wait3A_310 = tpu.memref_slice %arg8[%add3A_205, %dma_wait3A_309] : memref<80x128xi32, #tpu.memory_space<vmem>> -> memref<1x128xi32, #tpu.memory_space<vmem>>
        %dma_wait3A_311 = tpu.memref_squeeze %dma_wait3A_310 : memref<1x128xi32, #tpu.memory_space<vmem>> -> memref<128xi32, #tpu.memory_space<vmem>>
        %dma_wait3A_312 = arith.constant 0 : i32
        %dma_wait3A_313 = arith.constant 0 : i32
        %dma_wait3A_314 = tpu.memref_slice %arg10[%dma_wait3A_312, %dma_wait3A_313] : memref<10112x64xf32, #tpu.memory_space<vmem_shared>> -> memref<10112x64xf32, #tpu.memory_space<vmem_shared>>
        tpu.wait_indirect_dma semaphore(%run_scoped3A_294 : memref<!tpu.dma_semaphore, #tpu.memory_space<semaphore_mem>>) src(%dma_wait3A_308 : memref<128x64xf32, #tpu.memory_space<vmem>>) dst(%dma_wait3A_314 : memref<10112x64xf32, #tpu.memory_space<vmem_shared>>)
        tpu.yield
      }) : () -> ()
      %add3A_218 = arith.constant 8 : i32
      %add3A_219 = arith.addi %add3A_205, %add3A_218 : i32
      %lt3A_220 = arith.constant 80 : i32
      %lt3A_221 = arith.cmpi slt, %add3A_219, %lt3A_220 : i32
      %convert_element_type3A_222 = arith.extui %lt3A_221 : i1 to i32
      %cond3A_223 = arith.constant 0 : i32
      %cond3A_224 = arith.cmpi ne, %convert_element_type3A_222, %cond3A_223 : i32
      scf.if %cond3A_224 {
        %add3A_294 = arith.constant 8 : i32
        %add3A_295 = arith.addi %add3A_205, %add3A_294 : i32
        %dma_start3A_296 = arith.constant 4 : i32
        %dma_start3A_297 = arith.constant 0 : i32
        %dma_start3A_298 = arith.constant 0 : i32
        %dma_start3A_299 = tpu.memref_slice %arg9[%dma_start3A_296, %dma_start3A_297, %dma_start3A_298] : memref<8x128x64xf32, #tpu.memory_space<vmem>> -> memref<1x128x64xf32, #tpu.memory_space<vmem>>
        %dma_start3A_300 = tpu.memref_squeeze %dma_start3A_299 : memref<1x128x64xf32, #tpu.memory_space<vmem>> -> memref<128x64xf32, #tpu.memory_space<vmem>>
        %dma_start3A_301 = arith.constant 0 : i32
        %dma_start3A_302 = tpu.memref_slice %arg7[%add3A_295, %dma_start3A_301] : memref<80x128xi32, #tpu.memory_space<vmem>> -> memref<1x128xi32, #tpu.memory_space<vmem>>
        %dma_start3A_303 = tpu.memref_squeeze %dma_start3A_302 : memref<1x128xi32, #tpu.memory_space<vmem>> -> memref<128xi32, #tpu.memory_space<vmem>>
        %dma_start3A_304 = arith.constant 0 : i32
        %dma_start3A_305 = arith.constant 0 : i32
        %dma_start3A_306 = tpu.memref_slice %arg2[%dma_start3A_304, %dma_start3A_305] : memref<10000x64xf32, #tpu.memory_space<hbm>> -> memref<10000x64xf32, #tpu.memory_space<hbm>>
        tpu.enqueue_indirect_dma source(%dma_start3A_306 : memref<10000x64xf32, #tpu.memory_space<hbm>>) target(%dma_start3A_300 : memref<128x64xf32, #tpu.memory_space<vmem>>) offsets(%dma_start3A_303 : memref<128xi32, #tpu.memory_space<vmem>>) semaphore(%arg15 : memref<!tpu.dma_semaphore, #tpu.memory_space<semaphore_mem>>)
      } else {
      }
      %mul3A_225 = arith.constant 8 : i32
      %mul3A_226 = arith.muli %scan3A_114, %mul3A_225 : i32
      %add3A_227 = arith.constant 5 : i32
      %add3A_228 = arith.addi %mul3A_226, %add3A_227 : i32
      %dma_wait3A_229 = arith.constant 5 : i32
      %dma_wait3A_230 = arith.constant 0 : i32
      %dma_wait3A_231 = arith.constant 0 : i32
      %dma_wait3A_232 = tpu.memref_slice %arg9[%dma_wait3A_229, %dma_wait3A_230, %dma_wait3A_231] : memref<8x128x64xf32, #tpu.memory_space<vmem>> -> memref<1x128x64xf32, #tpu.memory_space<vmem>>
      %dma_wait3A_233 = tpu.memref_squeeze %dma_wait3A_232 : memref<1x128x64xf32, #tpu.memory_space<vmem>> -> memref<128x64xf32, #tpu.memory_space<vmem>>
      %dma_wait3A_234 = arith.constant 0 : i32
      %dma_wait3A_235 = tpu.memref_slice %arg7[%add3A_228, %dma_wait3A_234] : memref<80x128xi32, #tpu.memory_space<vmem>> -> memref<1x128xi32, #tpu.memory_space<vmem>>
      %dma_wait3A_236 = tpu.memref_squeeze %dma_wait3A_235 : memref<1x128xi32, #tpu.memory_space<vmem>> -> memref<128xi32, #tpu.memory_space<vmem>>
      %dma_wait3A_237 = arith.constant 0 : i32
      %dma_wait3A_238 = arith.constant 0 : i32
      %dma_wait3A_239 = tpu.memref_slice %arg2[%dma_wait3A_237, %dma_wait3A_238] : memref<10000x64xf32, #tpu.memory_space<hbm>> -> memref<10000x64xf32, #tpu.memory_space<hbm>>
      tpu.wait_indirect_dma semaphore(%arg16 : memref<!tpu.dma_semaphore, #tpu.memory_space<semaphore_mem>>) src(%dma_wait3A_239 : memref<10000x64xf32, #tpu.memory_space<hbm>>) dst(%dma_wait3A_233 : memref<128x64xf32, #tpu.memory_space<vmem>>)
      %run_scoped3A_240 = arith.constant 5 : i32
      "tpu.region"() ({
        %run_scoped3A_294 = tpu.sem_alloc : memref<!tpu.dma_semaphore, #tpu.memory_space<semaphore_mem>>
        %dma_start3A_295 = arith.constant 0 : i32
        %dma_start3A_296 = arith.constant 0 : i32
        %dma_start3A_297 = tpu.memref_slice %arg9[%run_scoped3A_240, %dma_start3A_295, %dma_start3A_296] : memref<8x128x64xf32, #tpu.memory_space<vmem>> -> memref<1x128x64xf32, #tpu.memory_space<vmem>>
        %dma_start3A_298 = tpu.memref_squeeze %dma_start3A_297 : memref<1x128x64xf32, #tpu.memory_space<vmem>> -> memref<128x64xf32, #tpu.memory_space<vmem>>
        %dma_start3A_299 = arith.constant 0 : i32
        %dma_start3A_300 = tpu.memref_slice %arg8[%add3A_228, %dma_start3A_299] : memref<80x128xi32, #tpu.memory_space<vmem>> -> memref<1x128xi32, #tpu.memory_space<vmem>>
        %dma_start3A_301 = tpu.memref_squeeze %dma_start3A_300 : memref<1x128xi32, #tpu.memory_space<vmem>> -> memref<128xi32, #tpu.memory_space<vmem>>
        %dma_start3A_302 = arith.constant 0 : i32
        %dma_start3A_303 = arith.constant 0 : i32
        %dma_start3A_304 = tpu.memref_slice %arg10[%dma_start3A_302, %dma_start3A_303] : memref<10112x64xf32, #tpu.memory_space<vmem_shared>> -> memref<10112x64xf32, #tpu.memory_space<vmem_shared>>
        tpu.enqueue_indirect_dma source(%dma_start3A_298 : memref<128x64xf32, #tpu.memory_space<vmem>>) target(%dma_start3A_304 : memref<10112x64xf32, #tpu.memory_space<vmem_shared>>) offsets(%dma_start3A_301 : memref<128xi32, #tpu.memory_space<vmem>>) semaphore(%run_scoped3A_294 : memref<!tpu.dma_semaphore, #tpu.memory_space<semaphore_mem>>) {add = true}
        %dma_wait3A_305 = arith.constant 0 : i32
        %dma_wait3A_306 = arith.constant 0 : i32
        %dma_wait3A_307 = tpu.memref_slice %arg9[%run_scoped3A_240, %dma_wait3A_305, %dma_wait3A_306] : memref<8x128x64xf32, #tpu.memory_space<vmem>> -> memref<1x128x64xf32, #tpu.memory_space<vmem>>
        %dma_wait3A_308 = tpu.memref_squeeze %dma_wait3A_307 : memref<1x128x64xf32, #tpu.memory_space<vmem>> -> memref<128x64xf32, #tpu.memory_space<vmem>>
        %dma_wait3A_309 = arith.constant 0 : i32
        %dma_wait3A_310 = tpu.memref_slice %arg8[%add3A_228, %dma_wait3A_309] : memref<80x128xi32, #tpu.memory_space<vmem>> -> memref<1x128xi32, #tpu.memory_space<vmem>>
        %dma_wait3A_311 = tpu.memref_squeeze %dma_wait3A_310 : memref<1x128xi32, #tpu.memory_space<vmem>> -> memref<128xi32, #tpu.memory_space<vmem>>
        %dma_wait3A_312 = arith.constant 0 : i32
        %dma_wait3A_313 = arith.constant 0 : i32
        %dma_wait3A_314 = tpu.memref_slice %arg10[%dma_wait3A_312, %dma_wait3A_313] : memref<10112x64xf32, #tpu.memory_space<vmem_shared>> -> memref<10112x64xf32, #tpu.memory_space<vmem_shared>>
        tpu.wait_indirect_dma semaphore(%run_scoped3A_294 : memref<!tpu.dma_semaphore, #tpu.memory_space<semaphore_mem>>) src(%dma_wait3A_308 : memref<128x64xf32, #tpu.memory_space<vmem>>) dst(%dma_wait3A_314 : memref<10112x64xf32, #tpu.memory_space<vmem_shared>>)
        tpu.yield
      }) : () -> ()
      %add3A_241 = arith.constant 8 : i32
      %add3A_242 = arith.addi %add3A_228, %add3A_241 : i32
      %lt3A_243 = arith.constant 80 : i32
      %lt3A_244 = arith.cmpi slt, %add3A_242, %lt3A_243 : i32
      %convert_element_type3A_245 = arith.extui %lt3A_244 : i1 to i32
      %cond3A_246 = arith.constant 0 : i32
      %cond3A_247 = arith.cmpi ne, %convert_element_type3A_245, %cond3A_246 : i32
      scf.if %cond3A_247 {
        %add3A_294 = arith.constant 8 : i32
        %add3A_295 = arith.addi %add3A_228, %add3A_294 : i32
        %dma_start3A_296 = arith.constant 5 : i32
        %dma_start3A_297 = arith.constant 0 : i32
        %dma_start3A_298 = arith.constant 0 : i32
        %dma_start3A_299 = tpu.memref_slice %arg9[%dma_start3A_296, %dma_start3A_297, %dma_start3A_298] : memref<8x128x64xf32, #tpu.memory_space<vmem>> -> memref<1x128x64xf32, #tpu.memory_space<vmem>>
        %dma_start3A_300 = tpu.memref_squeeze %dma_start3A_299 : memref<1x128x64xf32, #tpu.memory_space<vmem>> -> memref<128x64xf32, #tpu.memory_space<vmem>>
        %dma_start3A_301 = arith.constant 0 : i32
        %dma_start3A_302 = tpu.memref_slice %arg7[%add3A_295, %dma_start3A_301] : memref<80x128xi32, #tpu.memory_space<vmem>> -> memref<1x128xi32, #tpu.memory_space<vmem>>
        %dma_start3A_303 = tpu.memref_squeeze %dma_start3A_302 : memref<1x128xi32, #tpu.memory_space<vmem>> -> memref<128xi32, #tpu.memory_space<vmem>>
        %dma_start3A_304 = arith.constant 0 : i32
        %dma_start3A_305 = arith.constant 0 : i32
        %dma_start3A_306 = tpu.memref_slice %arg2[%dma_start3A_304, %dma_start3A_305] : memref<10000x64xf32, #tpu.memory_space<hbm>> -> memref<10000x64xf32, #tpu.memory_space<hbm>>
        tpu.enqueue_indirect_dma source(%dma_start3A_306 : memref<10000x64xf32, #tpu.memory_space<hbm>>) target(%dma_start3A_300 : memref<128x64xf32, #tpu.memory_space<vmem>>) offsets(%dma_start3A_303 : memref<128xi32, #tpu.memory_space<vmem>>) semaphore(%arg16 : memref<!tpu.dma_semaphore, #tpu.memory_space<semaphore_mem>>)
      } else {
      }
      %mul3A_248 = arith.constant 8 : i32
      %mul3A_249 = arith.muli %scan3A_114, %mul3A_248 : i32
      %add3A_250 = arith.constant 6 : i32
      %add3A_251 = arith.addi %mul3A_249, %add3A_250 : i32
      %dma_wait3A_252 = arith.constant 6 : i32
      %dma_wait3A_253 = arith.constant 0 : i32
      %dma_wait3A_254 = arith.constant 0 : i32
      %dma_wait3A_255 = tpu.memref_slice %arg9[%dma_wait3A_252, %dma_wait3A_253, %dma_wait3A_254] : memref<8x128x64xf32, #tpu.memory_space<vmem>> -> memref<1x128x64xf32, #tpu.memory_space<vmem>>
      %dma_wait3A_256 = tpu.memref_squeeze %dma_wait3A_255 : memref<1x128x64xf32, #tpu.memory_space<vmem>> -> memref<128x64xf32, #tpu.memory_space<vmem>>
      %dma_wait3A_257 = arith.constant 0 : i32
      %dma_wait3A_258 = tpu.memref_slice %arg7[%add3A_251, %dma_wait3A_257] : memref<80x128xi32, #tpu.memory_space<vmem>> -> memref<1x128xi32, #tpu.memory_space<vmem>>
      %dma_wait3A_259 = tpu.memref_squeeze %dma_wait3A_258 : memref<1x128xi32, #tpu.memory_space<vmem>> -> memref<128xi32, #tpu.memory_space<vmem>>
      %dma_wait3A_260 = arith.constant 0 : i32
      %dma_wait3A_261 = arith.constant 0 : i32
      %dma_wait3A_262 = tpu.memref_slice %arg2[%dma_wait3A_260, %dma_wait3A_261] : memref<10000x64xf32, #tpu.memory_space<hbm>> -> memref<10000x64xf32, #tpu.memory_space<hbm>>
      tpu.wait_indirect_dma semaphore(%arg17 : memref<!tpu.dma_semaphore, #tpu.memory_space<semaphore_mem>>) src(%dma_wait3A_262 : memref<10000x64xf32, #tpu.memory_space<hbm>>) dst(%dma_wait3A_256 : memref<128x64xf32, #tpu.memory_space<vmem>>)
      %run_scoped3A_263 = arith.constant 6 : i32
      "tpu.region"() ({
        %run_scoped3A_294 = tpu.sem_alloc : memref<!tpu.dma_semaphore, #tpu.memory_space<semaphore_mem>>
        %dma_start3A_295 = arith.constant 0 : i32
        %dma_start3A_296 = arith.constant 0 : i32
        %dma_start3A_297 = tpu.memref_slice %arg9[%run_scoped3A_263, %dma_start3A_295, %dma_start3A_296] : memref<8x128x64xf32, #tpu.memory_space<vmem>> -> memref<1x128x64xf32, #tpu.memory_space<vmem>>
        %dma_start3A_298 = tpu.memref_squeeze %dma_start3A_297 : memref<1x128x64xf32, #tpu.memory_space<vmem>> -> memref<128x64xf32, #tpu.memory_space<vmem>>
        %dma_start3A_299 = arith.constant 0 : i32
        %dma_start3A_300 = tpu.memref_slice %arg8[%add3A_251, %dma_start3A_299] : memref<80x128xi32, #tpu.memory_space<vmem>> -> memref<1x128xi32, #tpu.memory_space<vmem>>
        %dma_start3A_301 = tpu.memref_squeeze %dma_start3A_300 : memref<1x128xi32, #tpu.memory_space<vmem>> -> memref<128xi32, #tpu.memory_space<vmem>>
        %dma_start3A_302 = arith.constant 0 : i32
        %dma_start3A_303 = arith.constant 0 : i32
        %dma_start3A_304 = tpu.memref_slice %arg10[%dma_start3A_302, %dma_start3A_303] : memref<10112x64xf32, #tpu.memory_space<vmem_shared>> -> memref<10112x64xf32, #tpu.memory_space<vmem_shared>>
        tpu.enqueue_indirect_dma source(%dma_start3A_298 : memref<128x64xf32, #tpu.memory_space<vmem>>) target(%dma_start3A_304 : memref<10112x64xf32, #tpu.memory_space<vmem_shared>>) offsets(%dma_start3A_301 : memref<128xi32, #tpu.memory_space<vmem>>) semaphore(%run_scoped3A_294 : memref<!tpu.dma_semaphore, #tpu.memory_space<semaphore_mem>>) {add = true}
        %dma_wait3A_305 = arith.constant 0 : i32
        %dma_wait3A_306 = arith.constant 0 : i32
        %dma_wait3A_307 = tpu.memref_slice %arg9[%run_scoped3A_263, %dma_wait3A_305, %dma_wait3A_306] : memref<8x128x64xf32, #tpu.memory_space<vmem>> -> memref<1x128x64xf32, #tpu.memory_space<vmem>>
        %dma_wait3A_308 = tpu.memref_squeeze %dma_wait3A_307 : memref<1x128x64xf32, #tpu.memory_space<vmem>> -> memref<128x64xf32, #tpu.memory_space<vmem>>
        %dma_wait3A_309 = arith.constant 0 : i32
        %dma_wait3A_310 = tpu.memref_slice %arg8[%add3A_251, %dma_wait3A_309] : memref<80x128xi32, #tpu.memory_space<vmem>> -> memref<1x128xi32, #tpu.memory_space<vmem>>
        %dma_wait3A_311 = tpu.memref_squeeze %dma_wait3A_310 : memref<1x128xi32, #tpu.memory_space<vmem>> -> memref<128xi32, #tpu.memory_space<vmem>>
        %dma_wait3A_312 = arith.constant 0 : i32
        %dma_wait3A_313 = arith.constant 0 : i32
        %dma_wait3A_314 = tpu.memref_slice %arg10[%dma_wait3A_312, %dma_wait3A_313] : memref<10112x64xf32, #tpu.memory_space<vmem_shared>> -> memref<10112x64xf32, #tpu.memory_space<vmem_shared>>
        tpu.wait_indirect_dma semaphore(%run_scoped3A_294 : memref<!tpu.dma_semaphore, #tpu.memory_space<semaphore_mem>>) src(%dma_wait3A_308 : memref<128x64xf32, #tpu.memory_space<vmem>>) dst(%dma_wait3A_314 : memref<10112x64xf32, #tpu.memory_space<vmem_shared>>)
        tpu.yield
      }) : () -> ()
      %add3A_264 = arith.constant 8 : i32
      %add3A_265 = arith.addi %add3A_251, %add3A_264 : i32
      %lt3A_266 = arith.constant 80 : i32
      %lt3A_267 = arith.cmpi slt, %add3A_265, %lt3A_266 : i32
      %convert_element_type3A_268 = arith.extui %lt3A_267 : i1 to i32
      %cond3A_269 = arith.constant 0 : i32
      %cond3A_270 = arith.cmpi ne, %convert_element_type3A_268, %cond3A_269 : i32
      scf.if %cond3A_270 {
        %add3A_294 = arith.constant 8 : i32
        %add3A_295 = arith.addi %add3A_251, %add3A_294 : i32
        %dma_start3A_296 = arith.constant 6 : i32
        %dma_start3A_297 = arith.constant 0 : i32
        %dma_start3A_298 = arith.constant 0 : i32
        %dma_start3A_299 = tpu.memref_slice %arg9[%dma_start3A_296, %dma_start3A_297, %dma_start3A_298] : memref<8x128x64xf32, #tpu.memory_space<vmem>> -> memref<1x128x64xf32, #tpu.memory_space<vmem>>
        %dma_start3A_300 = tpu.memref_squeeze %dma_start3A_299 : memref<1x128x64xf32, #tpu.memory_space<vmem>> -> memref<128x64xf32, #tpu.memory_space<vmem>>
        %dma_start3A_301 = arith.constant 0 : i32
        %dma_start3A_302 = tpu.memref_slice %arg7[%add3A_295, %dma_start3A_301] : memref<80x128xi32, #tpu.memory_space<vmem>> -> memref<1x128xi32, #tpu.memory_space<vmem>>
        %dma_start3A_303 = tpu.memref_squeeze %dma_start3A_302 : memref<1x128xi32, #tpu.memory_space<vmem>> -> memref<128xi32, #tpu.memory_space<vmem>>
        %dma_start3A_304 = arith.constant 0 : i32
        %dma_start3A_305 = arith.constant 0 : i32
        %dma_start3A_306 = tpu.memref_slice %arg2[%dma_start3A_304, %dma_start3A_305] : memref<10000x64xf32, #tpu.memory_space<hbm>> -> memref<10000x64xf32, #tpu.memory_space<hbm>>
        tpu.enqueue_indirect_dma source(%dma_start3A_306 : memref<10000x64xf32, #tpu.memory_space<hbm>>) target(%dma_start3A_300 : memref<128x64xf32, #tpu.memory_space<vmem>>) offsets(%dma_start3A_303 : memref<128xi32, #tpu.memory_space<vmem>>) semaphore(%arg17 : memref<!tpu.dma_semaphore, #tpu.memory_space<semaphore_mem>>)
      } else {
      }
      %mul3A_271 = arith.constant 8 : i32
      %mul3A_272 = arith.muli %scan3A_114, %mul3A_271 : i32
      %add3A_273 = arith.constant 7 : i32
      %add3A_274 = arith.addi %mul3A_272, %add3A_273 : i32
      %dma_wait3A_275 = arith.constant 7 : i32
      %dma_wait3A_276 = arith.constant 0 : i32
      %dma_wait3A_277 = arith.constant 0 : i32
      %dma_wait3A_278 = tpu.memref_slice %arg9[%dma_wait3A_275, %dma_wait3A_276, %dma_wait3A_277] : memref<8x128x64xf32, #tpu.memory_space<vmem>> -> memref<1x128x64xf32, #tpu.memory_space<vmem>>
      %dma_wait3A_279 = tpu.memref_squeeze %dma_wait3A_278 : memref<1x128x64xf32, #tpu.memory_space<vmem>> -> memref<128x64xf32, #tpu.memory_space<vmem>>
      %dma_wait3A_280 = arith.constant 0 : i32
      %dma_wait3A_281 = tpu.memref_slice %arg7[%add3A_274, %dma_wait3A_280] : memref<80x128xi32, #tpu.memory_space<vmem>> -> memref<1x128xi32, #tpu.memory_space<vmem>>
      %dma_wait3A_282 = tpu.memref_squeeze %dma_wait3A_281 : memref<1x128xi32, #tpu.memory_space<vmem>> -> memref<128xi32, #tpu.memory_space<vmem>>
      %dma_wait3A_283 = arith.constant 0 : i32
      %dma_wait3A_284 = arith.constant 0 : i32
      %dma_wait3A_285 = tpu.memref_slice %arg2[%dma_wait3A_283, %dma_wait3A_284] : memref<10000x64xf32, #tpu.memory_space<hbm>> -> memref<10000x64xf32, #tpu.memory_space<hbm>>
      tpu.wait_indirect_dma semaphore(%arg18 : memref<!tpu.dma_semaphore, #tpu.memory_space<semaphore_mem>>) src(%dma_wait3A_285 : memref<10000x64xf32, #tpu.memory_space<hbm>>) dst(%dma_wait3A_279 : memref<128x64xf32, #tpu.memory_space<vmem>>)
      %run_scoped3A_286 = arith.constant 7 : i32
      "tpu.region"() ({
        %run_scoped3A_294 = tpu.sem_alloc : memref<!tpu.dma_semaphore, #tpu.memory_space<semaphore_mem>>
        %dma_start3A_295 = arith.constant 0 : i32
        %dma_start3A_296 = arith.constant 0 : i32
        %dma_start3A_297 = tpu.memref_slice %arg9[%run_scoped3A_286, %dma_start3A_295, %dma_start3A_296] : memref<8x128x64xf32, #tpu.memory_space<vmem>> -> memref<1x128x64xf32, #tpu.memory_space<vmem>>
        %dma_start3A_298 = tpu.memref_squeeze %dma_start3A_297 : memref<1x128x64xf32, #tpu.memory_space<vmem>> -> memref<128x64xf32, #tpu.memory_space<vmem>>
        %dma_start3A_299 = arith.constant 0 : i32
        %dma_start3A_300 = tpu.memref_slice %arg8[%add3A_274, %dma_start3A_299] : memref<80x128xi32, #tpu.memory_space<vmem>> -> memref<1x128xi32, #tpu.memory_space<vmem>>
        %dma_start3A_301 = tpu.memref_squeeze %dma_start3A_300 : memref<1x128xi32, #tpu.memory_space<vmem>> -> memref<128xi32, #tpu.memory_space<vmem>>
        %dma_start3A_302 = arith.constant 0 : i32
        %dma_start3A_303 = arith.constant 0 : i32
        %dma_start3A_304 = tpu.memref_slice %arg10[%dma_start3A_302, %dma_start3A_303] : memref<10112x64xf32, #tpu.memory_space<vmem_shared>> -> memref<10112x64xf32, #tpu.memory_space<vmem_shared>>
        tpu.enqueue_indirect_dma source(%dma_start3A_298 : memref<128x64xf32, #tpu.memory_space<vmem>>) target(%dma_start3A_304 : memref<10112x64xf32, #tpu.memory_space<vmem_shared>>) offsets(%dma_start3A_301 : memref<128xi32, #tpu.memory_space<vmem>>) semaphore(%run_scoped3A_294 : memref<!tpu.dma_semaphore, #tpu.memory_space<semaphore_mem>>) {add = true}
        %dma_wait3A_305 = arith.constant 0 : i32
        %dma_wait3A_306 = arith.constant 0 : i32
        %dma_wait3A_307 = tpu.memref_slice %arg9[%run_scoped3A_286, %dma_wait3A_305, %dma_wait3A_306] : memref<8x128x64xf32, #tpu.memory_space<vmem>> -> memref<1x128x64xf32, #tpu.memory_space<vmem>>
        %dma_wait3A_308 = tpu.memref_squeeze %dma_wait3A_307 : memref<1x128x64xf32, #tpu.memory_space<vmem>> -> memref<128x64xf32, #tpu.memory_space<vmem>>
        %dma_wait3A_309 = arith.constant 0 : i32
        %dma_wait3A_310 = tpu.memref_slice %arg8[%add3A_274, %dma_wait3A_309] : memref<80x128xi32, #tpu.memory_space<vmem>> -> memref<1x128xi32, #tpu.memory_space<vmem>>
        %dma_wait3A_311 = tpu.memref_squeeze %dma_wait3A_310 : memref<1x128xi32, #tpu.memory_space<vmem>> -> memref<128xi32, #tpu.memory_space<vmem>>
        %dma_wait3A_312 = arith.constant 0 : i32
        %dma_wait3A_313 = arith.constant 0 : i32
        %dma_wait3A_314 = tpu.memref_slice %arg10[%dma_wait3A_312, %dma_wait3A_313] : memref<10112x64xf32, #tpu.memory_space<vmem_shared>> -> memref<10112x64xf32, #tpu.memory_space<vmem_shared>>
        tpu.wait_indirect_dma semaphore(%run_scoped3A_294 : memref<!tpu.dma_semaphore, #tpu.memory_space<semaphore_mem>>) src(%dma_wait3A_308 : memref<128x64xf32, #tpu.memory_space<vmem>>) dst(%dma_wait3A_314 : memref<10112x64xf32, #tpu.memory_space<vmem_shared>>)
        tpu.yield
      }) : () -> ()
      %add3A_287 = arith.constant 8 : i32
      %add3A_288 = arith.addi %add3A_274, %add3A_287 : i32
      %lt3A_289 = arith.constant 80 : i32
      %lt3A_290 = arith.cmpi slt, %add3A_288, %lt3A_289 : i32
      %convert_element_type3A_291 = arith.extui %lt3A_290 : i1 to i32
      %cond3A_292 = arith.constant 0 : i32
      %cond3A_293 = arith.cmpi ne, %convert_element_type3A_291, %cond3A_292 : i32
      scf.if %cond3A_293 {
        %add3A_294 = arith.constant 8 : i32
        %add3A_295 = arith.addi %add3A_274, %add3A_294 : i32
        %dma_start3A_296 = arith.constant 7 : i32
        %dma_start3A_297 = arith.constant 0 : i32
        %dma_start3A_298 = arith.constant 0 : i32
        %dma_start3A_299 = tpu.memref_slice %arg9[%dma_start3A_296, %dma_start3A_297, %dma_start3A_298] : memref<8x128x64xf32, #tpu.memory_space<vmem>> -> memref<1x128x64xf32, #tpu.memory_space<vmem>>
        %dma_start3A_300 = tpu.memref_squeeze %dma_start3A_299 : memref<1x128x64xf32, #tpu.memory_space<vmem>> -> memref<128x64xf32, #tpu.memory_space<vmem>>
        %dma_start3A_301 = arith.constant 0 : i32
        %dma_start3A_302 = tpu.memref_slice %arg7[%add3A_295, %dma_start3A_301] : memref<80x128xi32, #tpu.memory_space<vmem>> -> memref<1x128xi32, #tpu.memory_space<vmem>>
        %dma_start3A_303 = tpu.memref_squeeze %dma_start3A_302 : memref<1x128xi32, #tpu.memory_space<vmem>> -> memref<128xi32, #tpu.memory_space<vmem>>
        %dma_start3A_304 = arith.constant 0 : i32
        %dma_start3A_305 = arith.constant 0 : i32
        %dma_start3A_306 = tpu.memref_slice %arg2[%dma_start3A_304, %dma_start3A_305] : memref<10000x64xf32, #tpu.memory_space<hbm>> -> memref<10000x64xf32, #tpu.memory_space<hbm>>
        tpu.enqueue_indirect_dma source(%dma_start3A_306 : memref<10000x64xf32, #tpu.memory_space<hbm>>) target(%dma_start3A_300 : memref<128x64xf32, #tpu.memory_space<vmem>>) offsets(%dma_start3A_303 : memref<128xi32, #tpu.memory_space<vmem>>) semaphore(%arg18 : memref<!tpu.dma_semaphore, #tpu.memory_space<semaphore_mem>>)
      } else {
      }
    }
    %scan3A_108 = arith.constant 10 : i32
    %barrier3A_109 = arith.constant 0 : index
    tpu.barrier barrier_id(%barrier3A_109)
    %mul3A_110 = arith.constant 632 : i32
    %mul3A_111 = arith.muli %arg1, %mul3A_110 : i32
    %mul3A_112 = arith.constant 632 : i32
    %mul3A_113 = arith.muli %arg1, %mul3A_112 : i32
    "tpu.region"() ({
      %run_scoped3A = tpu.sem_alloc : memref<!tpu.dma_semaphore, #tpu.memory_space<semaphore_mem>>
      %dma_start3A_114 = arith.constant 0 : i32
      %dma_start3A_115 = tpu.memref_slice %arg6[%arg0, %mul3A_113, %dma_start3A_114] : memref<2x10112x64xf32, #tpu.memory_space<hbm>> -> memref<1x632x64xf32, #tpu.memory_space<hbm>>
      %dma_start3A_116 = tpu.memref_squeeze %dma_start3A_115 : memref<1x632x64xf32, #tpu.memory_space<hbm>> -> memref<632x64xf32, #tpu.memory_space<hbm>>
      %dma_start3A_117 = arith.constant 0 : i32
      %dma_start3A_118 = tpu.memref_slice %arg10[%mul3A_111, %dma_start3A_117] : memref<10112x64xf32, #tpu.memory_space<vmem_shared>> -> memref<632x64xf32, #tpu.memory_space<vmem_shared>>
      tpu.enqueue_dma source(%dma_start3A_118 : memref<632x64xf32, #tpu.memory_space<vmem_shared>>) target(%dma_start3A_116 : memref<632x64xf32, #tpu.memory_space<hbm>>) target_semaphore(%run_scoped3A : memref<!tpu.dma_semaphore, #tpu.memory_space<semaphore_mem>>)
      %dma_wait3A = arith.constant 0 : i32
      %dma_wait3A_119 = tpu.memref_slice %arg6[%arg0, %mul3A_113, %dma_wait3A] : memref<2x10112x64xf32, #tpu.memory_space<hbm>> -> memref<1x632x64xf32, #tpu.memory_space<hbm>>
      %dma_wait3A_120 = tpu.memref_squeeze %dma_wait3A_119 : memref<1x632x64xf32, #tpu.memory_space<hbm>> -> memref<632x64xf32, #tpu.memory_space<hbm>>
      %dma_wait3A_121 = arith.constant 0 : i32
      %dma_wait3A_122 = tpu.memref_slice %arg10[%mul3A_111, %dma_wait3A_121] : memref<10112x64xf32, #tpu.memory_space<vmem_shared>> -> memref<632x64xf32, #tpu.memory_space<vmem_shared>>
      tpu.wait_dma2 semaphore(%run_scoped3A : memref<!tpu.dma_semaphore, #tpu.memory_space<semaphore_mem>>) src(%dma_wait3A_122 : memref<632x64xf32, #tpu.memory_space<vmem_shared>>) dst(%dma_wait3A_120 : memref<632x64xf32, #tpu.memory_space<hbm>>)
      tpu.yield
    }) : () -> ()
    return
  }
}

module attributes {stable_mosaic.version = 14 : i64} {
  func.func @_dense1_impl(%arg0: memref<2x10112x32xf32, #tpu.memory_space<vmem>>, %arg1: memref<10000x128xf32, #tpu.memory_space<vmem>>, %arg2: memref<128x32xf32, #tpu.memory_space<vmem>>, %arg3: memref<10000x32xf32, #tpu.memory_space<vmem>>, %arg4: memref<10000x1xf32, #tpu.memory_space<vmem>>) attributes {dimension_semantics = [], scalar_prefetch = 0 : i64, scratch_operands = 0 : i64, tpu.core_type = #tpu.core_type<tc>} {
    %get3A = arith.constant 0 : index
    %get3A_0 = arith.constant 0 : index
    %get3A_1 = arith.constant 0 : index
    %get3A_2 = vector.load %arg0[%get3A, %get3A_0, %get3A_1] : memref<2x10112x32xf32, #tpu.memory_space<vmem>>, vector<2x10112x32xf32>
    %slice3A = vector.extract_strided_slice %get3A_2 {offsets = [0, 0, 0], sizes = [1, 10000, 1], strides = [1, 1, 1]} : vector<2x10112x32xf32> to vector<1x10000x1xf32>
    %squeeze3A = vector.shape_cast %slice3A : vector<1x10000x1xf32> to vector<10000x1xf32>
    %slice3A_3 = vector.extract_strided_slice %get3A_2 {offsets = [1, 0, 0], sizes = [1, 10000, 1], strides = [1, 1, 1]} : vector<2x10112x32xf32> to vector<1x10000x1xf32>
    %squeeze3A_4 = vector.shape_cast %slice3A_3 : vector<1x10000x1xf32> to vector<10000x1xf32>
    %add3A = arith.addf %squeeze3A, %squeeze3A_4 : vector<10000x1xf32>
    %add3A_5 = arith.constant 1.000000e+00 : f32
    %add3A_6 = vector.broadcast %add3A_5 : f32 to vector<10000x1xf32>
    %add3A_7 = arith.addf %add3A, %add3A_6 : vector<10000x1xf32>
    %rsqrt3A = math.rsqrt %add3A_7 : vector<10000x1xf32>
    %get3A_8 = arith.constant 0 : index
    %get3A_9 = arith.constant 0 : index
    %get3A_10 = vector.load %arg1[%get3A_8, %get3A_9] : memref<10000x128xf32, #tpu.memory_space<vmem>>, vector<10000x128xf32>
    %get3A_11 = arith.constant 0 : index
    %get3A_12 = arith.constant 0 : index
    %get3A_13 = vector.load %arg2[%get3A_11, %get3A_12] : memref<128x32xf32, #tpu.memory_space<vmem>>, vector<128x32xf32>
    %dot_general3A = arith.constant dense<0.000000e+00> : vector<10000x32xf32>
    %dot_general3A_14 = tpu.matmul %get3A_10, %get3A_13, %dot_general3A {dimension_numbers = #tpu.dot_dimension_numbers<[1], [0], [0], [1], [0, 0, 1, 1], [], []>, transpose_lhs_hint = false} : vector<10000x128xf32>, vector<128x32xf32>, vector<10000x32xf32> -> vector<10000x32xf32>
    %mul3A = vector.broadcast %rsqrt3A : vector<10000x1xf32> to vector<10000x32xf32>
    %mul3A_15 = arith.mulf %dot_general3A_14, %mul3A : vector<10000x32xf32>
    %swap3A = arith.constant 0 : index
    %swap3A_16 = arith.constant 0 : index
    %swap3A_17 = vector.load %arg3[%swap3A, %swap3A_16] : memref<10000x32xf32, #tpu.memory_space<vmem>>, vector<10000x32xf32>
    tpu.vector_store %arg3[%swap3A, %swap3A_16], %mul3A_15 {strides = array<i32>} : memref<10000x32xf32, #tpu.memory_space<vmem>>, vector<10000x32xf32>,
    %swap3A_18 = arith.constant 0 : index
    %swap3A_19 = arith.constant 0 : index
    %swap3A_20 = vector.load %arg4[%swap3A_18, %swap3A_19] : memref<10000x1xf32, #tpu.memory_space<vmem>>, vector<10000x1xf32>
    tpu.vector_store %arg4[%swap3A_18, %swap3A_19], %rsqrt3A {strides = array<i32>} : memref<10000x1xf32, #tpu.memory_space<vmem>>, vector<10000x1xf32>,
    return
  }
}

module attributes {stable_mosaic.version = 14 : i64} {
  func.func @_dense2_impl(%arg0: memref<2x10112x32xf32, #tpu.memory_space<vmem>>, %arg1: memref<10000x32xf32, #tpu.memory_space<vmem>>, %arg2: memref<10000x1xf32, #tpu.memory_space<vmem>>, %arg3: memref<1x32xf32, #tpu.memory_space<vmem>>, %arg4: memref<1x32xf32, #tpu.memory_space<vmem>>, %arg5: memref<1x32xf32, #tpu.memory_space<vmem>>, %arg6: memref<32x64xf32, #tpu.memory_space<vmem>>, %arg7: memref<10000x64xf32, #tpu.memory_space<vmem>>) attributes {dimension_semantics = [], scalar_prefetch = 0 : i64, scratch_operands = 0 : i64, tpu.core_type = #tpu.core_type<tc>} {
    %get3A = arith.constant 0 : index
    %get3A_0 = arith.constant 0 : index
    %get3A_1 = arith.constant 0 : index
    %get3A_2 = vector.load %arg0[%get3A, %get3A_0, %get3A_1] : memref<2x10112x32xf32, #tpu.memory_space<vmem>>, vector<2x10112x32xf32>
    %get3A_3 = arith.constant 0 : index
    %get3A_4 = arith.constant 0 : index
    %get3A_5 = vector.load %arg2[%get3A_3, %get3A_4] : memref<10000x1xf32, #tpu.memory_space<vmem>>, vector<10000x1xf32>
    %slice3A = vector.extract_strided_slice %get3A_2 {offsets = [0, 0, 0], sizes = [1, 10000, 32], strides = [1, 1, 1]} : vector<2x10112x32xf32> to vector<1x10000x32xf32>
    %squeeze3A = vector.shape_cast %slice3A : vector<1x10000x32xf32> to vector<10000x32xf32>
    %slice3A_6 = vector.extract_strided_slice %get3A_2 {offsets = [1, 0, 0], sizes = [1, 10000, 32], strides = [1, 1, 1]} : vector<2x10112x32xf32> to vector<1x10000x32xf32>
    %squeeze3A_7 = vector.shape_cast %slice3A_6 : vector<1x10000x32xf32> to vector<10000x32xf32>
    %add3A = arith.addf %squeeze3A, %squeeze3A_7 : vector<10000x32xf32>
    %get3A_8 = arith.constant 0 : index
    %get3A_9 = arith.constant 0 : index
    %get3A_10 = vector.load %arg1[%get3A_8, %get3A_9] : memref<10000x32xf32, #tpu.memory_space<vmem>>, vector<10000x32xf32>
    %add3A_11 = arith.addf %add3A, %get3A_10 : vector<10000x32xf32>
    %mul3A = vector.broadcast %get3A_5 : vector<10000x1xf32> to vector<10000x32xf32>
    %mul3A_12 = arith.mulf %mul3A, %add3A_11 : vector<10000x32xf32>
    %get3A_13 = arith.constant 0 : index
    %get3A_14 = arith.constant 0 : index
    %get3A_15 = vector.load %arg3[%get3A_13, %get3A_14] : memref<1x32xf32, #tpu.memory_space<vmem>>, vector<1x32xf32>
    %add3A_16 = vector.broadcast %get3A_15 : vector<1x32xf32> to vector<10000x32xf32>
    %add3A_17 = arith.addf %mul3A_12, %add3A_16 : vector<10000x32xf32>
    %reduce_sum3A = arith.constant dense<0.000000e+00> : vector<32xf32>
    %reduce_sum3A_18 = vector.multi_reduction <add>, %add3A_17, %reduce_sum3A [0] : vector<10000x32xf32> to vector<32xf32>
    %broadcast_in_dim3A = vector.shape_cast %reduce_sum3A_18 : vector<32xf32> to vector<1x32xf32>
    %div3A = arith.constant 1.000000e+04 : f32
    %div3A_19 = vector.broadcast %div3A : f32 to vector<1x32xf32>
    %div3A_20 = arith.divf %broadcast_in_dim3A, %div3A_19 : vector<1x32xf32>
    %sub3A = vector.broadcast %div3A_20 : vector<1x32xf32> to vector<10000x32xf32>
    %sub3A_21 = arith.subf %add3A_17, %sub3A : vector<10000x32xf32>
    %mul3A_22 = arith.mulf %sub3A_21, %sub3A_21 : vector<10000x32xf32>
    %reduce_sum3A_23 = arith.constant dense<0.000000e+00> : vector<32xf32>
    %reduce_sum3A_24 = vector.multi_reduction <add>, %mul3A_22, %reduce_sum3A_23 [0] : vector<10000x32xf32> to vector<32xf32>
    %broadcast_in_dim3A_25 = vector.shape_cast %reduce_sum3A_24 : vector<32xf32> to vector<1x32xf32>
    %div3A_26 = arith.constant 1.000000e+04 : f32
    %div3A_27 = vector.broadcast %div3A_26 : f32 to vector<1x32xf32>
    %div3A_28 = arith.divf %broadcast_in_dim3A_25, %div3A_27 : vector<1x32xf32>
    %add3A_29 = arith.constant 9.99999974E-6 : f32
    %add3A_30 = vector.broadcast %add3A_29 : f32 to vector<1x32xf32>
    %add3A_31 = arith.addf %div3A_28, %add3A_30 : vector<1x32xf32>
    %rsqrt3A = math.rsqrt %add3A_31 : vector<1x32xf32>
    %mul3A_32 = vector.broadcast %rsqrt3A : vector<1x32xf32> to vector<10000x32xf32>
    %mul3A_33 = arith.mulf %sub3A_21, %mul3A_32 : vector<10000x32xf32>
    %get3A_34 = arith.constant 0 : index
    %get3A_35 = arith.constant 0 : index
    %get3A_36 = vector.load %arg4[%get3A_34, %get3A_35] : memref<1x32xf32, #tpu.memory_space<vmem>>, vector<1x32xf32>
    %mul3A_37 = vector.broadcast %get3A_36 : vector<1x32xf32> to vector<10000x32xf32>
    %mul3A_38 = arith.mulf %mul3A_33, %mul3A_37 : vector<10000x32xf32>
    %get3A_39 = arith.constant 0 : index
    %get3A_40 = arith.constant 0 : index
    %get3A_41 = vector.load %arg5[%get3A_39, %get3A_40] : memref<1x32xf32, #tpu.memory_space<vmem>>, vector<1x32xf32>
    %add3A_42 = vector.broadcast %get3A_41 : vector<1x32xf32> to vector<10000x32xf32>
    %add3A_43 = arith.addf %mul3A_38, %add3A_42 : vector<10000x32xf32>
    %max3A = arith.constant 0.000000e+00 : f32
    %max3A_44 = vector.broadcast %max3A : f32 to vector<10000x32xf32>
    %max3A_45 = arith.maximumf %add3A_43, %max3A_44 : vector<10000x32xf32>
    %get3A_46 = arith.constant 0 : index
    %get3A_47 = arith.constant 0 : index
    %get3A_48 = vector.load %arg6[%get3A_46, %get3A_47] : memref<32x64xf32, #tpu.memory_space<vmem>>, vector<32x64xf32>
    %dot_general3A = arith.constant dense<0.000000e+00> : vector<10000x64xf32>
    %dot_general3A_49 = tpu.matmul %max3A_45, %get3A_48, %dot_general3A {dimension_numbers = #tpu.dot_dimension_numbers<[1], [0], [0], [1], [0, 0, 1, 1], [], []>, transpose_lhs_hint = false} : vector<10000x32xf32>, vector<32x64xf32>, vector<10000x64xf32> -> vector<10000x64xf32>
    %mul3A_50 = vector.broadcast %get3A_5 : vector<10000x1xf32> to vector<10000x64xf32>
    %mul3A_51 = arith.mulf %dot_general3A_49, %mul3A_50 : vector<10000x64xf32>
    %swap3A = arith.constant 0 : index
    %swap3A_52 = arith.constant 0 : index
    %swap3A_53 = vector.load %arg7[%swap3A, %swap3A_52] : memref<10000x64xf32, #tpu.memory_space<vmem>>, vector<10000x64xf32>
    tpu.vector_store %arg7[%swap3A, %swap3A_52], %mul3A_51 {strides = array<i32>} : memref<10000x64xf32, #tpu.memory_space<vmem>>, vector<10000x64xf32>,
    return
  }
}

module attributes {stable_mosaic.version = 14 : i64} {
  func.func @_dense3_impl(%arg0: memref<2x10112x64xf32, #tpu.memory_space<vmem>>, %arg1: memref<10000x64xf32, #tpu.memory_space<vmem>>, %arg2: memref<10000x1xf32, #tpu.memory_space<vmem>>, %arg3: memref<1x64xf32, #tpu.memory_space<vmem>>, %arg4: memref<10000xi32, #tpu.memory_space<vmem>>, %arg5: memref<64x128xf32, #tpu.memory_space<vmem>>, %arg6: memref<1x128xf32, #tpu.memory_space<vmem>>, %arg7: memref<128x128xf32, #tpu.memory_space<vmem>>, %arg8: memref<1x128xf32, #tpu.memory_space<vmem>>, %arg9: memref<16x64xf32, #tpu.memory_space<vmem>>, %arg10: memref<16x64xf32, #tpu.memory_space<vmem>>) attributes {dimension_semantics = [], scalar_prefetch = 0 : i64, scratch_operands = 0 : i64, tpu.core_type = #tpu.core_type<tc>} {
    %get3A = arith.constant 0 : index
    %get3A_0 = arith.constant 0 : index
    %get3A_1 = arith.constant 0 : index
    %get3A_2 = vector.load %arg0[%get3A, %get3A_0, %get3A_1] : memref<2x10112x64xf32, #tpu.memory_space<vmem>>, vector<2x10112x64xf32>
    %get3A_3 = arith.constant 0 : index
    %get3A_4 = arith.constant 0 : index
    %get3A_5 = vector.load %arg2[%get3A_3, %get3A_4] : memref<10000x1xf32, #tpu.memory_space<vmem>>, vector<10000x1xf32>
    %slice3A = vector.extract_strided_slice %get3A_2 {offsets = [0, 0, 0], sizes = [1, 10000, 64], strides = [1, 1, 1]} : vector<2x10112x64xf32> to vector<1x10000x64xf32>
    %squeeze3A = vector.shape_cast %slice3A : vector<1x10000x64xf32> to vector<10000x64xf32>
    %slice3A_6 = vector.extract_strided_slice %get3A_2 {offsets = [1, 0, 0], sizes = [1, 10000, 64], strides = [1, 1, 1]} : vector<2x10112x64xf32> to vector<1x10000x64xf32>
    %squeeze3A_7 = vector.shape_cast %slice3A_6 : vector<1x10000x64xf32> to vector<10000x64xf32>
    %add3A = arith.addf %squeeze3A, %squeeze3A_7 : vector<10000x64xf32>
    %get3A_8 = arith.constant 0 : index
    %get3A_9 = arith.constant 0 : index
    %get3A_10 = vector.load %arg1[%get3A_8, %get3A_9] : memref<10000x64xf32, #tpu.memory_space<vmem>>, vector<10000x64xf32>
    %add3A_11 = arith.addf %add3A, %get3A_10 : vector<10000x64xf32>
    %mul3A = vector.broadcast %get3A_5 : vector<10000x1xf32> to vector<10000x64xf32>
    %mul3A_12 = arith.mulf %mul3A, %add3A_11 : vector<10000x64xf32>
    %get3A_13 = arith.constant 0 : index
    %get3A_14 = arith.constant 0 : index
    %get3A_15 = vector.load %arg3[%get3A_13, %get3A_14] : memref<1x64xf32, #tpu.memory_space<vmem>>, vector<1x64xf32>
    %add3A_16 = vector.broadcast %get3A_15 : vector<1x64xf32> to vector<10000x64xf32>
    %add3A_17 = arith.addf %mul3A_12, %add3A_16 : vector<10000x64xf32>
    %get3A_18 = arith.constant 0 : index
    %get3A_19 = vector.load %arg4[%get3A_18] : memref<10000xi32, #tpu.memory_space<vmem>>, vector<10000xi32>
    %iota3A = tpu.iota {dimensions = array<i32: 0>} : vector<16x10000xi32>
    %broadcast_in_dim3A = vector.shape_cast %get3A_19 : vector<10000xi32> to vector<1x10000xi32>
    %eq3A = vector.broadcast %broadcast_in_dim3A : vector<1x10000xi32> to vector<16x10000xi32>
    %eq3A_20 = arith.cmpi eq, %iota3A, %eq3A : vector<16x10000xi32>
    %convert_element_type3A = arith.extui %eq3A_20 : vector<16x10000xi1> to vector<16x10000xi32>
    %convert_element_type3A_21 = arith.sitofp %convert_element_type3A : vector<16x10000xi32> to vector<16x10000xf32>
    %reduce_sum3A = arith.constant dense<0.000000e+00> : vector<16xf32>
    %reduce_sum3A_22 = vector.multi_reduction <add>, %convert_element_type3A_21, %reduce_sum3A [1] : vector<16x10000xf32> to vector<16xf32>
    %broadcast_in_dim3A_23 = vector.shape_cast %reduce_sum3A_22 : vector<16xf32> to vector<16x1xf32>
    %dot_general3A = arith.constant dense<0.000000e+00> : vector<16x64xf32>
    %dot_general3A_24 = tpu.matmul %convert_element_type3A_21, %add3A_17, %dot_general3A {dimension_numbers = #tpu.dot_dimension_numbers<[1], [0], [0], [1], [0, 0, 1, 1], [], []>, transpose_lhs_hint = false} : vector<16x10000xf32>, vector<10000x64xf32>, vector<16x64xf32> -> vector<16x64xf32>
    %max3A = arith.constant 1.000000e+00 : f32
    %max3A_25 = vector.broadcast %max3A : f32 to vector<16x1xf32>
    %max3A_26 = arith.maximumf %broadcast_in_dim3A_23, %max3A_25 : vector<16x1xf32>
    %div3A = vector.broadcast %max3A_26 : vector<16x1xf32> to vector<16x64xf32>
    %div3A_27 = arith.divf %dot_general3A_24, %div3A : vector<16x64xf32>
    %get3A_28 = arith.constant 0 : index
    %get3A_29 = arith.constant 0 : index
    %get3A_30 = vector.load %arg5[%get3A_28, %get3A_29] : memref<64x128xf32, #tpu.memory_space<vmem>>, vector<64x128xf32>
    %dot_general3A_31 = arith.constant dense<0.000000e+00> : vector<16x128xf32>
    %dot_general3A_32 = tpu.matmul %div3A_27, %get3A_30, %dot_general3A_31 {dimension_numbers = #tpu.dot_dimension_numbers<[1], [0], [0], [1], [0, 0, 1, 1], [], []>, transpose_lhs_hint = false} : vector<16x64xf32>, vector<64x128xf32>, vector<16x128xf32> -> vector<16x128xf32>
    %get3A_33 = arith.constant 0 : index
    %get3A_34 = arith.constant 0 : index
    %get3A_35 = vector.load %arg6[%get3A_33, %get3A_34] : memref<1x128xf32, #tpu.memory_space<vmem>>, vector<1x128xf32>
    %add3A_36 = vector.broadcast %get3A_35 : vector<1x128xf32> to vector<16x128xf32>
    %add3A_37 = arith.addf %dot_general3A_32, %add3A_36 : vector<16x128xf32>
    %max3A_38 = arith.constant 0.000000e+00 : f32
    %max3A_39 = vector.broadcast %max3A_38 : f32 to vector<16x128xf32>
    %max3A_40 = arith.maximumf %add3A_37, %max3A_39 : vector<16x128xf32>
    %get3A_41 = arith.constant 0 : index
    %get3A_42 = arith.constant 0 : index
    %get3A_43 = vector.load %arg7[%get3A_41, %get3A_42] : memref<128x128xf32, #tpu.memory_space<vmem>>, vector<128x128xf32>
    %dot_general3A_44 = arith.constant dense<0.000000e+00> : vector<16x128xf32>
    %dot_general3A_45 = tpu.matmul %max3A_40, %get3A_43, %dot_general3A_44 {dimension_numbers = #tpu.dot_dimension_numbers<[1], [0], [0], [1], [0, 0, 1, 1], [], []>, transpose_lhs_hint = false} : vector<16x128xf32>, vector<128x128xf32>, vector<16x128xf32> -> vector<16x128xf32>
    %get3A_46 = arith.constant 0 : index
    %get3A_47 = arith.constant 0 : index
    %get3A_48 = vector.load %arg8[%get3A_46, %get3A_47] : memref<1x128xf32, #tpu.memory_space<vmem>>, vector<1x128xf32>
    %add3A_49 = vector.broadcast %get3A_48 : vector<1x128xf32> to vector<16x128xf32>
    %add3A_50 = arith.addf %dot_general3A_45, %add3A_49 : vector<16x128xf32>
    %slice3A_51 = vector.extract_strided_slice %add3A_50 {offsets = [0, 0], sizes = [16, 64], strides = [1, 1]} : vector<16x128xf32> to vector<16x64xf32>
    %swap3A = arith.constant 0 : index
    %swap3A_52 = arith.constant 0 : index
    %swap3A_53 = vector.load %arg9[%swap3A, %swap3A_52] : memref<16x64xf32, #tpu.memory_space<vmem>>, vector<16x64xf32>
    tpu.vector_store %arg9[%swap3A, %swap3A_52], %slice3A_51 {strides = array<i32>} : memref<16x64xf32, #tpu.memory_space<vmem>>, vector<16x64xf32>,
    %slice3A_54 = vector.extract_strided_slice %add3A_50 {offsets = [0, 64], sizes = [16, 64], strides = [1, 1]} : vector<16x128xf32> to vector<16x64xf32>
    %swap3A_55 = arith.constant 0 : index
    %swap3A_56 = arith.constant 0 : index
    %swap3A_57 = vector.load %arg10[%swap3A_55, %swap3A_56] : memref<16x64xf32, #tpu.memory_space<vmem>>, vector<16x64xf32>
    tpu.vector_store %arg10[%swap3A_55, %swap3A_56], %slice3A_54 {strides = array<i32>} : memref<16x64xf32, #tpu.memory_space<vmem>>, vector<16x64xf32>,
    return
  }
}

</mosaic_0001>

<sc_bundles>
// kernel: kernel.11.cloned.1.call-start
scs
__scs_entry_jumppad:
0x0: {  	(pc) =	sbr.rel $0x88, $3  }
0x1: {  	(tag) =	ssettag $0x0;
	lr =	simm.s32 $0x1  }
0x2: {  	[smem:$0x3F94] =	sst lr;
	_ =	strace $0xD0000000  }
0x3: {  	_ = 	snop  }
0x4: {  	_ = 	snop  }
0x5: {  	_ = 	snop  }
0x6: {  	_ = 	snop  }
0x7: {  	_ = 	snop  }
__scs_overlays_trampoline_lowered:
0x8: {  	[smem:$0x3FA3] =	sst s0  }
0x9: {  	[smem:$0x3FA4] =	sst s1  }
0xa: {  	[smem:$0x3FA5] =	sst s2  }
0xb: {  	[smem:$0x3FA6] =	sst s3  }
0xc: {  	[smem:$0x3FA7] =	sst s4  }
0xd: {  	[smem:$0x3FA8] =	sst s5  }
0xe: {  	[smem:$0x3FA9] =	sst s6  }
0xf: {  	[smem:$0x3FAA] =	sst s7  }
0x10: {  	[smem:$0x3FAB] =	sst s8  }
0x11: {  	[smem:$0x3FAC] =	sst s9;
	s0 =	simm.s32 @!p0 $0x0  }
0x12: {  	s1 =	sld [smem:$0x3F92];
	s0 =	simm.s32 @p0 $0x1  }
0x13: {  	[smem:$0x3FAD] =	sst s0;
	s0 =	simm.s32 @!p1 $0x0  }
0x14: {  	s2 =	sld [smem:$0x3F91];
	s0 =	simm.s32 @p1 $0x1  }
0x15: {  	[smem:$0x3FAE] =	sst s0;
	s0 =	simm.s32 @!p2 $0x0  }
0x16: {  	s3 =	sld [smem:$0x3FDB];
	s0 =	simm.s32 @p2 $0x1  }
0x17: {  	s4 =	simm.s32 $0x1BF5;
	[smem:$0x3FB0] =	sst s0  }
0x18: {  	s0 =	sld [smem:$0x3F93];
	_ =	swait.ge [sflag:s4], $0x0  }
0x19: {  	s7 =	sld [smem:$0x3F94]  }
0x1a: {  	s8 =	sadd.s32 $0xFFFFE003, lr  }
0x1b: {  	s9 =	sadd.s32 $0xFFFFFEF7, lr;
	s5 =	simm.s32 $0xFFFFFFFF;
	p2 =	slt.u32 s8, $0xFFFFF086  }
0x1c: {  	p1 =	slt.u32 s9, $0xF7A;
	s5 =	simm.s32 @!p2 $0x0  }
0x1d: {  	s5 =	simm.s32 @p1 $0x1;
	p0 =	seq.s32 s7, s2  }
0x1e: {  	s7 =	smul.u32 @!p0 $0xF7A, s2;
	p2 =	seq.s32 @!p0 s5, $0x0  }
0x1f: {  	s9 =	smul.u32 $0xF7A, s1;
	s8 =	simm.s32 @!p0 $0x1BF5;
	p2 =	por !p2, p0  }
0x20: {  	[sflag:s8] =	ssyncset.s32 @!p0 $0xFFFFF086;
	s6 =	sadd.s32 @!p0 s3, s7;
	s7 =	simm.s32 @!p0 $0x108  }
0x21: {  	s3 =	sadd.s32 s3, s9;
	s6 =	sadd.s32 @!p0 $0x88, s6;
	s7 =	simm.s32 @p2 $0x1082  }
0x22: {  	[simem:s7], [sflag:s8] =	dma.local @!p0 [hbm:s6], $0xF7A  }
0x23: {  	s9 =	sor.u32 $0xD0000000, s2;
	s6 =	simm.s32 $0x108;
	_ =	swait.ge @!p0 [sflag:s8], $0x0  }
0x24: {  	s3 =	sadd.s32 $0x88, s3;
	s6 =	simm.s32 @!p1 $0x1082;
	[sflag:s4] =	ssyncset.s32 $0xFFFFF086  }
0x25: {  	[simem:s6], [sflag:s4] =	dma.local [hbm:s3], $0xF7A  }
0x26: {  	[smem:$0x3F94] =	sst s1;
	(tag) =	ssettag s2;
	_ =	strace s9  }
0x27: {  	s1 =	sld [smem:$0x3FA4]  }
0x28: {  	s2 =	sld [smem:$0x3FA5]  }
0x29: {  	s4 =	sld [smem:$0x3FA7]  }
0x2a: {  	p0 =	seq.s32 s5, $0x0;
	s5 =	sld [smem:$0x3FA8]  }
0x2b: {  	s6 =	sld [smem:$0x3FA9]  }
0x2c: {  	s7 =	sld [smem:$0x3FAA]  }
0x2d: {  	s3 =	simm.s32 $0x108;
	s8 =	sld [smem:$0x3FAB]  }
0x2e: {  	s3 =	simm.s32 @!p0 $0x1082;
	s9 =	sld [smem:$0x3FAC]  }
0x2f: {  	lr =	sadd.s32 s0, s3;
	s0 =	sld [smem:$0x3FA3]  }
0x30: {  	s3 =	sld [smem:$0x3FA6]  }
0x31: {  	[smem:$0x3FAF] =	sst s10  }
0x32: {  	s10 =	sld [smem:$0x3FAD];
	_ =	sdelay $0x3  }
0x33: {  	p0 =	seq.s32 s10, $0x1;
	s10 =	sld [smem:$0x3FAF];
	_ =	sdelay $0x3  }
0x34: {  	[smem:$0x3FAF] =	sst s10  }
0x35: {  	s10 =	sld [smem:$0x3FAE];
	_ =	sdelay $0x3  }
0x36: {  	p1 =	seq.s32 s10, $0x1;
	s10 =	sld [smem:$0x3FAF];
	_ =	sdelay $0x3  }
0x37: {  	[smem:$0x3FAF] =	sst s10  }
0x38: {  	s10 =	sld [smem:$0x3FB0]  }
0x39: {  	_ = 	snop;
	(pc) =	sbr.ind lr, $3  }
0x3a: {  	_ = 	snop  }
0x3b: {  	_ = 	snop  }
0x3c: {  	p2 =	seq.s32 s10, $0x1;
	s10 =	sld [smem:$0x3FAF]  }
0x3d: {  	_ =	shalt  }
0x3e: {  	_ =	shalt  }
0x3f: {  	_ =	shalt  }
0x40: {  	_ =	shalt  }
0x41: {  	_ =	shalt  }
0x42: {  	_ =	shalt  }
0x43: {  	_ =	shalt  }
0x44: {  	_ =	shalt  }
0x45: {  	_ =	shalt  }
0x46: {  	_ =	shalt  }
0x47: {  	_ =	shalt  }
0x48: {  	_ =	shalt  }
0x49: {  	_ =	shalt  }
0x4a: {  	_ =	shalt  }
0x4b: {  	_ =	shalt  }
0x4c: {  	_ =	shalt  }
0x4d: {  	_ =	shalt  }
0x4e: {  	_ =	shalt  }
0x4f: {  	_ =	shalt  }
0x50: {  	_ =	shalt  }
0x51: {  	_ =	shalt  }
0x52: {  	_ =	shalt  }
0x53: {  	_ =	shalt  }
0x54: {  	_ =	shalt  }
0x55: {  	_ =	shalt  }
0x56: {  	_ =	shalt  }
0x57: {  	_ =	shalt  }
0x58: {  	_ =	shalt  }
0x59: {  	_ =	shalt  }
0x5a: {  	_ =	shalt  }
0x5b: {  	_ =	shalt  }
0x5c: {  	_ =	shalt  }
0x5d: {  	_ =	shalt  }
0x5e: {  	_ =	shalt  }
0x5f: {  	_ =	shalt  }
0x60: {  	_ =	shalt  }
0x61: {  	_ =	shalt  }
0x62: {  	_ =	shalt  }
0x63: {  	_ =	shalt  }
0x64: {  	_ =	shalt  }
0x65: {  	_ =	shalt  }
0x66: {  	_ =	shalt  }
0x67: {  	_ =	shalt  }
0x68: {  	_ =	shalt  }
0x69: {  	_ =	shalt  }
0x6a: {  	_ =	shalt  }
0x6b: {  	_ =	shalt  }
0x6c: {  	_ =	shalt  }
0x6d: {  	_ =	shalt  }
0x6e: {  	_ =	shalt  }
0x6f: {  	_ =	shalt  }
0x70: {  	_ =	shalt  }
0x71: {  	_ =	shalt  }
0x72: {  	_ =	shalt  }
0x73: {  	_ =	shalt  }
0x74: {  	_ =	shalt  }
0x75: {  	_ =	shalt  }
0x76: {  	_ =	shalt  }
0x77: {  	_ =	shalt  }
0x78: {  	_ =	shalt  }
0x79: {  	_ =	shalt  }
0x7a: {  	_ =	shalt  }
0x7b: {  	_ =	shalt  }
0x7c: {  	_ =	shalt  }
0x7d: {  	_ =	shalt  }
0x7e: {  	_ =	shalt  }
0x7f: {  	_ =	shalt  }
0x80: {  	_ =	shalt  }
0x81: {  	_ =	shalt  }
0x82: {  	_ =	shalt  }
0x83: {  	_ =	shalt  }
0x84: {  	_ =	shalt  }
0x85: {  	_ =	shalt  }
0x86: {  	_ =	shalt  }
0x87: {  	_ =	shalt  }
.Lfunc_end0:
.L_simem_size_0:
called_computation.1_lowered:
.L_overlay_start_0:
0x88: {  	s2 =	sld [smem:$0x3FD9]  }
0x89: {  	s3 =	sld [smem:$0x3FFE];
	_ =	sdelay $0x1  }
0x8a: {  	s1 =	srdreg.scid  }
0x8b: {  	s0 =	sand.u32 $0x1, s1  }
0x8c: {  	s16 =	sshll.u32 s0, $0xA;
	s2 =	sadd.s32 s3, s2  }
0x8d: {  	s2 =	sadd.s32 s2, s16  }
0x8e: {  	[smem:$0x3FBB] =	sst s2  }
0x8f: {  	_ = 	snop  }
0x90: {  	(tm) =	ssettm $0x1  }
0x91: {  	s17 =	sld [smem:$0x3FFB];
	_ =	sdelay $0x3  }
0x92: {  	_ =	strace s17  }
0x93: {  	s2 =	sld [smem:$0x3FFC];
	_ =	sdelay $0x3  }
0x94: {  	_ =	strace s2  }
0x95: {  	s2 =	sld [smem:$0x3FFD];
	_ =	sdelay $0x3  }
0x96: {  	_ =	strace s2  }
0x97: {  	_ =	strace $0x8FFFFFFF  }
0x98: {  	s18 =	sld [smem:$0x3FDB];
	_ =	sdelay $0x1  }
0x99: {  	s19 =	simm.s32 $_scs_section_size  }
0x9a: {  	s4 =	simm.s32 $_size__tile_overlayer_lowered;
	s5 =	simm.s32 $_tile_overlayer_lowered  }
0x9b: {  	s22 =	simm.s32 $0x1BFF;
	s21 =	sshll.u32 s5, $0x1;
	s2 =	sadd.s32 s19, s18  }
0x9c: {  	s6 =	simm.s32 $0x0;
	s20 =	sshll.u32 s4, $0x1;
	s4 =	sadd.s32 s21, s2  }
0x9d: {  	[timem:s6], [sflag:s22] =	dma.local [hbm:s4], s20  }
0x9e: {  	_ =	swait.ge [sflag:s22], s20  }
0x9f: {  	s3 =	ssub.s32 $0x0, s20;
	[sflag:s22] =	ssyncset.done $0x0  }
0xa0: {  	[sflag:s22] =	ssyncadd.s32 s3;
	_ =	sdelay $0x1  }
0xa1: {  	s23 =	simm.s32 $0x1B8B  }
0xa2: {  	_ =	swait.ge [sflag:s23], $0x1  }
0xa3: {  	[sflag:s23] =	ssyncset.done $0x0  }
0xa4: {  	s25 =	simm.s32 $0x1B8E;
	s24 =	sld [smem:$0x3FFE];
	[sflag:s23] =	ssyncadd.s32 $0xFFFFFFFF  }
0xa5: {  	s26 =	simm.s32 $execute0_lowered;
	[smem:$0x3FD2] =	sst s25  }
0xa6: {  	s4 =	sshll.u32 s26, $0x1;
	_ =	strace $0x80000049;
	[dreg:$0x1] =	wrdreg $0xFFFFFFFF  }
0xa7: {  	s28 =	simm.s32 $_size_execute0_lowered;
	s2 =	sadd.s32 s2, s4;
	[dreg:$0x0] =	wrdreg $0x0  }
0xa8: {  	s4 =	sshll.u32 s28, $0x1;
	[dreg:$0x2] =	wrdreg s2  }
0xa9: {  	[dreg:$0x3] =	wrdreg s4  }
0xaa: {  	[dreg:$0x4] =	wrdreg $0xC0  }
0xab: {  	_ =	task [dreg:s6], $0x5FFFF  }
0xac: {  	[dreg:$0x1] =	wrdreg $0xFFFFFFFF  }
0xad: {  	[dreg:$0x0] =	wrdreg $0x60  }
0xae: {  	[dreg:$0x2] =	wrdreg s24  }
0xaf: {  	[dreg:$0x3] =	wrdreg $0xD0000  }
0xb0: {  	[dreg:$0x4] =	wrdreg $0x9  }
0xb1: {  	_ =	task.clear_ibuf [dreg:s6], $0x5FFFF;
	_ =	strace $0x90000049  }
0xb2: {  	s29 =	simm.s32 $0x9;
	_ =	strace $0x8000004B  }
0xb3: {  	_ =	swait.ge [sflag:s29], $0x1  }
0xb4: {  	[sflag:s29] =	ssyncadd.s32 $0xFFFFFFFF  }
0xb5: {  	_ =	strace $0x9000004B  }
0xb6: {  	_ =	sfence  }
0xb7: {  	s30 =	sld [smem:$0x0];
	_ =	sdelay $0x2  }
0xb8: {  	s31 =	sshll.u32 s1, $0xD;
	s1 =	sshrl.u32 s1, $0x2  }
0xb9: {  	s3 =	sand.u32 $0x4000, s31;
	s1 =	sadd.s32 s1, s30  }
0xba: {  	s0 =	sor.u32 s3, s0;
	s1 =	sshll.u32 s1, $0x11  }
0xbb: {  	s0 =	sor.u32 s1, s0  }
0xbc: {  	s0 =	sadd.s32 $0x8F2B, s0  }
0xbd: {  	[sflag:s0] =	ssyncadd.remote.s32 $0x1  }
0xbe: {  	_ =	sfence.sel $0xFFFF  }
0xbf: {  	[dreg:$0x0] =	wrdreg $0xFFFFFFFF;
	(pc) =	sbr.abs _section_cstart, $3  }
0xc0: {  	[dreg:$0x1] =	wrdreg $0xFFFFFFFF  }
0xc1: {  	_ =	task.clear_ibuf [dreg:s6], $0x2FFFF;
	_ =	strace $0x9FFFFFFF  }
0xc2: {  	(tm) =	ssettm $0x7FFFFFFF  }
0xc3: {  	_ =	shalt  }
tec
execute0_lowered:
.L_overlay_start_1:
0x0: {  	(tag) =	ssettag $0x1  }
0x1: {  	s0 =	srdreg.scid  }
0x2: {  	s11 =	stileid.u32;
	s5 =	rddreg [dreg:$0x0]  }
0x3: {  	s2 =	rddreg [dreg:$0x1];
	s3 =	simm.s32 $0x0;
	s10 =	simm.s32 $0x9  }
0x4: {  	s14 =	simm.s32 $0x80;
	s15 =	simm.s32 $0x5000;
	s18 =	simm.s32 $0x7000  }
0x5: {  	s22 =	simm.s32 $0x9000;
	s29 =	simm.s32 $0xC000;
	s30 =	simm.s32 $0x1  }
0x6: {  	s31 =	simm.s32 $0x3;
	s16 =	simm.s32 $0x0;
	s0 =	sand.u32 $0x1, s0  }
0x7: {  	s7 =	smul.u32 $0x4F00, s11;
	[smem:$0x7FF] =	sst s3;
	s4 =	sadd.s32 $0x20400, s5  }
0x8: {  	s28 =	sshll.u32 s11, $0x6;
	s1 =	sshll.u32 s0, $0x4;
	s6 =	smul.u32 $0x4F000, s0  }
0x9: {  	_ =	strace $0x8000004A;
	s0 =	ssub.s32 $0x2, s0;
	s12 =	sor.u32 $0x1C09, s28  }
0xa: {  	s1 =	sor.u32 s11, s1;
	s8 =	sshrl.u32 s7, $0x3;
	s24 =	sshrl.u32 s0, $0x1  }
0xb: {  	s26 =	sadd.s32 s7, s2;
	s11 =	simm.s32 $0x8;
	s1 =	smul.u32 $0x500, s1  }
0xc: {  	s6 =	sadd.s32 s7, s6;
	s8 =	sadd.s32 s8, s5;
	s0 =	ssub.s32 s0, s24  }
.Ltmp0:
0xd: {  	s13 =	sshrl.u32 s26, $0x3;
	s26 =	simm.s32 $0xB000;
	(pc) =	sbr.rel .LBB2_1-.Ltmp0, $4  }
0xe: {  	s6 =	sshrl.u32 s6, $0x3;
	s7 =	sadd.s32 $0x16600, s8;
	s1 =	sadd.s32 s1, s5  }
0xf: {  	s9 =	sadd.s32 s6, s5;
	s25 =	sadd.s32 $0xC600, s1;
	s1 =	sadd.s32 $0x2600, s1  }
0x10: {  	s8 =	sadd.s32 $0x2A200, s9;
	s9 =	smax.u32 s0, $0x1;
	[dreg:$0x3] =	wrdreg s25  }
0x11: {  	s0 =	simm.s32 $0x7;
	[dreg:$0x4] =	wrdreg s1;
	s1 =	simm.s32 $0x5  }
.LBB2_4:
0x12: {  	_ =	swait.ge [sflag:s11], $0x1000  }
0x13: {  	[sflag:s11] =	ssyncset.done $0x0  }
0x14: {  	[sflag:s11] =	ssyncadd.s32 $0xFFFFF000  }
0x15: {  	[spmem:s2] =	stream.indirect.scatter.add.f32 [tilespmem:s29], [sflag:$0x9], $0x20, s20, s14, $0xb8;
	[tilespmem:$0x11F00] =	vst v63  }
0x16: {  	_ =	swait.ge [sflag:s10], $0x1000  }
0x17: {  	s16 =	sadd.s32 $0x1, s16;
	[sflag:s10] =	ssyncset.done $0x0  }
0x18: {  	p0 =	sne.s32 s16, s9;
	[sflag:s10] =	ssyncadd.s32 $0xFFFFF000  }
.Ltmp1:
0x19: {  	[bflag:$0x0] =	sbarrier.arrive $0xFFFF;
	(pc) =	sbr.rel @!p0 .LBB2_5-.Ltmp1, $4  }
0x1a: {  	[hbm:s8], [sflag:s12] =	dma.local [spmem:s13], $0x9E0  }
0x1b: {  	_ =	swait.ge [sflag:s10], $0x9E0  }
0x1c: {  	[sflag:s10] =	ssyncset.done $0x0  }
0x1d: {  	[sflag:s10] =	ssyncadd.s32 $0xFFFFF620  }
.LBB2_1:
0x1e: {  	s5 =	rddreg [dreg:$0x3]  }
0x1f: {  	[tilespmem:s3], [sflag:$0x9] =	stream.linear.gather [hbm4b:s5+s3], $0x2800, $0x38;
	[tilespmem:$0x11F00] =	vst v63  }
0x20: {  	_ =	swait.ge [sflag:s10], $0x2800  }
0x21: {  	[sflag:s10] =	ssyncset.done $0x0  }
0x22: {  	s6 =	simm.s32 $0x2800;
	s28 =	rddreg [dreg:$0x4];
	[sflag:s10] =	ssyncadd.s32 $0xFFFFD800  }
0x23: {  	[tilespmem:s6], [sflag:$0x9] =	stream.linear.gather [hbm4b:s28+s3], $0x2800, $0x38;
	[tilespmem:$0x11F00] =	vst v63  }
0x24: {  	_ =	swait.ge [sflag:s10], $0x2800  }
0x25: {  	[sflag:s10] =	ssyncset.done $0x0  }
0x26: {  	[sflag:s10] =	ssyncadd.s32 $0xFFFFD800  }
0x27: {  	[spmem:s13], [sflag:s12] =	dma.local [hbm:s7], $0x9E0  }
0x28: {  	_ =	swait.ge [sflag:s10], $0x9E0  }
0x29: {  	[sflag:s10] =	ssyncset.done $0x0  }
0x2a: {  	[sflag:s10] =	ssyncadd.s32 $0xFFFFF620  }
0x2b: {  	[bflag:$0x0] =	sbarrier.arrive $0xFFFF  }
0x2c: {  	[tilespmem:s15], [sflag:$0x1] =	stream.indirect.gather [hbm4b:s4+s14], $0x20, s3, s14, $0xb8;
	[tilespmem:$0x11F00] =	vst v63  }
0x2d: {  	s6 =	simm.s32 $0x6000  }
0x2e: {  	[tilespmem:s6], [sflag:$0x2] =	stream.indirect.gather [hbm4b:s4+s14], $0x20, s14, s14, $0xb8;
	[tilespmem:$0x11F00] =	vst v63  }
0x2f: {  	s17 =	simm.s32 $0x100  }
0x30: {  	[tilespmem:s18], [sflag:$0x3] =	stream.indirect.gather [hbm4b:s4+s14], $0x20, s17, s14, $0xb8;
	[tilespmem:$0x11F00] =	vst v63  }
0x31: {  	s19 =	simm.s32 $0x180;
	s20 =	simm.s32 $0x8000  }
0x32: {  	[tilespmem:s20], [sflag:$0x4] =	stream.indirect.gather [hbm4b:s4+s14], $0x20, s19, s14, $0xb8;
	[tilespmem:$0x11F00] =	vst v63  }
0x33: {  	s21 =	simm.s32 $0x200  }
0x34: {  	[tilespmem:s22], [sflag:$0x5] =	stream.indirect.gather [hbm4b:s4+s14], $0x20, s21, s14, $0xb8;
	[tilespmem:$0x11F00] =	vst v63  }
0x35: {  	s23 =	simm.s32 $0x280;
	s24 =	simm.s32 $0xA000  }
0x36: {  	[tilespmem:s24], [sflag:$0x6] =	stream.indirect.gather [hbm4b:s4+s14], $0x20, s23, s14, $0xb8;
	[tilespmem:$0x11F00] =	vst v63  }
0x37: {  	s25 =	simm.s32 $0x300  }
0x38: {  	[tilespmem:s26], [sflag:$0x7] =	stream.indirect.gather [hbm4b:s4+s14], $0x20, s25, s14, $0xb8;
	[tilespmem:$0x11F00] =	vst v63  }
0x39: {  	s28 =	simm.s32 $0x380;
	s17 =	simm.s32 $0x0  }
0x3a: {  	[tilespmem:s29], [sflag:$0x8] =	stream.indirect.gather [hbm4b:s4+s14], $0x20, s28, s14, $0xb8;
	[tilespmem:$0x11F00] =	vst v63  }
.LBB2_2:
0x3b: {  	_ =	swait.ge [sflag:s30], $0x1000  }
0x3c: {  	s19 =	sshra.s32 s17, $0x2;
	[sflag:s30] =	ssyncset.done $0x0  }
0x3d: {  	s20 =	sadd.s32 $0x2800, s19;
	[sflag:s30] =	ssyncadd.s32 $0xFFFFF000  }
0x3e: {  	[spmem:s2] =	stream.indirect.scatter.add.f32 [tilespmem:s15], [sflag:$0x9], $0x20, s20, s14, $0xb8;
	[tilespmem:$0x11F00] =	vst v63  }
0x3f: {  	_ =	swait.ge [sflag:s10], $0x1000  }
0x40: {  	p0 =	seq.s32 s17, $0x9000;
	[sflag:s10] =	ssyncset.done $0x0  }
0x41: {  	s20 =	simm.s32 @p0 $0x2;
	[sflag:s10] =	ssyncadd.s32 $0xFFFFF000  }
0x42: {  	s23 =	sshra.s32 @p0 s17, $0x2;
	_ =	swait.ge @p0 [sflag:s20], $0x1000  }
0x43: {  	s24 =	simm.s32 @p0 $0x80;
	s21 =	simm.s32 @p0 $0x6000;
	[sflag:s20] =	ssyncset.done @p0 $0x0  }
0x44: {  	s25 =	simm.s32 @p0 $0x9;
	[sflag:s20] =	ssyncadd.s32 @p0 $0xFFFFF000;
	s20 =	sadd.s32 @p0 $0x2880, s23  }
0x45: {  	[spmem:s2] =	stream.indirect.scatter.add.f32 @p0 [tilespmem:s21], [sflag:$0x9], $0x20, s20, s24, $0xb8;
	[tilespmem:$0x11F00] =	vst v63  }
0x46: {  	_ =	swait.ge @p0 [sflag:s25], $0x1000  }
0x47: {  	s5 =	simm.s32 @!p0 $0x5000;
	s20 =	sshra.s32 @!p0 s17, $0x2;
	[sflag:s25] =	ssyncset.done @p0 $0x0  }
0x48: {  	s21 =	simm.s32 @!p0 $0x80;
	s28 =	sadd.s32 @!p0 $0x400, s20;
	[sflag:s25] =	ssyncadd.s32 @p0 $0xFFFFF000  }
0x49: {  	[tilespmem:s5], [sflag:$0x1] =	stream.indirect.gather @!p0 [hbm4b:s4+s21], $0x20, s28, s21, $0xb8;
	[tilespmem:$0x11F00] =	vst v63  }
0x4a: {  	s5 =	simm.s32 @!p0 $0x2  }
0x4b: {  	_ =	swait.ge @!p0 [sflag:s5], $0x1000  }
0x4c: {  	s6 =	simm.s32 @!p0 $0x6000;
	[sflag:s5] =	ssyncset.done @!p0 $0x0  }
0x4d: {  	s28 =	simm.s32 @!p0 $0x9;
	[sflag:s5] =	ssyncadd.s32 @!p0 $0xFFFFF000;
	s5 =	sadd.s32 @!p0 $0x2880, s20  }
0x4e: {  	[spmem:s2] =	stream.indirect.scatter.add.f32 @!p0 [tilespmem:s6], [sflag:$0x9], $0x20, s5, s21, $0xb8;
	[tilespmem:$0x11F00] =	vst v63  }
0x4f: {  	_ =	swait.ge @!p0 [sflag:s28], $0x1000  }
0x50: {  	[sflag:s28] =	ssyncset.done @!p0 $0x0  }
0x51: {  	s5 =	sadd.s32 @!p0 $0x480, s20;
	[sflag:s28] =	ssyncadd.s32 @!p0 $0xFFFFF000  }
0x52: {  	[tilespmem:s6], [sflag:$0x2] =	stream.indirect.gather @!p0 [hbm4b:s4+s21], $0x20, s5, s21, $0xb8;
	[tilespmem:$0x11F00] =	vst v63  }
0x53: {  	_ =	swait.ge [sflag:s31], $0x1000  }
0x54: {  	[sflag:s31] =	ssyncset.done $0x0  }
0x55: {  	s6 =	sadd.s32 $0x2900, s19;
	[sflag:s31] =	ssyncadd.s32 $0xFFFFF000  }
0x56: {  	[spmem:s2] =	stream.indirect.scatter.add.f32 [tilespmem:s18], [sflag:$0x9], $0x20, s6, s14, $0xb8;
	[tilespmem:$0x11F00] =	vst v63  }
0x57: {  	_ =	swait.ge [sflag:s10], $0x1000  }
0x58: {  	[sflag:s10] =	ssyncset.done $0x0  }
0x59: {  	s5 =	simm.s32 @p0 $0x4;
	[sflag:s10] =	ssyncadd.s32 $0xFFFFF000  }
0x5a: {  	_ =	swait.ge @p0 [sflag:s5], $0x1000  }
0x5b: {  	[sflag:s5] =	ssyncset.done @p0 $0x0  }
0x5c: {  	s6 =	simm.s32 @p0 $0x8000;
	[sflag:s5] =	ssyncadd.s32 @p0 $0xFFFFF000;
	s5 =	sadd.s32 @p0 $0x2980, s23  }
0x5d: {  	[spmem:s2] =	stream.indirect.scatter.add.f32 @p0 [tilespmem:s6], [sflag:$0x9], $0x20, s5, s24, $0xb8;
	[tilespmem:$0x11F00] =	vst v63  }
0x5e: {  	_ =	swait.ge @p0 [sflag:s25], $0x1000  }
0x5f: {  	[sflag:s25] =	ssyncset.done @p0 $0x0  }
0x60: {  	s5 =	sadd.s32 @!p0 $0x500, s20;
	s6 =	simm.s32 @!p0 $0x7000;
	[sflag:s25] =	ssyncadd.s32 @p0 $0xFFFFF000  }
0x61: {  	[tilespmem:s6], [sflag:$0x3] =	stream.indirect.gather @!p0 [hbm4b:s4+s21], $0x20, s5, s21, $0xb8;
	[tilespmem:$0x11F00] =	vst v63  }
0x62: {  	s5 =	simm.s32 @!p0 $0x4  }
0x63: {  	_ =	swait.ge @!p0 [sflag:s5], $0x1000  }
0x64: {  	[sflag:s5] =	ssyncset.done @!p0 $0x0  }
0x65: {  	s6 =	simm.s32 @!p0 $0x8000;
	[sflag:s5] =	ssyncadd.s32 @!p0 $0xFFFFF000;
	s5 =	sadd.s32 @!p0 $0x2980, s20  }
0x66: {  	[spmem:s2] =	stream.indirect.scatter.add.f32 @!p0 [tilespmem:s6], [sflag:$0x9], $0x20, s5, s21, $0xb8;
	[tilespmem:$0x11F00] =	vst v63  }
0x67: {  	_ =	swait.ge @!p0 [sflag:s28], $0x1000  }
0x68: {  	[sflag:s28] =	ssyncset.done @!p0 $0x0  }
0x69: {  	s5 =	sadd.s32 @!p0 $0x580, s20;
	[sflag:s28] =	ssyncadd.s32 @!p0 $0xFFFFF000  }
0x6a: {  	[tilespmem:s6], [sflag:$0x4] =	stream.indirect.gather @!p0 [hbm4b:s4+s21], $0x20, s5, s21, $0xb8;
	[tilespmem:$0x11F00] =	vst v63  }
0x6b: {  	_ =	swait.ge [sflag:s1], $0x1000  }
0x6c: {  	[sflag:s1] =	ssyncset.done $0x0  }
0x6d: {  	s6 =	sadd.s32 $0x2A00, s19;
	[sflag:s1] =	ssyncadd.s32 $0xFFFFF000  }
0x6e: {  	[spmem:s2] =	stream.indirect.scatter.add.f32 [tilespmem:s22], [sflag:$0x9], $0x20, s6, s14, $0xb8;
	[tilespmem:$0x11F00] =	vst v63  }
0x6f: {  	_ =	swait.ge [sflag:s10], $0x1000  }
0x70: {  	[sflag:s10] =	ssyncset.done $0x0  }
0x71: {  	s5 =	simm.s32 @p0 $0x6;
	[sflag:s10] =	ssyncadd.s32 $0xFFFFF000  }
0x72: {  	_ =	swait.ge @p0 [sflag:s5], $0x1000  }
0x73: {  	[sflag:s5] =	ssyncset.done @p0 $0x0  }
0x74: {  	s6 =	simm.s32 @p0 $0xA000;
	[sflag:s5] =	ssyncadd.s32 @p0 $0xFFFFF000;
	s5 =	sadd.s32 @p0 $0x2A80, s23  }
0x75: {  	[spmem:s2] =	stream.indirect.scatter.add.f32 @p0 [tilespmem:s6], [sflag:$0x9], $0x20, s5, s24, $0xb8;
	[tilespmem:$0x11F00] =	vst v63  }
0x76: {  	_ =	swait.ge @p0 [sflag:s25], $0x1000  }
0x77: {  	[sflag:s25] =	ssyncset.done @p0 $0x0  }
0x78: {  	s5 =	sadd.s32 @!p0 $0x600, s20;
	s6 =	simm.s32 @!p0 $0x9000;
	[sflag:s25] =	ssyncadd.s32 @p0 $0xFFFFF000  }
0x79: {  	[tilespmem:s6], [sflag:$0x5] =	stream.indirect.gather @!p0 [hbm4b:s4+s21], $0x20, s5, s21, $0xb8;
	[tilespmem:$0x11F00] =	vst v63  }
0x7a: {  	s5 =	simm.s32 @!p0 $0x6  }
0x7b: {  	_ =	swait.ge @!p0 [sflag:s5], $0x1000  }
0x7c: {  	[sflag:s5] =	ssyncset.done @!p0 $0x0  }
0x7d: {  	s6 =	simm.s32 @!p0 $0xA000;
	[sflag:s5] =	ssyncadd.s32 @!p0 $0xFFFFF000;
	s5 =	sadd.s32 @!p0 $0x2A80, s20  }
0x7e: {  	[spmem:s2] =	stream.indirect.scatter.add.f32 @!p0 [tilespmem:s6], [sflag:$0x9], $0x20, s5, s21, $0xb8;
	[tilespmem:$0x11F00] =	vst v63  }
0x7f: {  	_ =	swait.ge @!p0 [sflag:s28], $0x1000  }
0x80: {  	[sflag:s28] =	ssyncset.done @!p0 $0x0  }
0x81: {  	s5 =	sadd.s32 @!p0 $0x680, s20;
	[sflag:s28] =	ssyncadd.s32 @!p0 $0xFFFFF000  }
0x82: {  	[tilespmem:s6], [sflag:$0x6] =	stream.indirect.gather @!p0 [hbm4b:s4+s21], $0x20, s5, s21, $0xb8;
	[tilespmem:$0x11F00] =	vst v63  }
0x83: {  	_ =	swait.ge [sflag:s0], $0x1000  }
0x84: {  	[sflag:s0] =	ssyncset.done $0x0  }
.Ltmp2:
0x85: {  	s28 =	sadd.s32 $0x2B00, s19;
	[sflag:s0] =	ssyncadd.s32 $0xFFFFF000;
	(pc) =	sbr.rel @p0 .LBB2_4-.Ltmp2, $4  }
0x86: {  	[spmem:s2] =	stream.indirect.scatter.add.f32 [tilespmem:s26], [sflag:$0x9], $0x20, s28, s14, $0xb8;
	[tilespmem:$0x11F00] =	vst v63  }
0x87: {  	_ =	swait.ge [sflag:s10], $0x1000  }
0x88: {  	[sflag:s10] =	ssyncset.done $0x0  }
0x89: {  	s20 =	sadd.s32 $0x2B80, s19;
	[sflag:s10] =	ssyncadd.s32 $0xFFFFF000  }
0x8a: {  	s5 =	sadd.s32 $0x700, s19  }
0x8b: {  	[tilespmem:s26], [sflag:$0x7] =	stream.indirect.gather [hbm4b:s4+s14], $0x20, s5, s14, $0xb8;
	[tilespmem:$0x11F00] =	vst v63  }
0x8c: {  	_ =	swait.ge [sflag:s11], $0x1000  }
0x8d: {  	[sflag:s11] =	ssyncset.done $0x0  }
0x8e: {  	[sflag:s11] =	ssyncadd.s32 $0xFFFFF000  }
0x8f: {  	[spmem:s2] =	stream.indirect.scatter.add.f32 [tilespmem:s29], [sflag:$0x9], $0x20, s20, s14, $0xb8;
	[tilespmem:$0x11F00] =	vst v63  }
.Ltmp3:
0x90: {  	_ = 	snop;
	(pc) =	sbr.rel .LBB2_2-.Ltmp3, $4  }
0x91: {  	_ =	swait.ge [sflag:s10], $0x1000  }
0x92: {  	[sflag:s10] =	ssyncset.done $0x0  }
0x93: {  	s28 =	sadd.s32 $0x780, s19;
	s17 =	sadd.s32 $0x1000, s17;
	[sflag:s10] =	ssyncadd.s32 $0xFFFFF000  }
0x94: {  	[tilespmem:s29], [sflag:$0x8] =	stream.indirect.gather [hbm4b:s4+s14], $0x20, s28, s14, $0xb8;
	[tilespmem:$0x11F00] =	vst v63  }
.LBB2_5:
0x95: {  	_ =	sfence.sel $0x180000  }
0x96: {  	[bflag:$0x0] =	sbarrier.arrive $0xFFFF  }
0x97: {  	_ =	strace $0x9000004A  }
0x98: {  	s0 =	stileid.u32;
	[bflag:$0x2] =	sbarrier.arrive $0xFFFF  }
0x99: {  	p0 =	sne.s32 s0, $0x0;
	s0 =	rddreg [dreg:$0x2]  }
0x9a: {  	s0 =	sadd.s32 @!p0 $0x100000, s0  }
0x9b: {  	[sflag:s0] =	ssyncadd.tile.s32 @!p0 $0x1;
	_ =	shalt  }
.Lfunc_end2:
_tile_overlayer_lowered:
.L_overlay_start_2:
0x9c: {  	(tag) =	ssettag $0x2  }
0x9d: {  	s0 =	rddreg [dreg:$0x0];
	s2 =	stileid.u32  }
0x9e: {  	s1 =	rddreg [dreg:$0x1];
	p0 =	sne.s32 s2, $0x0  }
0x9f: {  	s3 =	rddreg [dreg:$0x2];
	[bflag:$0x3] =	sbarrier.arrive $0xFFFF;
	s2 =	simm.s32 @!p0 $0x1C09  }
0xa0: {  	[timem:s3], [sflag:s2] =	dma.local @!p0 [hbm:s0], s1  }
0xa1: {  	s0 =	simm.s32 @!p0 $0x9  }
0xa2: {  	_ =	swait.ge @!p0 [sflag:s0], s1  }
0xa3: {  	s1 =	ssub.s32 @!p0 $0x0, s1;
	[sflag:s0] =	ssyncset.done @!p0 $0x0  }
0xa4: {  	[sflag:s0] =	ssyncadd.s32 @!p0 s1  }
0xa5: {  	[bflag:$0x3] =	sbarrier.arrive $0xFFFF  }
0xa6: {  	_ =	shalt  }

// kernel: kernel.14.cloned.1.call-start
scs
__scs_entry_jumppad:
0x0: {  	(pc) =	sbr.rel $0x88, $3  }
0x1: {  	(tag) =	ssettag $0x0;
	lr =	simm.s32 $0x1  }
0x2: {  	[smem:$0x3F94] =	sst lr;
	_ =	strace $0xD0000000  }
0x3: {  	_ = 	snop  }
0x4: {  	_ = 	snop  }
0x5: {  	_ = 	snop  }
0x6: {  	_ = 	snop  }
0x7: {  	_ = 	snop  }
__scs_overlays_trampoline_lowered:
0x8: {  	[smem:$0x3FA3] =	sst s0  }
0x9: {  	[smem:$0x3FA4] =	sst s1  }
0xa: {  	[smem:$0x3FA5] =	sst s2  }
0xb: {  	[smem:$0x3FA6] =	sst s3  }
0xc: {  	[smem:$0x3FA7] =	sst s4  }
0xd: {  	[smem:$0x3FA8] =	sst s5  }
0xe: {  	[smem:$0x3FA9] =	sst s6  }
0xf: {  	[smem:$0x3FAA] =	sst s7  }
0x10: {  	[smem:$0x3FAB] =	sst s8  }
0x11: {  	[smem:$0x3FAC] =	sst s9;
	s0 =	simm.s32 @!p0 $0x0  }
0x12: {  	s1 =	sld [smem:$0x3F92];
	s0 =	simm.s32 @p0 $0x1  }
0x13: {  	[smem:$0x3FAD] =	sst s0;
	s0 =	simm.s32 @!p1 $0x0  }
0x14: {  	s2 =	sld [smem:$0x3F91];
	s0 =	simm.s32 @p1 $0x1  }
0x15: {  	[smem:$0x3FAE] =	sst s0;
	s0 =	simm.s32 @!p2 $0x0  }
0x16: {  	s3 =	sld [smem:$0x3FDB];
	s0 =	simm.s32 @p2 $0x1  }
0x17: {  	s4 =	simm.s32 $0x1BF5;
	[smem:$0x3FB0] =	sst s0  }
0x18: {  	s0 =	sld [smem:$0x3F93];
	_ =	swait.ge [sflag:s4], $0x0  }
0x19: {  	s7 =	sld [smem:$0x3F94]  }
0x1a: {  	s8 =	sadd.s32 $0xFFFFE003, lr  }
0x1b: {  	s9 =	sadd.s32 $0xFFFFFEF7, lr;
	s5 =	simm.s32 $0xFFFFFFFF;
	p2 =	slt.u32 s8, $0xFFFFF086  }
0x1c: {  	p1 =	slt.u32 s9, $0xF7A;
	s5 =	simm.s32 @!p2 $0x0  }
0x1d: {  	s5 =	simm.s32 @p1 $0x1;
	p0 =	seq.s32 s7, s2  }
0x1e: {  	s7 =	smul.u32 @!p0 $0xF7A, s2;
	p2 =	seq.s32 @!p0 s5, $0x0  }
0x1f: {  	s9 =	smul.u32 $0xF7A, s1;
	s8 =	simm.s32 @!p0 $0x1BF5;
	p2 =	por !p2, p0  }
0x20: {  	[sflag:s8] =	ssyncset.s32 @!p0 $0xFFFFF086;
	s6 =	sadd.s32 @!p0 s3, s7;
	s7 =	simm.s32 @!p0 $0x108  }
0x21: {  	s3 =	sadd.s32 s3, s9;
	s6 =	sadd.s32 @!p0 $0x88, s6;
	s7 =	simm.s32 @p2 $0x1082  }
0x22: {  	[simem:s7], [sflag:s8] =	dma.local @!p0 [hbm:s6], $0xF7A  }
0x23: {  	s9 =	sor.u32 $0xD0000000, s2;
	s6 =	simm.s32 $0x108;
	_ =	swait.ge @!p0 [sflag:s8], $0x0  }
0x24: {  	s3 =	sadd.s32 $0x88, s3;
	s6 =	simm.s32 @!p1 $0x1082;
	[sflag:s4] =	ssyncset.s32 $0xFFFFF086  }
0x25: {  	[simem:s6], [sflag:s4] =	dma.local [hbm:s3], $0xF7A  }
0x26: {  	[smem:$0x3F94] =	sst s1;
	(tag) =	ssettag s2;
	_ =	strace s9  }
0x27: {  	s1 =	sld [smem:$0x3FA4]  }
0x28: {  	s2 =	sld [smem:$0x3FA5]  }
0x29: {  	s4 =	sld [smem:$0x3FA7]  }
0x2a: {  	p0 =	seq.s32 s5, $0x0;
	s5 =	sld [smem:$0x3FA8]  }
0x2b: {  	s6 =	sld [smem:$0x3FA9]  }
0x2c: {  	s7 =	sld [smem:$0x3FAA]  }
0x2d: {  	s3 =	simm.s32 $0x108;
	s8 =	sld [smem:$0x3FAB]  }
0x2e: {  	s3 =	simm.s32 @!p0 $0x1082;
	s9 =	sld [smem:$0x3FAC]  }
0x2f: {  	lr =	sadd.s32 s0, s3;
	s0 =	sld [smem:$0x3FA3]  }
0x30: {  	s3 =	sld [smem:$0x3FA6]  }
0x31: {  	[smem:$0x3FAF] =	sst s10  }
0x32: {  	s10 =	sld [smem:$0x3FAD];
	_ =	sdelay $0x3  }
0x33: {  	p0 =	seq.s32 s10, $0x1;
	s10 =	sld [smem:$0x3FAF];
	_ =	sdelay $0x3  }
0x34: {  	[smem:$0x3FAF] =	sst s10  }
0x35: {  	s10 =	sld [smem:$0x3FAE];
	_ =	sdelay $0x3  }
0x36: {  	p1 =	seq.s32 s10, $0x1;
	s10 =	sld [smem:$0x3FAF];
	_ =	sdelay $0x3  }
0x37: {  	[smem:$0x3FAF] =	sst s10  }
0x38: {  	s10 =	sld [smem:$0x3FB0]  }
0x39: {  	_ = 	snop;
	(pc) =	sbr.ind lr, $3  }
0x3a: {  	_ = 	snop  }
0x3b: {  	_ = 	snop  }
0x3c: {  	p2 =	seq.s32 s10, $0x1;
	s10 =	sld [smem:$0x3FAF]  }
0x3d: {  	_ =	shalt  }
0x3e: {  	_ =	shalt  }
0x3f: {  	_ =	shalt  }
0x40: {  	_ =	shalt  }
0x41: {  	_ =	shalt  }
0x42: {  	_ =	shalt  }
0x43: {  	_ =	shalt  }
0x44: {  	_ =	shalt  }
0x45: {  	_ =	shalt  }
0x46: {  	_ =	shalt  }
0x47: {  	_ =	shalt  }
0x48: {  	_ =	shalt  }
0x49: {  	_ =	shalt  }
0x4a: {  	_ =	shalt  }
0x4b: {  	_ =	shalt  }
0x4c: {  	_ =	shalt  }
0x4d: {  	_ =	shalt  }
0x4e: {  	_ =	shalt  }
0x4f: {  	_ =	shalt  }
0x50: {  	_ =	shalt  }
0x51: {  	_ =	shalt  }
0x52: {  	_ =	shalt  }
0x53: {  	_ =	shalt  }
0x54: {  	_ =	shalt  }
0x55: {  	_ =	shalt  }
0x56: {  	_ =	shalt  }
0x57: {  	_ =	shalt  }
0x58: {  	_ =	shalt  }
0x59: {  	_ =	shalt  }
0x5a: {  	_ =	shalt  }
0x5b: {  	_ =	shalt  }
0x5c: {  	_ =	shalt  }
0x5d: {  	_ =	shalt  }
0x5e: {  	_ =	shalt  }
0x5f: {  	_ =	shalt  }
0x60: {  	_ =	shalt  }
0x61: {  	_ =	shalt  }
0x62: {  	_ =	shalt  }
0x63: {  	_ =	shalt  }
0x64: {  	_ =	shalt  }
0x65: {  	_ =	shalt  }
0x66: {  	_ =	shalt  }
0x67: {  	_ =	shalt  }
0x68: {  	_ =	shalt  }
0x69: {  	_ =	shalt  }
0x6a: {  	_ =	shalt  }
0x6b: {  	_ =	shalt  }
0x6c: {  	_ =	shalt  }
0x6d: {  	_ =	shalt  }
0x6e: {  	_ =	shalt  }
0x6f: {  	_ =	shalt  }
0x70: {  	_ =	shalt  }
0x71: {  	_ =	shalt  }
0x72: {  	_ =	shalt  }
0x73: {  	_ =	shalt  }
0x74: {  	_ =	shalt  }
0x75: {  	_ =	shalt  }
0x76: {  	_ =	shalt  }
0x77: {  	_ =	shalt  }
0x78: {  	_ =	shalt  }
0x79: {  	_ =	shalt  }
0x7a: {  	_ =	shalt  }
0x7b: {  	_ =	shalt  }
0x7c: {  	_ =	shalt  }
0x7d: {  	_ =	shalt  }
0x7e: {  	_ =	shalt  }
0x7f: {  	_ =	shalt  }
0x80: {  	_ =	shalt  }
0x81: {  	_ =	shalt  }
0x82: {  	_ =	shalt  }
0x83: {  	_ =	shalt  }
0x84: {  	_ =	shalt  }
0x85: {  	_ =	shalt  }
0x86: {  	_ =	shalt  }
0x87: {  	_ =	shalt  }
.Lfunc_end0:
.L_simem_size_0:
called_computation.2_lowered:
.L_overlay_start_0:
0x88: {  	s2 =	sld [smem:$0x3FD9]  }
0x89: {  	s3 =	sld [smem:$0x3FFE];
	_ =	sdelay $0x1  }
0x8a: {  	s1 =	srdreg.scid  }
0x8b: {  	s0 =	sand.u32 $0x1, s1  }
0x8c: {  	s16 =	sshll.u32 s0, $0xA;
	s2 =	sadd.s32 s3, s2  }
0x8d: {  	s2 =	sadd.s32 s2, s16  }
0x8e: {  	[smem:$0x3FBB] =	sst s2  }
0x8f: {  	_ = 	snop  }
0x90: {  	(tm) =	ssettm $0x1  }
0x91: {  	s17 =	sld [smem:$0x3FFB];
	_ =	sdelay $0x3  }
0x92: {  	_ =	strace s17  }
0x93: {  	s2 =	sld [smem:$0x3FFC];
	_ =	sdelay $0x3  }
0x94: {  	_ =	strace s2  }
0x95: {  	s2 =	sld [smem:$0x3FFD];
	_ =	sdelay $0x3  }
0x96: {  	_ =	strace s2  }
0x97: {  	_ =	strace $0x8FFFFFFF  }
0x98: {  	s18 =	sld [smem:$0x3FDB];
	_ =	sdelay $0x1  }
0x99: {  	s19 =	simm.s32 $_scs_section_size  }
0x9a: {  	s4 =	simm.s32 $_size__tile_overlayer_lowered;
	s5 =	simm.s32 $_tile_overlayer_lowered  }
0x9b: {  	s22 =	simm.s32 $0x1BFF;
	s21 =	sshll.u32 s5, $0x1;
	s2 =	sadd.s32 s19, s18  }
0x9c: {  	s6 =	simm.s32 $0x0;
	s20 =	sshll.u32 s4, $0x1;
	s4 =	sadd.s32 s21, s2  }
0x9d: {  	[timem:s6], [sflag:s22] =	dma.local [hbm:s4], s20  }
0x9e: {  	_ =	swait.ge [sflag:s22], s20  }
0x9f: {  	s3 =	ssub.s32 $0x0, s20;
	[sflag:s22] =	ssyncset.done $0x0  }
0xa0: {  	[sflag:s22] =	ssyncadd.s32 s3;
	_ =	sdelay $0x1  }
0xa1: {  	s23 =	simm.s32 $0x1B8B  }
0xa2: {  	_ =	swait.ge [sflag:s23], $0x1  }
0xa3: {  	[sflag:s23] =	ssyncset.done $0x0  }
0xa4: {  	s25 =	simm.s32 $0x1B8E;
	s24 =	sld [smem:$0x3FFE];
	[sflag:s23] =	ssyncadd.s32 $0xFFFFFFFF  }
0xa5: {  	s26 =	simm.s32 $execute0_lowered;
	[smem:$0x3FD2] =	sst s25  }
0xa6: {  	s4 =	sshll.u32 s26, $0x1;
	_ =	strace $0x8000004C;
	[dreg:$0x1] =	wrdreg $0xFFFFFFFF  }
0xa7: {  	s28 =	simm.s32 $_size_execute0_lowered;
	s2 =	sadd.s32 s2, s4;
	[dreg:$0x0] =	wrdreg $0x0  }
0xa8: {  	s4 =	sshll.u32 s28, $0x1;
	[dreg:$0x2] =	wrdreg s2  }
0xa9: {  	[dreg:$0x3] =	wrdreg s4  }
0xaa: {  	[dreg:$0x4] =	wrdreg $0xC0  }
0xab: {  	_ =	task [dreg:s6], $0x5FFFF  }
0xac: {  	[dreg:$0x1] =	wrdreg $0xFFFFFFFF  }
0xad: {  	[dreg:$0x0] =	wrdreg $0x60  }
0xae: {  	[dreg:$0x2] =	wrdreg s24  }
0xaf: {  	[dreg:$0x3] =	wrdreg $0x150000  }
0xb0: {  	[dreg:$0x4] =	wrdreg $0x9  }
0xb1: {  	_ =	task.clear_ibuf [dreg:s6], $0x5FFFF;
	_ =	strace $0x9000004C  }
0xb2: {  	s29 =	simm.s32 $0x9;
	_ =	strace $0x8000004E  }
0xb3: {  	_ =	swait.ge [sflag:s29], $0x1  }
0xb4: {  	[sflag:s29] =	ssyncadd.s32 $0xFFFFFFFF  }
0xb5: {  	_ =	strace $0x9000004E  }
0xb6: {  	_ =	sfence  }
0xb7: {  	s30 =	sld [smem:$0x0];
	_ =	sdelay $0x2  }
0xb8: {  	s31 =	sshll.u32 s1, $0xD;
	s1 =	sshrl.u32 s1, $0x2  }
0xb9: {  	s3 =	sand.u32 $0x4000, s31;
	s1 =	sadd.s32 s1, s30  }
0xba: {  	s0 =	sor.u32 s3, s0;
	s1 =	sshll.u32 s1, $0x11  }
0xbb: {  	s0 =	sor.u32 s1, s0  }
0xbc: {  	s0 =	sadd.s32 $0x8F2B, s0  }
0xbd: {  	[sflag:s0] =	ssyncadd.remote.s32 $0x1  }
0xbe: {  	_ =	sfence.sel $0xFFFF  }
0xbf: {  	[dreg:$0x0] =	wrdreg $0xFFFFFFFF;
	(pc) =	sbr.abs _section_cstart, $3  }
0xc0: {  	[dreg:$0x1] =	wrdreg $0xFFFFFFFF  }
0xc1: {  	_ =	task.clear_ibuf [dreg:s6], $0x2FFFF;
	_ =	strace $0x9FFFFFFF  }
0xc2: {  	(tm) =	ssettm $0x7FFFFFFF  }
0xc3: {  	_ =	shalt  }
tec
execute0_lowered:
.L_overlay_start_1:
0x0: {  	(tag) =	ssettag $0x1  }
0x1: {  	s0 =	srdreg.scid  }
0x2: {  	s11 =	stileid.u32;
	s5 =	rddreg [dreg:$0x0]  }
0x3: {  	s2 =	rddreg [dreg:$0x1];
	s3 =	simm.s32 $0x0;
	s10 =	simm.s32 $0x9  }
0x4: {  	s14 =	simm.s32 $0x80;
	s15 =	simm.s32 $0x5000;
	s18 =	simm.s32 $0x9000  }
0x5: {  	s22 =	simm.s32 $0xD000;
	s29 =	simm.s32 $0x13000;
	s30 =	simm.s32 $0x1  }
0x6: {  	s31 =	simm.s32 $0x3;
	s16 =	simm.s32 $0x0;
	s0 =	sand.u32 $0x1, s0  }
0x7: {  	s7 =	smul.u32 $0x9E00, s11;
	[smem:$0x7FF] =	sst s3;
	s4 =	sadd.s32 $0x16600, s5  }
0x8: {  	s28 =	sshll.u32 s11, $0x6;
	s1 =	sshll.u32 s0, $0x4;
	s6 =	smul.u32 $0x9E000, s0  }
0x9: {  	_ =	strace $0x8000004D;
	s0 =	ssub.s32 $0x2, s0;
	s12 =	sor.u32 $0x1C09, s28  }
0xa: {  	s1 =	sor.u32 s11, s1;
	s8 =	sshrl.u32 s7, $0x3;
	s24 =	sshrl.u32 s0, $0x1  }
0xb: {  	s26 =	sadd.s32 s7, s2;
	s11 =	simm.s32 $0x8;
	s1 =	smul.u32 $0x500, s1  }
0xc: {  	s6 =	sadd.s32 s7, s6;
	s8 =	sadd.s32 s8, s5;
	s0 =	ssub.s32 s0, s24  }
.Ltmp0:
0xd: {  	s13 =	sshrl.u32 s26, $0x3;
	s26 =	simm.s32 $0x11000;
	(pc) =	sbr.rel .LBB2_1-.Ltmp0, $4  }
0xe: {  	s6 =	sshrl.u32 s6, $0x3;
	s7 =	sadd.s32 $0x2A000, s8;
	s1 =	sadd.s32 s1, s5  }
0xf: {  	s9 =	sadd.s32 s6, s5;
	s25 =	sadd.s32 $0xC600, s1;
	s1 =	sadd.s32 $0x2600, s1  }
0x10: {  	s8 =	sadd.s32 $0x3DC00, s9;
	s9 =	smax.u32 s0, $0x1;
	[dreg:$0x3] =	wrdreg s25  }
0x11: {  	s0 =	simm.s32 $0x7;
	[dreg:$0x4] =	wrdreg s1;
	s1 =	simm.s32 $0x5  }
.LBB2_4:
0x12: {  	_ =	swait.ge [sflag:s11], $0x2000  }
0x13: {  	[sflag:s11] =	ssyncset.done $0x0  }
0x14: {  	[sflag:s11] =	ssyncadd.s32 $0xFFFFE000  }
0x15: {  	[spmem:s2] =	stream.indirect.scatter.add.f32 [tilespmem:s29], [sflag:$0x9], $0x40, s20, s14, $0xb8;
	[tilespmem:$0x1EE00] =	vst v63  }
0x16: {  	_ =	swait.ge [sflag:s10], $0x2000  }
0x17: {  	s16 =	sadd.s32 $0x1, s16;
	[sflag:s10] =	ssyncset.done $0x0  }
0x18: {  	p0 =	sne.s32 s16, s9;
	[sflag:s10] =	ssyncadd.s32 $0xFFFFE000  }
.Ltmp1:
0x19: {  	[bflag:$0x0] =	sbarrier.arrive $0xFFFF;
	(pc) =	sbr.rel @!p0 .LBB2_5-.Ltmp1, $4  }
0x1a: {  	[hbm:s8], [sflag:s12] =	dma.local [spmem:s13], $0x13C0  }
0x1b: {  	_ =	swait.ge [sflag:s10], $0x13C0  }
0x1c: {  	[sflag:s10] =	ssyncset.done $0x0  }
0x1d: {  	[sflag:s10] =	ssyncadd.s32 $0xFFFFEC40  }
.LBB2_1:
0x1e: {  	s5 =	rddreg [dreg:$0x3]  }
0x1f: {  	[tilespmem:s3], [sflag:$0x9] =	stream.linear.gather [hbm4b:s5+s3], $0x2800, $0x38;
	[tilespmem:$0x1EE00] =	vst v63  }
0x20: {  	_ =	swait.ge [sflag:s10], $0x2800  }
0x21: {  	[sflag:s10] =	ssyncset.done $0x0  }
0x22: {  	s6 =	simm.s32 $0x2800;
	s28 =	rddreg [dreg:$0x4];
	[sflag:s10] =	ssyncadd.s32 $0xFFFFD800  }
0x23: {  	[tilespmem:s6], [sflag:$0x9] =	stream.linear.gather [hbm4b:s28+s3], $0x2800, $0x38;
	[tilespmem:$0x1EE00] =	vst v63  }
0x24: {  	_ =	swait.ge [sflag:s10], $0x2800  }
0x25: {  	[sflag:s10] =	ssyncset.done $0x0  }
0x26: {  	[sflag:s10] =	ssyncadd.s32 $0xFFFFD800  }
0x27: {  	[spmem:s13], [sflag:s12] =	dma.local [hbm:s7], $0x13C0  }
0x28: {  	_ =	swait.ge [sflag:s10], $0x13C0  }
0x29: {  	[sflag:s10] =	ssyncset.done $0x0  }
0x2a: {  	[sflag:s10] =	ssyncadd.s32 $0xFFFFEC40  }
0x2b: {  	[bflag:$0x0] =	sbarrier.arrive $0xFFFF  }
0x2c: {  	[tilespmem:s15], [sflag:$0x1] =	stream.indirect.gather [hbm4b:s4+s14], $0x40, s3, s14, $0xb8;
	[tilespmem:$0x1EE00] =	vst v63  }
0x2d: {  	s6 =	simm.s32 $0x7000  }
0x2e: {  	[tilespmem:s6], [sflag:$0x2] =	stream.indirect.gather [hbm4b:s4+s14], $0x40, s14, s14, $0xb8;
	[tilespmem:$0x1EE00] =	vst v63  }
0x2f: {  	s17 =	simm.s32 $0x100  }
0x30: {  	[tilespmem:s18], [sflag:$0x3] =	stream.indirect.gather [hbm4b:s4+s14], $0x40, s17, s14, $0xb8;
	[tilespmem:$0x1EE00] =	vst v63  }
0x31: {  	s19 =	simm.s32 $0x180;
	s20 =	simm.s32 $0xB000  }
0x32: {  	[tilespmem:s20], [sflag:$0x4] =	stream.indirect.gather [hbm4b:s4+s14], $0x40, s19, s14, $0xb8;
	[tilespmem:$0x1EE00] =	vst v63  }
0x33: {  	s21 =	simm.s32 $0x200  }
0x34: {  	[tilespmem:s22], [sflag:$0x5] =	stream.indirect.gather [hbm4b:s4+s14], $0x40, s21, s14, $0xb8;
	[tilespmem:$0x1EE00] =	vst v63  }
0x35: {  	s23 =	simm.s32 $0x280;
	s24 =	simm.s32 $0xF000  }
0x36: {  	[tilespmem:s24], [sflag:$0x6] =	stream.indirect.gather [hbm4b:s4+s14], $0x40, s23, s14, $0xb8;
	[tilespmem:$0x1EE00] =	vst v63  }
0x37: {  	s25 =	simm.s32 $0x300  }
0x38: {  	[tilespmem:s26], [sflag:$0x7] =	stream.indirect.gather [hbm4b:s4+s14], $0x40, s25, s14, $0xb8;
	[tilespmem:$0x1EE00] =	vst v63  }
0x39: {  	s28 =	simm.s32 $0x380;
	s17 =	simm.s32 $0x0  }
0x3a: {  	[tilespmem:s29], [sflag:$0x8] =	stream.indirect.gather [hbm4b:s4+s14], $0x40, s28, s14, $0xb8;
	[tilespmem:$0x1EE00] =	vst v63  }
.LBB2_2:
0x3b: {  	_ =	swait.ge [sflag:s30], $0x2000  }
0x3c: {  	s19 =	sshra.s32 s17, $0x2;
	[sflag:s30] =	ssyncset.done $0x0  }
0x3d: {  	s20 =	sadd.s32 $0x2800, s19;
	[sflag:s30] =	ssyncadd.s32 $0xFFFFE000  }
0x3e: {  	[spmem:s2] =	stream.indirect.scatter.add.f32 [tilespmem:s15], [sflag:$0x9], $0x40, s20, s14, $0xb8;
	[tilespmem:$0x1EE00] =	vst v63  }
0x3f: {  	_ =	swait.ge [sflag:s10], $0x2000  }
0x40: {  	p0 =	seq.s32 s17, $0x9000;
	[sflag:s10] =	ssyncset.done $0x0  }
0x41: {  	s20 =	simm.s32 @p0 $0x2;
	[sflag:s10] =	ssyncadd.s32 $0xFFFFE000  }
0x42: {  	s23 =	sshra.s32 @p0 s17, $0x2;
	_ =	swait.ge @p0 [sflag:s20], $0x2000  }
0x43: {  	s24 =	simm.s32 @p0 $0x80;
	s21 =	simm.s32 @p0 $0x7000;
	[sflag:s20] =	ssyncset.done @p0 $0x0  }
0x44: {  	s25 =	simm.s32 @p0 $0x9;
	[sflag:s20] =	ssyncadd.s32 @p0 $0xFFFFE000;
	s20 =	sadd.s32 @p0 $0x2880, s23  }
0x45: {  	[spmem:s2] =	stream.indirect.scatter.add.f32 @p0 [tilespmem:s21], [sflag:$0x9], $0x40, s20, s24, $0xb8;
	[tilespmem:$0x1EE00] =	vst v63  }
0x46: {  	_ =	swait.ge @p0 [sflag:s25], $0x2000  }
0x47: {  	s5 =	simm.s32 @!p0 $0x5000;
	s20 =	sshra.s32 @!p0 s17, $0x2;
	[sflag:s25] =	ssyncset.done @p0 $0x0  }
0x48: {  	s21 =	simm.s32 @!p0 $0x80;
	s28 =	sadd.s32 @!p0 $0x400, s20;
	[sflag:s25] =	ssyncadd.s32 @p0 $0xFFFFE000  }
0x49: {  	[tilespmem:s5], [sflag:$0x1] =	stream.indirect.gather @!p0 [hbm4b:s4+s21], $0x40, s28, s21, $0xb8;
	[tilespmem:$0x1EE00] =	vst v63  }
0x4a: {  	s5 =	simm.s32 @!p0 $0x2  }
0x4b: {  	_ =	swait.ge @!p0 [sflag:s5], $0x2000  }
0x4c: {  	s6 =	simm.s32 @!p0 $0x7000;
	[sflag:s5] =	ssyncset.done @!p0 $0x0  }
0x4d: {  	s28 =	simm.s32 @!p0 $0x9;
	[sflag:s5] =	ssyncadd.s32 @!p0 $0xFFFFE000;
	s5 =	sadd.s32 @!p0 $0x2880, s20  }
0x4e: {  	[spmem:s2] =	stream.indirect.scatter.add.f32 @!p0 [tilespmem:s6], [sflag:$0x9], $0x40, s5, s21, $0xb8;
	[tilespmem:$0x1EE00] =	vst v63  }
0x4f: {  	_ =	swait.ge @!p0 [sflag:s28], $0x2000  }
0x50: {  	[sflag:s28] =	ssyncset.done @!p0 $0x0  }
0x51: {  	s5 =	sadd.s32 @!p0 $0x480, s20;
	[sflag:s28] =	ssyncadd.s32 @!p0 $0xFFFFE000  }
0x52: {  	[tilespmem:s6], [sflag:$0x2] =	stream.indirect.gather @!p0 [hbm4b:s4+s21], $0x40, s5, s21, $0xb8;
	[tilespmem:$0x1EE00] =	vst v63  }
0x53: {  	_ =	swait.ge [sflag:s31], $0x2000  }
0x54: {  	[sflag:s31] =	ssyncset.done $0x0  }
0x55: {  	s6 =	sadd.s32 $0x2900, s19;
	[sflag:s31] =	ssyncadd.s32 $0xFFFFE000  }
0x56: {  	[spmem:s2] =	stream.indirect.scatter.add.f32 [tilespmem:s18], [sflag:$0x9], $0x40, s6, s14, $0xb8;
	[tilespmem:$0x1EE00] =	vst v63  }
0x57: {  	_ =	swait.ge [sflag:s10], $0x2000  }
0x58: {  	[sflag:s10] =	ssyncset.done $0x0  }
0x59: {  	s5 =	simm.s32 @p0 $0x4;
	[sflag:s10] =	ssyncadd.s32 $0xFFFFE000  }
0x5a: {  	_ =	swait.ge @p0 [sflag:s5], $0x2000  }
0x5b: {  	[sflag:s5] =	ssyncset.done @p0 $0x0  }
0x5c: {  	s6 =	simm.s32 @p0 $0xB000;
	[sflag:s5] =	ssyncadd.s32 @p0 $0xFFFFE000;
	s5 =	sadd.s32 @p0 $0x2980, s23  }
0x5d: {  	[spmem:s2] =	stream.indirect.scatter.add.f32 @p0 [tilespmem:s6], [sflag:$0x9], $0x40, s5, s24, $0xb8;
	[tilespmem:$0x1EE00] =	vst v63  }
0x5e: {  	_ =	swait.ge @p0 [sflag:s25], $0x2000  }
0x5f: {  	[sflag:s25] =	ssyncset.done @p0 $0x0  }
0x60: {  	s5 =	sadd.s32 @!p0 $0x500, s20;
	s6 =	simm.s32 @!p0 $0x9000;
	[sflag:s25] =	ssyncadd.s32 @p0 $0xFFFFE000  }
0x61: {  	[tilespmem:s6], [sflag:$0x3] =	stream.indirect.gather @!p0 [hbm4b:s4+s21], $0x40, s5, s21, $0xb8;
	[tilespmem:$0x1EE00] =	vst v63  }
0x62: {  	s5 =	simm.s32 @!p0 $0x4  }
0x63: {  	_ =	swait.ge @!p0 [sflag:s5], $0x2000  }
0x64: {  	[sflag:s5] =	ssyncset.done @!p0 $0x0  }
0x65: {  	s6 =	simm.s32 @!p0 $0xB000;
	[sflag:s5] =	ssyncadd.s32 @!p0 $0xFFFFE000;
	s5 =	sadd.s32 @!p0 $0x2980, s20  }
0x66: {  	[spmem:s2] =	stream.indirect.scatter.add.f32 @!p0 [tilespmem:s6], [sflag:$0x9], $0x40, s5, s21, $0xb8;
	[tilespmem:$0x1EE00] =	vst v63  }
0x67: {  	_ =	swait.ge @!p0 [sflag:s28], $0x2000  }
0x68: {  	[sflag:s28] =	ssyncset.done @!p0 $0x0  }
0x69: {  	s5 =	sadd.s32 @!p0 $0x580, s20;
	[sflag:s28] =	ssyncadd.s32 @!p0 $0xFFFFE000  }
0x6a: {  	[tilespmem:s6], [sflag:$0x4] =	stream.indirect.gather @!p0 [hbm4b:s4+s21], $0x40, s5, s21, $0xb8;
	[tilespmem:$0x1EE00] =	vst v63  }
0x6b: {  	_ =	swait.ge [sflag:s1], $0x2000  }
0x6c: {  	[sflag:s1] =	ssyncset.done $0x0  }
0x6d: {  	s6 =	sadd.s32 $0x2A00, s19;
	[sflag:s1] =	ssyncadd.s32 $0xFFFFE000  }
0x6e: {  	[spmem:s2] =	stream.indirect.scatter.add.f32 [tilespmem:s22], [sflag:$0x9], $0x40, s6, s14, $0xb8;
	[tilespmem:$0x1EE00] =	vst v63  }
0x6f: {  	_ =	swait.ge [sflag:s10], $0x2000  }
0x70: {  	[sflag:s10] =	ssyncset.done $0x0  }
0x71: {  	s5 =	simm.s32 @p0 $0x6;
	[sflag:s10] =	ssyncadd.s32 $0xFFFFE000  }
0x72: {  	_ =	swait.ge @p0 [sflag:s5], $0x2000  }
0x73: {  	[sflag:s5] =	ssyncset.done @p0 $0x0  }
0x74: {  	s6 =	simm.s32 @p0 $0xF000;
	[sflag:s5] =	ssyncadd.s32 @p0 $0xFFFFE000;
	s5 =	sadd.s32 @p0 $0x2A80, s23  }
0x75: {  	[spmem:s2] =	stream.indirect.scatter.add.f32 @p0 [tilespmem:s6], [sflag:$0x9], $0x40, s5, s24, $0xb8;
	[tilespmem:$0x1EE00] =	vst v63  }
0x76: {  	_ =	swait.ge @p0 [sflag:s25], $0x2000  }
0x77: {  	[sflag:s25] =	ssyncset.done @p0 $0x0  }
0x78: {  	s5 =	sadd.s32 @!p0 $0x600, s20;
	s6 =	simm.s32 @!p0 $0xD000;
	[sflag:s25] =	ssyncadd.s32 @p0 $0xFFFFE000  }
0x79: {  	[tilespmem:s6], [sflag:$0x5] =	stream.indirect.gather @!p0 [hbm4b:s4+s21], $0x40, s5, s21, $0xb8;
	[tilespmem:$0x1EE00] =	vst v63  }
0x7a: {  	s5 =	simm.s32 @!p0 $0x6  }
0x7b: {  	_ =	swait.ge @!p0 [sflag:s5], $0x2000  }
0x7c: {  	[sflag:s5] =	ssyncset.done @!p0 $0x0  }
0x7d: {  	s6 =	simm.s32 @!p0 $0xF000;
	[sflag:s5] =	ssyncadd.s32 @!p0 $0xFFFFE000;
	s5 =	sadd.s32 @!p0 $0x2A80, s20  }
0x7e: {  	[spmem:s2] =	stream.indirect.scatter.add.f32 @!p0 [tilespmem:s6], [sflag:$0x9], $0x40, s5, s21, $0xb8;
	[tilespmem:$0x1EE00] =	vst v63  }
0x7f: {  	_ =	swait.ge @!p0 [sflag:s28], $0x2000  }
0x80: {  	[sflag:s28] =	ssyncset.done @!p0 $0x0  }
0x81: {  	s5 =	sadd.s32 @!p0 $0x680, s20;
	[sflag:s28] =	ssyncadd.s32 @!p0 $0xFFFFE000  }
0x82: {  	[tilespmem:s6], [sflag:$0x6] =	stream.indirect.gather @!p0 [hbm4b:s4+s21], $0x40, s5, s21, $0xb8;
	[tilespmem:$0x1EE00] =	vst v63  }
0x83: {  	_ =	swait.ge [sflag:s0], $0x2000  }
0x84: {  	[sflag:s0] =	ssyncset.done $0x0  }
.Ltmp2:
0x85: {  	s28 =	sadd.s32 $0x2B00, s19;
	[sflag:s0] =	ssyncadd.s32 $0xFFFFE000;
	(pc) =	sbr.rel @p0 .LBB2_4-.Ltmp2, $4  }
0x86: {  	[spmem:s2] =	stream.indirect.scatter.add.f32 [tilespmem:s26], [sflag:$0x9], $0x40, s28, s14, $0xb8;
	[tilespmem:$0x1EE00] =	vst v63  }
0x87: {  	_ =	swait.ge [sflag:s10], $0x2000  }
0x88: {  	[sflag:s10] =	ssyncset.done $0x0  }
0x89: {  	s20 =	sadd.s32 $0x2B80, s19;
	[sflag:s10] =	ssyncadd.s32 $0xFFFFE000  }
0x8a: {  	s5 =	sadd.s32 $0x700, s19  }
0x8b: {  	[tilespmem:s26], [sflag:$0x7] =	stream.indirect.gather [hbm4b:s4+s14], $0x40, s5, s14, $0xb8;
	[tilespmem:$0x1EE00] =	vst v63  }
0x8c: {  	_ =	swait.ge [sflag:s11], $0x2000  }
0x8d: {  	[sflag:s11] =	ssyncset.done $0x0  }
0x8e: {  	[sflag:s11] =	ssyncadd.s32 $0xFFFFE000  }
0x8f: {  	[spmem:s2] =	stream.indirect.scatter.add.f32 [tilespmem:s29], [sflag:$0x9], $0x40, s20, s14, $0xb8;
	[tilespmem:$0x1EE00] =	vst v63  }
.Ltmp3:
0x90: {  	_ = 	snop;
	(pc) =	sbr.rel .LBB2_2-.Ltmp3, $4  }
0x91: {  	_ =	swait.ge [sflag:s10], $0x2000  }
0x92: {  	[sflag:s10] =	ssyncset.done $0x0  }
0x93: {  	s28 =	sadd.s32 $0x780, s19;
	s17 =	sadd.s32 $0x1000, s17;
	[sflag:s10] =	ssyncadd.s32 $0xFFFFE000  }
0x94: {  	[tilespmem:s29], [sflag:$0x8] =	stream.indirect.gather [hbm4b:s4+s14], $0x40, s28, s14, $0xb8;
	[tilespmem:$0x1EE00] =	vst v63  }
.LBB2_5:
0x95: {  	_ =	sfence.sel $0x180000  }
0x96: {  	[bflag:$0x0] =	sbarrier.arrive $0xFFFF  }
0x97: {  	_ =	strace $0x9000004D  }
0x98: {  	s0 =	stileid.u32;
	[bflag:$0x2] =	sbarrier.arrive $0xFFFF  }
0x99: {  	p0 =	sne.s32 s0, $0x0;
	s0 =	rddreg [dreg:$0x2]  }
0x9a: {  	s0 =	sadd.s32 @!p0 $0x100000, s0  }
0x9b: {  	[sflag:s0] =	ssyncadd.tile.s32 @!p0 $0x1;
	_ =	shalt  }
.Lfunc_end2:
_tile_overlayer_lowered:
.L_overlay_start_2:
0x9c: {  	(tag) =	ssettag $0x2  }
0x9d: {  	s0 =	rddreg [dreg:$0x0];
	s2 =	stileid.u32  }
0x9e: {  	s1 =	rddreg [dreg:$0x1];
	p0 =	sne.s32 s2, $0x0  }
0x9f: {  	s3 =	rddreg [dreg:$0x2];
	[bflag:$0x3] =	sbarrier.arrive $0xFFFF;
	s2 =	simm.s32 @!p0 $0x1C09  }
0xa0: {  	[timem:s3], [sflag:s2] =	dma.local @!p0 [hbm:s0], s1  }
0xa1: {  	s0 =	simm.s32 @!p0 $0x9  }
0xa2: {  	_ =	swait.ge @!p0 [sflag:s0], s1  }
0xa3: {  	s1 =	ssub.s32 @!p0 $0x0, s1;
	[sflag:s0] =	ssyncset.done @!p0 $0x0  }
0xa4: {  	[sflag:s0] =	ssyncadd.s32 @!p0 s1  }
0xa5: {  	[bflag:$0x3] =	sbarrier.arrive $0xFFFF  }
0xa6: {  	_ =	shalt  }

// kernel: kernel.8.cloned.1.call-start
scs
__scs_entry_jumppad:
0x0: {  	(pc) =	sbr.rel $0x88, $3  }
0x1: {  	(tag) =	ssettag $0x0;
	lr =	simm.s32 $0x1  }
0x2: {  	[smem:$0x3F94] =	sst lr;
	_ =	strace $0xD0000000  }
0x3: {  	_ = 	snop  }
0x4: {  	_ = 	snop  }
0x5: {  	_ = 	snop  }
0x6: {  	_ = 	snop  }
0x7: {  	_ = 	snop  }
__scs_overlays_trampoline_lowered:
0x8: {  	[smem:$0x3FA3] =	sst s0  }
0x9: {  	[smem:$0x3FA4] =	sst s1  }
0xa: {  	[smem:$0x3FA5] =	sst s2  }
0xb: {  	[smem:$0x3FA6] =	sst s3  }
0xc: {  	[smem:$0x3FA7] =	sst s4  }
0xd: {  	[smem:$0x3FA8] =	sst s5  }
0xe: {  	[smem:$0x3FA9] =	sst s6  }
0xf: {  	[smem:$0x3FAA] =	sst s7  }
0x10: {  	[smem:$0x3FAB] =	sst s8  }
0x11: {  	[smem:$0x3FAC] =	sst s9;
	s0 =	simm.s32 @!p0 $0x0  }
0x12: {  	s1 =	sld [smem:$0x3F92];
	s0 =	simm.s32 @p0 $0x1  }
0x13: {  	[smem:$0x3FAD] =	sst s0;
	s0 =	simm.s32 @!p1 $0x0  }
0x14: {  	s2 =	sld [smem:$0x3F91];
	s0 =	simm.s32 @p1 $0x1  }
0x15: {  	[smem:$0x3FAE] =	sst s0;
	s0 =	simm.s32 @!p2 $0x0  }
0x16: {  	s3 =	sld [smem:$0x3FDB];
	s0 =	simm.s32 @p2 $0x1  }
0x17: {  	s4 =	simm.s32 $0x1BF5;
	[smem:$0x3FB0] =	sst s0  }
0x18: {  	s0 =	sld [smem:$0x3F93];
	_ =	swait.ge [sflag:s4], $0x0  }
0x19: {  	s7 =	sld [smem:$0x3F94]  }
0x1a: {  	s8 =	sadd.s32 $0xFFFFE003, lr  }
0x1b: {  	s9 =	sadd.s32 $0xFFFFFEF7, lr;
	s5 =	simm.s32 $0xFFFFFFFF;
	p2 =	slt.u32 s8, $0xFFFFF086  }
0x1c: {  	p1 =	slt.u32 s9, $0xF7A;
	s5 =	simm.s32 @!p2 $0x0  }
0x1d: {  	s5 =	simm.s32 @p1 $0x1;
	p0 =	seq.s32 s7, s2  }
0x1e: {  	s7 =	smul.u32 @!p0 $0xF7A, s2;
	p2 =	seq.s32 @!p0 s5, $0x0  }
0x1f: {  	s9 =	smul.u32 $0xF7A, s1;
	s8 =	simm.s32 @!p0 $0x1BF5;
	p2 =	por !p2, p0  }
0x20: {  	[sflag:s8] =	ssyncset.s32 @!p0 $0xFFFFF086;
	s6 =	sadd.s32 @!p0 s3, s7;
	s7 =	simm.s32 @!p0 $0x108  }
0x21: {  	s3 =	sadd.s32 s3, s9;
	s6 =	sadd.s32 @!p0 $0x88, s6;
	s7 =	simm.s32 @p2 $0x1082  }
0x22: {  	[simem:s7], [sflag:s8] =	dma.local @!p0 [hbm:s6], $0xF7A  }
0x23: {  	s9 =	sor.u32 $0xD0000000, s2;
	s6 =	simm.s32 $0x108;
	_ =	swait.ge @!p0 [sflag:s8], $0x0  }
0x24: {  	s3 =	sadd.s32 $0x88, s3;
	s6 =	simm.s32 @!p1 $0x1082;
	[sflag:s4] =	ssyncset.s32 $0xFFFFF086  }
0x25: {  	[simem:s6], [sflag:s4] =	dma.local [hbm:s3], $0xF7A  }
0x26: {  	[smem:$0x3F94] =	sst s1;
	(tag) =	ssettag s2;
	_ =	strace s9  }
0x27: {  	s1 =	sld [smem:$0x3FA4]  }
0x28: {  	s2 =	sld [smem:$0x3FA5]  }
0x29: {  	s4 =	sld [smem:$0x3FA7]  }
0x2a: {  	p0 =	seq.s32 s5, $0x0;
	s5 =	sld [smem:$0x3FA8]  }
0x2b: {  	s6 =	sld [smem:$0x3FA9]  }
0x2c: {  	s7 =	sld [smem:$0x3FAA]  }
0x2d: {  	s3 =	simm.s32 $0x108;
	s8 =	sld [smem:$0x3FAB]  }
0x2e: {  	s3 =	simm.s32 @!p0 $0x1082;
	s9 =	sld [smem:$0x3FAC]  }
0x2f: {  	lr =	sadd.s32 s0, s3;
	s0 =	sld [smem:$0x3FA3]  }
0x30: {  	s3 =	sld [smem:$0x3FA6]  }
0x31: {  	[smem:$0x3FAF] =	sst s10  }
0x32: {  	s10 =	sld [smem:$0x3FAD];
	_ =	sdelay $0x3  }
0x33: {  	p0 =	seq.s32 s10, $0x1;
	s10 =	sld [smem:$0x3FAF];
	_ =	sdelay $0x3  }
0x34: {  	[smem:$0x3FAF] =	sst s10  }
0x35: {  	s10 =	sld [smem:$0x3FAE];
	_ =	sdelay $0x3  }
0x36: {  	p1 =	seq.s32 s10, $0x1;
	s10 =	sld [smem:$0x3FAF];
	_ =	sdelay $0x3  }
0x37: {  	[smem:$0x3FAF] =	sst s10  }
0x38: {  	s10 =	sld [smem:$0x3FB0]  }
0x39: {  	_ = 	snop;
	(pc) =	sbr.ind lr, $3  }
0x3a: {  	_ = 	snop  }
0x3b: {  	_ = 	snop  }
0x3c: {  	p2 =	seq.s32 s10, $0x1;
	s10 =	sld [smem:$0x3FAF]  }
0x3d: {  	_ =	shalt  }
0x3e: {  	_ =	shalt  }
0x3f: {  	_ =	shalt  }
0x40: {  	_ =	shalt  }
0x41: {  	_ =	shalt  }
0x42: {  	_ =	shalt  }
0x43: {  	_ =	shalt  }
0x44: {  	_ =	shalt  }
0x45: {  	_ =	shalt  }
0x46: {  	_ =	shalt  }
0x47: {  	_ =	shalt  }
0x48: {  	_ =	shalt  }
0x49: {  	_ =	shalt  }
0x4a: {  	_ =	shalt  }
0x4b: {  	_ =	shalt  }
0x4c: {  	_ =	shalt  }
0x4d: {  	_ =	shalt  }
0x4e: {  	_ =	shalt  }
0x4f: {  	_ =	shalt  }
0x50: {  	_ =	shalt  }
0x51: {  	_ =	shalt  }
0x52: {  	_ =	shalt  }
0x53: {  	_ =	shalt  }
0x54: {  	_ =	shalt  }
0x55: {  	_ =	shalt  }
0x56: {  	_ =	shalt  }
0x57: {  	_ =	shalt  }
0x58: {  	_ =	shalt  }
0x59: {  	_ =	shalt  }
0x5a: {  	_ =	shalt  }
0x5b: {  	_ =	shalt  }
0x5c: {  	_ =	shalt  }
0x5d: {  	_ =	shalt  }
0x5e: {  	_ =	shalt  }
0x5f: {  	_ =	shalt  }
0x60: {  	_ =	shalt  }
0x61: {  	_ =	shalt  }
0x62: {  	_ =	shalt  }
0x63: {  	_ =	shalt  }
0x64: {  	_ =	shalt  }
0x65: {  	_ =	shalt  }
0x66: {  	_ =	shalt  }
0x67: {  	_ =	shalt  }
0x68: {  	_ =	shalt  }
0x69: {  	_ =	shalt  }
0x6a: {  	_ =	shalt  }
0x6b: {  	_ =	shalt  }
0x6c: {  	_ =	shalt  }
0x6d: {  	_ =	shalt  }
0x6e: {  	_ =	shalt  }
0x6f: {  	_ =	shalt  }
0x70: {  	_ =	shalt  }
0x71: {  	_ =	shalt  }
0x72: {  	_ =	shalt  }
0x73: {  	_ =	shalt  }
0x74: {  	_ =	shalt  }
0x75: {  	_ =	shalt  }
0x76: {  	_ =	shalt  }
0x77: {  	_ =	shalt  }
0x78: {  	_ =	shalt  }
0x79: {  	_ =	shalt  }
0x7a: {  	_ =	shalt  }
0x7b: {  	_ =	shalt  }
0x7c: {  	_ =	shalt  }
0x7d: {  	_ =	shalt  }
0x7e: {  	_ =	shalt  }
0x7f: {  	_ =	shalt  }
0x80: {  	_ =	shalt  }
0x81: {  	_ =	shalt  }
0x82: {  	_ =	shalt  }
0x83: {  	_ =	shalt  }
0x84: {  	_ =	shalt  }
0x85: {  	_ =	shalt  }
0x86: {  	_ =	shalt  }
0x87: {  	_ =	shalt  }
.Lfunc_end0:
.L_simem_size_0:
called_computation_lowered:
.L_overlay_start_0:
0x88: {  	s2 =	sld [smem:$0x3FD9]  }
0x89: {  	s3 =	sld [smem:$0x3FFE];
	_ =	sdelay $0x1  }
0x8a: {  	s1 =	srdreg.scid  }
0x8b: {  	s0 =	sand.u32 $0x1, s1  }
0x8c: {  	s16 =	sshll.u32 s0, $0xA;
	s2 =	sadd.s32 s3, s2  }
0x8d: {  	s2 =	sadd.s32 s2, s16  }
0x8e: {  	[smem:$0x3FBB] =	sst s2  }
0x8f: {  	_ = 	snop  }
0x90: {  	(tm) =	ssettm $0x1  }
0x91: {  	s17 =	sld [smem:$0x3FFB];
	_ =	sdelay $0x3  }
0x92: {  	_ =	strace s17  }
0x93: {  	s2 =	sld [smem:$0x3FFC];
	_ =	sdelay $0x3  }
0x94: {  	_ =	strace s2  }
0x95: {  	s2 =	sld [smem:$0x3FFD];
	_ =	sdelay $0x3  }
0x96: {  	_ =	strace s2  }
0x97: {  	_ =	strace $0x8FFFFFFF  }
0x98: {  	s18 =	sld [smem:$0x3FDB];
	_ =	sdelay $0x1  }
0x99: {  	s19 =	simm.s32 $_scs_section_size  }
0x9a: {  	s4 =	simm.s32 $_size__tile_overlayer_lowered;
	s5 =	simm.s32 $_tile_overlayer_lowered  }
0x9b: {  	s22 =	simm.s32 $0x1BFF;
	s21 =	sshll.u32 s5, $0x1;
	s2 =	sadd.s32 s19, s18  }
0x9c: {  	s6 =	simm.s32 $0x0;
	s20 =	sshll.u32 s4, $0x1;
	s4 =	sadd.s32 s21, s2  }
0x9d: {  	[timem:s6], [sflag:s22] =	dma.local [hbm:s4], s20  }
0x9e: {  	_ =	swait.ge [sflag:s22], s20  }
0x9f: {  	s3 =	ssub.s32 $0x0, s20;
	[sflag:s22] =	ssyncset.done $0x0  }
0xa0: {  	[sflag:s22] =	ssyncadd.s32 s3;
	_ =	sdelay $0x1  }
0xa1: {  	s23 =	simm.s32 $0x1B8B  }
0xa2: {  	_ =	swait.ge [sflag:s23], $0x1  }
0xa3: {  	[sflag:s23] =	ssyncset.done $0x0  }
0xa4: {  	s25 =	simm.s32 $0x1B8E;
	s24 =	sld [smem:$0x3FFE];
	[sflag:s23] =	ssyncadd.s32 $0xFFFFFFFF  }
0xa5: {  	s26 =	simm.s32 $execute0_lowered;
	[smem:$0x3FD2] =	sst s25  }
0xa6: {  	s4 =	sshll.u32 s26, $0x1;
	_ =	strace $0x80000046;
	[dreg:$0x1] =	wrdreg $0xFFFFFFFF  }
0xa7: {  	s28 =	simm.s32 $_size_execute0_lowered;
	s2 =	sadd.s32 s2, s4;
	[dreg:$0x0] =	wrdreg $0x0  }
0xa8: {  	s4 =	sshll.u32 s28, $0x1;
	[dreg:$0x2] =	wrdreg s2  }
0xa9: {  	[dreg:$0x3] =	wrdreg s4  }
0xaa: {  	[dreg:$0x4] =	wrdreg $0xC0  }
0xab: {  	_ =	task [dreg:s6], $0x5FFFF  }
0xac: {  	[dreg:$0x1] =	wrdreg $0xFFFFFFFF  }
0xad: {  	[dreg:$0x0] =	wrdreg $0x60  }
0xae: {  	[dreg:$0x2] =	wrdreg s24  }
0xaf: {  	[dreg:$0x3] =	wrdreg $0x38000  }
0xb0: {  	[dreg:$0x4] =	wrdreg $0x9  }
0xb1: {  	_ =	task.clear_ibuf [dreg:s6], $0x5FFFF;
	_ =	strace $0x90000046  }
0xb2: {  	s29 =	simm.s32 $0x9;
	_ =	strace $0x80000048  }
0xb3: {  	_ =	swait.ge [sflag:s29], $0x1  }
0xb4: {  	[sflag:s29] =	ssyncadd.s32 $0xFFFFFFFF  }
0xb5: {  	_ =	strace $0x90000048  }
0xb6: {  	_ =	sfence  }
0xb7: {  	s30 =	sld [smem:$0x0];
	_ =	sdelay $0x2  }
0xb8: {  	s31 =	sshll.u32 s1, $0xD;
	s1 =	sshrl.u32 s1, $0x2  }
0xb9: {  	s3 =	sand.u32 $0x4000, s31;
	s1 =	sadd.s32 s1, s30  }
0xba: {  	s0 =	sor.u32 s3, s0;
	s1 =	sshll.u32 s1, $0x11  }
0xbb: {  	s0 =	sor.u32 s1, s0  }
0xbc: {  	s0 =	sadd.s32 $0x8F2B, s0  }
0xbd: {  	[sflag:s0] =	ssyncadd.remote.s32 $0x1  }
0xbe: {  	_ =	sfence.sel $0xFFFF  }
0xbf: {  	[dreg:$0x0] =	wrdreg $0xFFFFFFFF;
	(pc) =	sbr.abs _section_cstart, $3  }
0xc0: {  	[dreg:$0x1] =	wrdreg $0xFFFFFFFF  }
0xc1: {  	_ =	task.clear_ibuf [dreg:s6], $0x2FFFF;
	_ =	strace $0x9FFFFFFF  }
0xc2: {  	(tm) =	ssettm $0x7FFFFFFF  }
0xc3: {  	_ =	shalt  }
tec
execute0_lowered:
.L_overlay_start_1:
0x0: {  	(tag) =	ssettag $0x1  }
0x1: {  	s6 =	rddreg [dreg:$0x0]  }
0x2: {  	s0 =	srdreg.scid;
	s2 =	rddreg [dreg:$0x1]  }
0x3: {  	s3 =	simm.s32 $0x0;
	s5 =	sand.u32 $0x1, s0;
	s0 =	stileid.u32  }
0x4: {  	s13 =	simm.s32 $0x80;
	s14 =	simm.s32 $0x0;
	s7 =	smul.u32 $0x4F00, s0  }
0x5: {  	[smem:$0x7FF] =	sst s3;
	s1 =	sshll.u32 s5, $0x4;
	s8 =	smul.u32 $0x4F000, s5  }
0x6: {  	s5 =	ssub.s32 $0x2, s5;
	s31 =	sshll.u32 s0, $0x6;
	s1 =	sor.u32 s0, s1  }
0x7: {  	s11 =	sshrl.u32 s5, $0x1;
	s4 =	smul.u32 $0x500, s1;
	s1 =	rddreg [dreg:$0x2]  }
0x8: {  	_ =	strace $0x80000047;
	s8 =	sadd.s32 s7, s8;
	s10 =	sshrl.u32 s7, $0x3  }
0x9: {  	s11 =	ssub.s32 s5, s11;
	s12 =	sadd.s32 s7, s2;
	s8 =	sshrl.u32 s8, $0x3  }
0xa: {  	s10 =	sadd.s32 s10, s6;
	s12 =	sshrl.u32 s12, $0x3;
	s9 =	sadd.s32 s4, s6  }
0xb: {  	s4 =	sadd.s32 $0x20400, s6;
	s8 =	sadd.s32 s8, s6;
	s6 =	sadd.s32 $0x16600, s10  }
0xc: {  	s10 =	simm.s32 $0x1;
	s5 =	sadd.s32 $0x2600, s9;
	s7 =	sadd.s32 $0x20600, s8  }
0xd: {  	s8 =	smax.u32 s11, $0x1;
	s9 =	simm.s32 $0x2800;
	s11 =	sor.u32 $0x1C01, s31  }
.LBB2_1:
0xe: {  	[tilespmem:s9], [sflag:$0x1] =	stream.linear.gather [hbm4b:s4+s3], $0x1000, $0x38;
	[tilespmem:$0x8700] =	vst v63  }
0xf: {  	_ =	swait.ge [sflag:s10], $0x1000  }
0x10: {  	[sflag:s10] =	ssyncset.done $0x0  }
0x11: {  	[sflag:s10] =	ssyncadd.s32 $0xFFFFF000  }
0x12: {  	[tilespmem:s3], [sflag:$0x1] =	stream.linear.gather [hbm4b:s5+s3], $0x2800, $0x38;
	[tilespmem:$0x8700] =	vst v63  }
0x13: {  	_ =	swait.ge [sflag:s10], $0x2800  }
0x14: {  	[sflag:s10] =	ssyncset.done $0x0  }
0x15: {  	[sflag:s10] =	ssyncadd.s32 $0xFFFFD800  }
0x16: {  	[spmem:s12], [sflag:s11] =	dma.local [hbm:s6], $0x9E0  }
0x17: {  	_ =	swait.ge [sflag:s10], $0x9E0  }
0x18: {  	[sflag:s10] =	ssyncset.done $0x0  }
0x19: {  	[sflag:s10] =	ssyncadd.s32 $0xFFFFF620  }
0x1a: {  	s15 =	simm.s32 $0x0;
	[bflag:$0x0] =	sbarrier.arrive $0xFFFF  }
0x1b: {  	[spmem:s2] =	stream.indirect.scatter.add.f32 [tilespmem:s9], [sflag:$0x1], $0x20, s15, s13, $0xb8;
	[tilespmem:$0x8700] =	vst v63  }
0x1c: {  	_ =	swait.ge [sflag:s10], $0x1000  }
0x1d: {  	s15 =	simm.s32 $0x200;
	[sflag:s10] =	ssyncset.done $0x0  }
.LBB2_2:
0x1e: {  	s16 =	sshra.s32 s15, $0x2;
	[sflag:s10] =	ssyncadd.s32 $0xFFFFF000;
	p0 =	sne.s32 s15, $0x9E00  }
0x1f: {  	[spmem:s2] =	stream.indirect.scatter.add.f32 [tilespmem:s9], [sflag:$0x1], $0x20, s16, s13, $0xb8;
	[tilespmem:$0x8700] =	vst v63  }
.Ltmp0:
0x20: {  	_ = 	snop;
	(pc) =	sbr.rel @p0 .LBB2_2-.Ltmp0, $4  }
0x21: {  	_ = 	snop  }
0x22: {  	s15 =	sadd.s32 $0x200, s15  }
0x23: {  	_ =	swait.ge [sflag:s10], $0x1000  }
0x24: {  	[sflag:s10] =	ssyncset.done $0x0  }
0x25: {  	s14 =	sadd.s32 $0x1, s14  }
0x26: {  	[sflag:s10] =	ssyncadd.s32 $0xFFFFF000;
	p0 =	sne.s32 s14, s8  }
.Ltmp1:
0x27: {  	[bflag:$0x0] =	sbarrier.arrive $0xFFFF;
	(pc) =	sbr.rel @p0 .LBB2_1-.Ltmp1, $4  }
0x28: {  	[hbm:s7], [sflag:s11] =	dma.local [spmem:s12], $0x9E0  }
0x29: {  	_ =	swait.ge [sflag:s10], $0x9E0  }
0x2a: {  	[sflag:s10] =	ssyncset.done $0x0  }
0x2b: {  	[sflag:s10] =	ssyncadd.s32 $0xFFFFF620  }
0x2c: {  	_ =	sfence.sel $0x180000  }
0x2d: {  	[bflag:$0x0] =	sbarrier.arrive $0xFFFF  }
0x2e: {  	p0 =	sne.s32 s0, $0x0;
	_ =	strace $0x90000047  }
0x2f: {  	s0 =	sadd.s32 @!p0 $0x100000, s1;
	[bflag:$0x2] =	sbarrier.arrive $0xFFFF  }
0x30: {  	[sflag:s0] =	ssyncadd.tile.s32 @!p0 $0x1;
	_ =	shalt  }
.Lfunc_end2:
_tile_overlayer_lowered:
.L_overlay_start_2:
0x31: {  	(tag) =	ssettag $0x2  }
0x32: {  	s0 =	rddreg [dreg:$0x0];
	s2 =	stileid.u32  }
0x33: {  	s1 =	rddreg [dreg:$0x1];
	p0 =	sne.s32 s2, $0x0  }
0x34: {  	s3 =	rddreg [dreg:$0x2];
	[bflag:$0x3] =	sbarrier.arrive $0xFFFF;
	s2 =	simm.s32 @!p0 $0x1C01  }
0x35: {  	[timem:s3], [sflag:s2] =	dma.local @!p0 [hbm:s0], s1  }
0x36: {  	s0 =	simm.s32 @!p0 $0x1  }
0x37: {  	_ =	swait.ge @!p0 [sflag:s0], s1  }
0x38: {  	s1 =	ssub.s32 @!p0 $0x0, s1;
	[sflag:s0] =	ssyncset.done @!p0 $0x0  }
0x39: {  	[sflag:s0] =	ssyncadd.s32 @!p0 s1  }
0x3a: {  	[bflag:$0x3] =	sbarrier.arrive $0xFFFF  }
0x3b: {  	_ =	shalt  }

</sc_bundles>
